<compile_context>
chip_gen: v7x
topology: tpu7x:2x2x1
jax: 0.10.2.dev20260603
libtpu: 0.0.44.dev20260713+nightly
codegen_flags: <defaults>
</compile_context>

<pallas_src>
import functools

import jax
import jax.numpy as jnp
from jax import lax
from jax.experimental import pallas as pl
from jax.experimental.pallas import tpu as pltpu
from jax.experimental.pallas import tpu_sc as plsc

N = 10000
E = 160000
IN = 256
H = 512

NC = 2
NS = 16
L = 16

K = 128
E_SELF = E + N
PER_TILE = 10752
E_PAD = PER_TILE * NS
NB = PER_TILE // K
NCH = 3
CH = NB // NCH
DEG_PER_TILE = E_PAD // (NC * NS)
DEG_VECS = DEG_PER_TILE // L
ACC_ROWS = 10112
DUMMY_ROW = ACC_ROWS - 1
ZSTRIPE = ACC_ROWS // NS
OSTRIPE = 624
MBLK = 1000
NQ = 4

@functools.cache
def _mesh():
    return plsc.VectorSubcoreMesh(
        core_axis_name="c", subcore_axis_name="s",
        num_cores=NC, num_subcores=NS)


_SC_PARAMS = pltpu.CompilerParams(needs_layout_passes=False)


def _deg_body(cols_hbm, degpart_hbm, cbuf, hist, sem):
    c = lax.axis_index("c")
    s = lax.axis_index("s")
    wid = s * NC + c
    pltpu.async_copy(cols_hbm.at[wid], cbuf, sem).wait()
    zeros16 = jnp.zeros((L,), jnp.float32)
    ones16 = jnp.ones((L,), jnp.float32)

    @pl.loop(0, ACC_ROWS // L)
    def _zero(i):
        hist[pl.ds(i * L, L)] = zeros16

    @pl.loop(0, DEG_VECS)
    def _scat(i):
        idx = cbuf[i, :]
        plsc.addupdate_scatter(hist, [idx], ones16)

    pltpu.async_copy(hist, degpart_hbm.at[wid, 0], sem).wait()


def _deg_call(cols3d):
    return pl.kernel(
        _deg_body,
        out_type=jax.ShapeDtypeStruct((NC * NS, 1, ACC_ROWS), jnp.float32),
        mesh=_mesh(),
        compiler_params=_SC_PARAMS,
        scratch_types=[
            pltpu.VMEM((DEG_VECS, L), jnp.int32),
            pltpu.VMEM((ACC_ROWS,), jnp.float32),
            pltpu.SemaphoreType.DMA,
        ],
    )(cols3d)


def _agg_body(y_hbm, rows_hbm, cols_hbm, out_hbm,
              rbuf, cbuf, gbuf0, gbuf1, acc, gsem0, gsem1, ssem0, ssem1,
              csem):
    c = lax.axis_index("c")
    s = lax.axis_index("s")
    pltpu.async_copy(rows_hbm.at[s, 0], rbuf, csem).wait()
    zeros16 = jnp.zeros((L,), jnp.float32)

    for p in range(2):
        q = c * 2 + p

        @pl.loop(0, K)
        def _zg(i):
            for jj in range(128 // L):
                gbuf0[i, pl.ds(jj * L, L)] = zeros16

        for rb in range(ZSTRIPE // K):
            pltpu.async_copy(
                gbuf0, acc.at[pl.ds(s * ZSTRIPE + rb * K, K)], csem).wait()
        _zrem = ZSTRIPE % K
        if _zrem:
            pltpu.async_copy(
                gbuf0.at[pl.ds(0, _zrem)],
                acc.at[pl.ds(s * ZSTRIPE + ZSTRIPE - _zrem, _zrem)],
                csem).wait()
        plsc.subcore_barrier()

        def _ridx(j):
            return rbuf.at[pl.ds(j * K, K)]

        pltpu.async_copy(y_hbm.at[q].at[_ridx(0)], gbuf0, gsem0)

        @pl.loop(0, NCH)
        def _chunk(ch):
            pltpu.async_copy(cols_hbm.at[s, ch], cbuf, csem).wait()

            @pl.loop(0, CH // 2)
            def _edges(kk):
                j0 = ch * CH + 2 * kk
                jj0 = 2 * kk
                pltpu.async_copy(y_hbm.at[q].at[_ridx(j0 + 1)], gbuf1,
                                 gsem1)
                pltpu.make_async_copy(y_hbm.at[q].at[_ridx(j0)], gbuf0,
                                      gsem0).wait()
                pltpu.async_copy(gbuf0, acc.at[cbuf.at[jj0]], ssem0,
                                 add=True).wait()

                @pl.when(j0 + 2 < NB)
                def _pref():
                    pltpu.async_copy(y_hbm.at[q].at[_ridx(j0 + 2)], gbuf0,
                                     gsem0)

                pltpu.make_async_copy(y_hbm.at[q].at[_ridx(j0 + 1)], gbuf1,
                                      gsem1).wait()
                pltpu.async_copy(gbuf1, acc.at[cbuf.at[jj0 + 1]], ssem1,
                                 add=True).wait()

        plsc.subcore_barrier()
        pltpu.async_copy(
            acc.at[pl.ds(s * OSTRIPE, OSTRIPE)],
            out_hbm.at[q, pl.ds(s * OSTRIPE, OSTRIPE)], csem).wait()

        @pl.when(s == 0)
        def _tail():
            pltpu.async_copy(
                acc.at[pl.ds(NS * OSTRIPE, N - NS * OSTRIPE)],
                out_hbm.at[q, pl.ds(NS * OSTRIPE, N - NS * OSTRIPE)],
                csem).wait()

        plsc.subcore_barrier()


def _agg_call(yq, rows3d, cols3d):
    return pl.kernel(
        _agg_body,
        out_type=jax.ShapeDtypeStruct((NQ, N, 128), jnp.float32),
        mesh=_mesh(),
        compiler_params=_SC_PARAMS,
        scratch_types=[
            pltpu.VMEM((PER_TILE,), jnp.int32),
            pltpu.VMEM((CH, K), jnp.int32),
            pltpu.VMEM((K, 128), jnp.float32),
            pltpu.VMEM((K, 128), jnp.float32),
            pltpu.VMEM_SHARED((ACC_ROWS, 128), jnp.float32),
            pltpu.SemaphoreType.DMA,
            pltpu.SemaphoreType.DMA,
            pltpu.SemaphoreType.DMA,
            pltpu.SemaphoreType.DMA,
            pltpu.SemaphoreType.DMA,
        ],
    )(yq, rows3d, cols3d)


def _dinv_body(degpart_ref, dinv_ref):
    deg = jnp.sum(degpart_ref[...], axis=0)[:N]
    dinv_ref[...] = lax.rsqrt(deg)[:, None]


def _dinv_call(degpart):
    return pl.pallas_call(
        _dinv_body,
        out_shape=jax.ShapeDtypeStruct((N, 1), jnp.float32),
    )(degpart)


def _mm1_body(x_ref, w_ref, dinv_ref, out_ref):
    y = dinv_ref[...] * jnp.dot(x_ref[...], w_ref[...],
                                preferred_element_type=jnp.float32)
    for qi in range(NQ):
        out_ref[qi] = y[:, qi * 128:(qi + 1) * 128]


def _mm1_call(x, w1, dinv):
    return pl.pallas_call(
        _mm1_body,
        grid=(N // MBLK,),
        in_specs=[
            pl.BlockSpec((MBLK, IN), lambda m: (m, 0)),
            pl.BlockSpec((IN, H), lambda m: (0, 0)),
            pl.BlockSpec((MBLK, 1), lambda m: (m, 0)),
        ],
        out_specs=pl.BlockSpec((NQ, MBLK, 128), lambda m: (0, m, 0)),
        out_shape=jax.ShapeDtypeStruct((NQ, N, 128), jnp.float32),
    )(x, w1, dinv)


def _mm2_body(agg_ref, w_ref, dinv_ref, b_ref, a_ref, out_ref):
    aggfull = jnp.concatenate([agg_ref[qi] for qi in range(NQ)], axis=1)
    dinv = dinv_ref[...]
    t = dinv * aggfull + b_ref[...]
    h = jnp.where(t > 0, t, a_ref[...] * t)
    y = dinv * jnp.dot(h, w_ref[...], preferred_element_type=jnp.float32)
    for qi in range(NQ):
        out_ref[qi] = y[:, qi * 128:(qi + 1) * 128]


def _mm2_call(agg, w2, dinv, b1, a1):
    return pl.pallas_call(
        _mm2_body,
        grid=(N // MBLK,),
        in_specs=[
            pl.BlockSpec((NQ, MBLK, 128), lambda m: (0, m, 0)),
            pl.BlockSpec((H, H), lambda m: (0, 0)),
            pl.BlockSpec((MBLK, 1), lambda m: (m, 0)),
            pl.BlockSpec((1, H), lambda m: (0, 0)),
            pl.BlockSpec((1, H), lambda m: (0, 0)),
        ],
        out_specs=pl.BlockSpec((NQ, MBLK, 128), lambda m: (0, m, 0)),
        out_shape=jax.ShapeDtypeStruct((NQ, N, 128), jnp.float32),
    )(agg, w2, dinv, b1, a1)


def _fin_body(agg_ref, dinv_ref, b_ref, a_ref, out_ref):
    aggfull = jnp.concatenate([agg_ref[qi] for qi in range(NQ)], axis=1)
    t = dinv_ref[...] * aggfull + b_ref[...]
    out_ref[...] = jnp.where(t > 0, t, a_ref[...] * t)


def _fin_call(agg, dinv, b2, a2):
    return pl.pallas_call(
        _fin_body,
        grid=(N // MBLK,),
        in_specs=[
            pl.BlockSpec((NQ, MBLK, 128), lambda m: (0, m, 0)),
            pl.BlockSpec((MBLK, 1), lambda m: (m, 0)),
            pl.BlockSpec((1, H), lambda m: (0, 0)),
            pl.BlockSpec((1, H), lambda m: (0, 0)),
        ],
        out_specs=pl.BlockSpec((MBLK, H), lambda m: (m, 0)),
        out_shape=jax.ShapeDtypeStruct((N, H), jnp.float32),
    )(agg, dinv, b2, a2)


def kernel(x, edge_index, W1, b1, a1, W2, b2, a2):
    ei = edge_index.astype(jnp.int32)
    loop = jnp.arange(N, dtype=jnp.int32)
    npad = E_PAD - E_SELF
    rows = jnp.concatenate([ei[0], loop, jnp.zeros((npad,), jnp.int32)])
    cols = jnp.concatenate([ei[1], loop,
                            jnp.full((npad,), DUMMY_ROW, jnp.int32)])
    rows3d = rows.reshape(NS, 1, PER_TILE)
    cols3d = cols.reshape(NS, NCH, CH, K)
    colsdeg = cols.reshape(NC * NS, DEG_VECS, L)

    degpart = _deg_call(colsdeg)
    dinv = _dinv_call(degpart.reshape(NC * NS, ACC_ROWS))

    y1 = _mm1_call(x, W1, dinv)
    agg1 = _agg_call(y1, rows3d, cols3d)
    y2 = _mm2_call(agg1, W2, dinv, b1.reshape(1, H), a1.reshape(1, H))
    agg2 = _agg_call(y2, rows3d, cols3d)
    return _fin_call(agg2, dinv, b2.reshape(1, H), a2.reshape(1, H))

# --- scband reference (transcript-rebuilt; emitter-appended) ---
"""Pipeline reference for scband-graph-encoder-37074157699317 (READ-ONLY COPY).

The authoritative reference and input builder live on the scoring server;
editing this copy changes nothing except your own understanding.
"""

import jax, jax.numpy as jnp
import numpy as np

N = 10000
E = 160000
IN = 256
H = 512


def _gcn_conv(x, edge_index, W, b):
    n = x.shape[0]
    loop = jnp.arange(n, dtype=edge_index.dtype)
    row = jnp.concatenate([edge_index[0], loop])
    col = jnp.concatenate([edge_index[1], loop])
    ones = jnp.ones(row.shape[0], dtype=x.dtype)
    deg = jax.ops.segment_sum(ones, col, num_segments=n)
    dinv = jnp.where(deg > 0, 1.0 / jnp.sqrt(deg), 0.0)
    norm = dinv[row] * dinv[col]
    xw = x @ W
    msg = jnp.take(xw, row, axis=0) * norm[:, None]
    out = jax.ops.segment_sum(msg, col, num_segments=n)
    return out + b


def _prelu(x, a):
    return jnp.where(x > 0, x, a * x)


def setup_inputs(seed: int = 0) -> dict:
    key = jax.random.key(seed)
    k1, k2, k3, k4, k5 = jax.random.split(key, 5)
    x = jax.random.normal(k1, (N, IN), dtype=jnp.float32)
    edge_index = jax.random.randint(k2, (2, E), 0, N, dtype=jnp.int64)
    s1 = 1.0 / np.sqrt(IN)
    s2 = 1.0 / np.sqrt(H)
    W1 = jax.random.uniform(k3, (IN, H), dtype=jnp.float32, minval=-s1, maxval=s1)
    b1 = jnp.zeros((H,), dtype=jnp.float32)
    a1 = jnp.full((H,), 0.25, dtype=jnp.float32)
    W2 = jax.random.uniform(k4, (H, H), dtype=jnp.float32, minval=-s2, maxval=s2)
    b2 = jnp.zeros((H,), dtype=jnp.float32)
    a2 = jnp.full((H,), 0.25, dtype=jnp.float32)
    return {"x": x, "edge_index": edge_index, "W1": W1, "b1": b1, "a1": a1, "W2": W2, "b2": b2, "a2": a2}


def reference(x, edge_index, W1, b1, a1, W2, b2, a2):
    h = _gcn_conv(x, edge_index, W1, b1)
    h = _prelu(h, a1)
    h = _gcn_conv(h, edge_index, W2, b2)
    h = _prelu(h, a2)
    return h

if __name__ == "__main__":
    import jax
    _d = setup_inputs()
    print(jax.jit(kernel)(*tuple(_d.values())))

</pallas_src>

<mosaic_0001>
#map = affine_map<(d0, d1) -> (0, 0, 0)>
module attributes {stable_mosaic.version = 14 : i64} {
  func.func @_deg_body(%arg0: i32, %arg1: i32, %arg2: memref<32x336x16xi32, #tpu.memory_space<hbm>>, %arg3: memref<32x1x10112xf32, #tpu.memory_space<hbm>>, %arg4: memref<336x16xi32, #tpu.memory_space<vmem>>, %arg5: memref<10112xf32, #tpu.memory_space<vmem>>, %arg6: memref<!tpu.dma_semaphore, #tpu.memory_space<semaphore_mem>>) attributes {dimension_semantics = [#tpu.dimension_semantics<core_parallel>, #tpu.dimension_semantics<subcore_parallel>], iteration_bounds = array<i64: 2, 16>, scalar_prefetch = 0 : i64, scratch_operands = 3 : i64, tpu.core_type = #tpu.core_type<sc_vector_subcore>, window_params = [{transform_indices = #map}, {transform_indices = #map}]} {
    %mul3A = arith.constant 2 : i32
    %mul3A_0 = arith.muli %arg1, %mul3A : i32
    %add3A = arith.addi %mul3A_0, %arg0 : i32
    %dma_start3A = arith.constant 0 : i32
    %dma_start3A_1 = arith.constant 0 : i32
    %dma_start3A_2 = tpu.memref_slice %arg2[%add3A, %dma_start3A, %dma_start3A_1] : memref<32x336x16xi32, #tpu.memory_space<hbm>> -> memref<1x336x16xi32, #tpu.memory_space<hbm>>
    %dma_start3A_3 = tpu.memref_squeeze %dma_start3A_2 : memref<1x336x16xi32, #tpu.memory_space<hbm>> -> memref<336x16xi32, #tpu.memory_space<hbm>>
    %dma_start3A_4 = arith.constant 0 : i32
    %dma_start3A_5 = arith.constant 0 : i32
    %dma_start3A_6 = tpu.memref_slice %arg2[%add3A, %dma_start3A_4, %dma_start3A_5] : memref<32x336x16xi32, #tpu.memory_space<hbm>> -> memref<1x336x16xi32, #tpu.memory_space<hbm>>
    %dma_start3A_7 = tpu.memref_squeeze %dma_start3A_6 : memref<1x336x16xi32, #tpu.memory_space<hbm>> -> memref<336x16xi32, #tpu.memory_space<hbm>>
    tpu.enqueue_dma source(%dma_start3A_7 : memref<336x16xi32, #tpu.memory_space<hbm>>) target(%arg4 : memref<336x16xi32, #tpu.memory_space<vmem>>) target_semaphore(%arg6 : memref<!tpu.dma_semaphore, #tpu.memory_space<semaphore_mem>>)
    %dma_wait3A = arith.constant 0 : i32
    %dma_wait3A_8 = arith.constant 0 : i32
    %dma_wait3A_9 = tpu.memref_slice %arg2[%add3A, %dma_wait3A, %dma_wait3A_8] : memref<32x336x16xi32, #tpu.memory_space<hbm>> -> memref<1x336x16xi32, #tpu.memory_space<hbm>>
    %dma_wait3A_10 = tpu.memref_squeeze %dma_wait3A_9 : memref<1x336x16xi32, #tpu.memory_space<hbm>> -> memref<336x16xi32, #tpu.memory_space<hbm>>
    %dma_wait3A_11 = arith.constant 0 : i32
    %dma_wait3A_12 = arith.constant 0 : i32
    %dma_wait3A_13 = tpu.memref_slice %arg2[%add3A, %dma_wait3A_11, %dma_wait3A_12] : memref<32x336x16xi32, #tpu.memory_space<hbm>> -> memref<1x336x16xi32, #tpu.memory_space<hbm>>
    %dma_wait3A_14 = tpu.memref_squeeze %dma_wait3A_13 : memref<1x336x16xi32, #tpu.memory_space<hbm>> -> memref<336x16xi32, #tpu.memory_space<hbm>>
    tpu.wait_dma2 semaphore(%arg6 : memref<!tpu.dma_semaphore, #tpu.memory_space<semaphore_mem>>) src(%dma_wait3A_14 : memref<336x16xi32, #tpu.memory_space<hbm>>) dst(%arg4 : memref<336x16xi32, #tpu.memory_space<vmem>>)
    %broadcast_in_dim3A = arith.constant 0.000000e+00 : f32
    %broadcast_in_dim3A_15 = vector.broadcast %broadcast_in_dim3A : f32 to vector<16xf32>
    %broadcast_in_dim3A_16 = arith.constant 1.000000e+00 : f32
    %broadcast_in_dim3A_17 = vector.broadcast %broadcast_in_dim3A_16 : f32 to vector<16xf32>
    %scan3A = arith.constant 0 : i32
    %scan3A_18 = arith.constant 632 : i32
    %scan3A_19 = arith.addi %scan3A, %scan3A_18 : i32
    %scan3A_20 = arith.constant 1 : i32
    scf.for %scan3A_41 = %scan3A to %scan3A_19 step %scan3A_20  : i32 {
      %mul3A_42 = arith.constant 1 : i32
      %mul3A_43 = arith.muli %scan3A_41, %mul3A_42 : i32
      %add3A_44 = arith.constant 0 : i32
      %add3A_45 = arith.addi %add3A_44, %mul3A_43 : i32
      %mul3A_46 = arith.constant 16 : i32
      %mul3A_47 = arith.muli %add3A_45, %mul3A_46 : i32
      %swap3A = arith.index_cast %mul3A_47 : i32 to index
      %swap3A_48 = tpu.vector_load %arg5[%swap3A] {strides = array<i32>} : memref<10112xf32, #tpu.memory_space<vmem>>, vector<16xf32>,
      tpu.vector_store %arg5[%swap3A], %broadcast_in_dim3A_15 {strides = array<i32>} : memref<10112xf32, #tpu.memory_space<vmem>>, vector<16xf32>,
    }
    %scan3A_21 = arith.constant 632 : i32
    %scan3A_22 = arith.constant 0 : i32
    %scan3A_23 = arith.constant 336 : i32
    %scan3A_24 = arith.addi %scan3A_22, %scan3A_23 : i32
    %scan3A_25 = arith.constant 1 : i32
    scf.for %scan3A_41 = %scan3A_22 to %scan3A_24 step %scan3A_25  : i32 {
      %mul3A_42 = arith.constant 1 : i32
      %mul3A_43 = arith.muli %scan3A_41, %mul3A_42 : i32
      %add3A_44 = arith.constant 0 : i32
      %add3A_45 = arith.addi %add3A_44, %mul3A_43 : i32
      %get3A = arith.index_cast %add3A_45 : i32 to index
      %get3A_46 = arith.constant 0 : index
      %get3A_47 = tpu.vector_load %arg4[%get3A, %get3A_46] {strides = array<i32>} : memref<336x16xi32, #tpu.memory_space<vmem>>, vector<16xi32>,
      tpu.vector_store_idx %arg5[%get3A_47], %broadcast_in_dim3A_17 {add = true} : memref<10112xf32, #tpu.memory_space<vmem>>[vector<16xi32>], vector<16xf32>,
    }
    %scan3A_26 = arith.constant 336 : i32
    %dma_start3A_27 = arith.constant 0 : i32
    %dma_start3A_28 = arith.constant 0 : i32
    %dma_start3A_29 = tpu.memref_slice %arg3[%add3A, %dma_start3A_27, %dma_start3A_28] : memref<32x1x10112xf32, #tpu.memory_space<hbm>> -> memref<1x1x10112xf32, #tpu.memory_space<hbm>>
    %dma_start3A_30 = tpu.memref_squeeze %dma_start3A_29 : memref<1x1x10112xf32, #tpu.memory_space<hbm>> -> memref<10112xf32, #tpu.memory_space<hbm>>
    %dma_start3A_31 = arith.constant 0 : i32
    %dma_start3A_32 = tpu.memref_slice %arg3[%add3A, %dma_start3A_27, %dma_start3A_31] : memref<32x1x10112xf32, #tpu.memory_space<hbm>> -> memref<1x1x10112xf32, #tpu.memory_space<hbm>>
    %dma_start3A_33 = tpu.memref_squeeze %dma_start3A_32 : memref<1x1x10112xf32, #tpu.memory_space<hbm>> -> memref<10112xf32, #tpu.memory_space<hbm>>
    tpu.enqueue_dma source(%arg5 : memref<10112xf32, #tpu.memory_space<vmem>>) target(%dma_start3A_33 : memref<10112xf32, #tpu.memory_space<hbm>>) target_semaphore(%arg6 : memref<!tpu.dma_semaphore, #tpu.memory_space<semaphore_mem>>)
    %dma_wait3A_34 = arith.constant 0 : i32
    %dma_wait3A_35 = arith.constant 0 : i32
    %dma_wait3A_36 = tpu.memref_slice %arg3[%add3A, %dma_wait3A_34, %dma_wait3A_35] : memref<32x1x10112xf32, #tpu.memory_space<hbm>> -> memref<1x1x10112xf32, #tpu.memory_space<hbm>>
    %dma_wait3A_37 = tpu.memref_squeeze %dma_wait3A_36 : memref<1x1x10112xf32, #tpu.memory_space<hbm>> -> memref<10112xf32, #tpu.memory_space<hbm>>
    %dma_wait3A_38 = arith.constant 0 : i32
    %dma_wait3A_39 = tpu.memref_slice %arg3[%add3A, %dma_wait3A_34, %dma_wait3A_38] : memref<32x1x10112xf32, #tpu.memory_space<hbm>> -> memref<1x1x10112xf32, #tpu.memory_space<hbm>>
    %dma_wait3A_40 = tpu.memref_squeeze %dma_wait3A_39 : memref<1x1x10112xf32, #tpu.memory_space<hbm>> -> memref<10112xf32, #tpu.memory_space<hbm>>
    tpu.wait_dma2 semaphore(%arg6 : memref<!tpu.dma_semaphore, #tpu.memory_space<semaphore_mem>>) src(%arg5 : memref<10112xf32, #tpu.memory_space<vmem>>) dst(%dma_wait3A_40 : memref<10112xf32, #tpu.memory_space<hbm>>)
    return
  }
}

#map = affine_map<(d0, d1) -> (0, 0, 0)>
#map1 = affine_map<(d0, d1) -> (0, 0, 0, 0)>
module attributes {stable_mosaic.version = 14 : i64} {
  func.func @_agg_body(%arg0: i32, %arg1: i32, %arg2: memref<4x10000x128xf32, #tpu.memory_space<hbm>>, %arg3: memref<16x1x10752xi32, #tpu.memory_space<hbm>>, %arg4: memref<16x3x28x128xi32, #tpu.memory_space<hbm>>, %arg5: memref<4x10000x128xf32, #tpu.memory_space<hbm>>, %arg6: memref<10752xi32, #tpu.memory_space<vmem>>, %arg7: memref<28x128xi32, #tpu.memory_space<vmem>>, %arg8: memref<128x128xf32, #tpu.memory_space<vmem>>, %arg9: memref<128x128xf32, #tpu.memory_space<vmem>>, %arg10: memref<10112x128xf32, #tpu.memory_space<vmem_shared>>, %arg11: memref<!tpu.dma_semaphore, #tpu.memory_space<semaphore_mem>>, %arg12: memref<!tpu.dma_semaphore, #tpu.memory_space<semaphore_mem>>, %arg13: memref<!tpu.dma_semaphore, #tpu.memory_space<semaphore_mem>>, %arg14: memref<!tpu.dma_semaphore, #tpu.memory_space<semaphore_mem>>, %arg15: memref<!tpu.dma_semaphore, #tpu.memory_space<semaphore_mem>>) attributes {dimension_semantics = [#tpu.dimension_semantics<core_parallel>, #tpu.dimension_semantics<subcore_parallel>], iteration_bounds = array<i64: 2, 16>, scalar_prefetch = 0 : i64, scratch_operands = 10 : i64, tpu.core_type = #tpu.core_type<sc_vector_subcore>, window_params = [{transform_indices = #map}, {transform_indices = #map}, {transform_indices = #map1}, {transform_indices = #map}]} {
    %dma_start3A = arith.constant 0 : i32
    %dma_start3A_0 = arith.constant 0 : i32
    %dma_start3A_1 = tpu.memref_slice %arg3[%arg1, %dma_start3A, %dma_start3A_0] : memref<16x1x10752xi32, #tpu.memory_space<hbm>> -> memref<1x1x10752xi32, #tpu.memory_space<hbm>>
    %dma_start3A_2 = tpu.memref_squeeze %dma_start3A_1 : memref<1x1x10752xi32, #tpu.memory_space<hbm>> -> memref<10752xi32, #tpu.memory_space<hbm>>
    %dma_start3A_3 = arith.constant 0 : i32
    %dma_start3A_4 = tpu.memref_slice %arg3[%arg1, %dma_start3A, %dma_start3A_3] : memref<16x1x10752xi32, #tpu.memory_space<hbm>> -> memref<1x1x10752xi32, #tpu.memory_space<hbm>>
    %dma_start3A_5 = tpu.memref_squeeze %dma_start3A_4 : memref<1x1x10752xi32, #tpu.memory_space<hbm>> -> memref<10752xi32, #tpu.memory_space<hbm>>
    tpu.enqueue_dma source(%dma_start3A_5 : memref<10752xi32, #tpu.memory_space<hbm>>) target(%arg6 : memref<10752xi32, #tpu.memory_space<vmem>>) target_semaphore(%arg15 : memref<!tpu.dma_semaphore, #tpu.memory_space<semaphore_mem>>)
    %dma_wait3A = arith.constant 0 : i32
    %dma_wait3A_6 = arith.constant 0 : i32
    %dma_wait3A_7 = tpu.memref_slice %arg3[%arg1, %dma_wait3A, %dma_wait3A_6] : memref<16x1x10752xi32, #tpu.memory_space<hbm>> -> memref<1x1x10752xi32, #tpu.memory_space<hbm>>
    %dma_wait3A_8 = tpu.memref_squeeze %dma_wait3A_7 : memref<1x1x10752xi32, #tpu.memory_space<hbm>> -> memref<10752xi32, #tpu.memory_space<hbm>>
    %dma_wait3A_9 = arith.constant 0 : i32
    %dma_wait3A_10 = tpu.memref_slice %arg3[%arg1, %dma_wait3A, %dma_wait3A_9] : memref<16x1x10752xi32, #tpu.memory_space<hbm>> -> memref<1x1x10752xi32, #tpu.memory_space<hbm>>
    %dma_wait3A_11 = tpu.memref_squeeze %dma_wait3A_10 : memref<1x1x10752xi32, #tpu.memory_space<hbm>> -> memref<10752xi32, #tpu.memory_space<hbm>>
    tpu.wait_dma2 semaphore(%arg15 : memref<!tpu.dma_semaphore, #tpu.memory_space<semaphore_mem>>) src(%dma_wait3A_11 : memref<10752xi32, #tpu.memory_space<hbm>>) dst(%arg6 : memref<10752xi32, #tpu.memory_space<vmem>>)
    %broadcast_in_dim3A = arith.constant 0.000000e+00 : f32
    %broadcast_in_dim3A_12 = vector.broadcast %broadcast_in_dim3A : f32 to vector<16xf32>
    %mul3A = arith.constant 2 : i32
    %mul3A_13 = arith.muli %arg0, %mul3A : i32
    %add3A = arith.constant 0 : i32
    %add3A_14 = arith.addi %mul3A_13, %add3A : i32
    %scan3A = arith.constant 0 : i32
    %scan3A_15 = arith.constant 128 : i32
    %scan3A_16 = arith.addi %scan3A, %scan3A_15 : i32
    %scan3A_17 = arith.constant 1 : i32
    scf.for %scan3A_243 = %scan3A to %scan3A_16 step %scan3A_17  : i32 {
      %mul3A_244 = arith.constant 1 : i32
      %mul3A_245 = arith.muli %scan3A_243, %mul3A_244 : i32
      %add3A_246 = arith.constant 0 : i32
      %add3A_247 = arith.addi %add3A_246, %mul3A_245 : i32
      %swap3A = arith.index_cast %add3A_247 : i32 to index
      %swap3A_248 = arith.constant 0 : index
      %swap3A_249 = tpu.vector_load %arg8[%swap3A, %swap3A_248] {strides = array<i32>} : memref<128x128xf32, #tpu.memory_space<vmem>>, vector<16xf32>,
      tpu.vector_store %arg8[%swap3A, %swap3A_248], %broadcast_in_dim3A_12 {strides = array<i32>} : memref<128x128xf32, #tpu.memory_space<vmem>>, vector<16xf32>,
      %swap3A_250 = arith.index_cast %add3A_247 : i32 to index
      %swap3A_251 = arith.constant 16 : index
      %swap3A_252 = tpu.vector_load %arg8[%swap3A_250, %swap3A_251] {strides = array<i32>} : memref<128x128xf32, #tpu.memory_space<vmem>>, vector<16xf32>,
      tpu.vector_store %arg8[%swap3A_250, %swap3A_251], %broadcast_in_dim3A_12 {strides = array<i32>} : memref<128x128xf32, #tpu.memory_space<vmem>>, vector<16xf32>,
      %swap3A_253 = arith.index_cast %add3A_247 : i32 to index
      %swap3A_254 = arith.constant 32 : index
      %swap3A_255 = tpu.vector_load %arg8[%swap3A_253, %swap3A_254] {strides = array<i32>} : memref<128x128xf32, #tpu.memory_space<vmem>>, vector<16xf32>,
      tpu.vector_store %arg8[%swap3A_253, %swap3A_254], %broadcast_in_dim3A_12 {strides = array<i32>} : memref<128x128xf32, #tpu.memory_space<vmem>>, vector<16xf32>,
      %swap3A_256 = arith.index_cast %add3A_247 : i32 to index
      %swap3A_257 = arith.constant 48 : index
      %swap3A_258 = tpu.vector_load %arg8[%swap3A_256, %swap3A_257] {strides = array<i32>} : memref<128x128xf32, #tpu.memory_space<vmem>>, vector<16xf32>,
      tpu.vector_store %arg8[%swap3A_256, %swap3A_257], %broadcast_in_dim3A_12 {strides = array<i32>} : memref<128x128xf32, #tpu.memory_space<vmem>>, vector<16xf32>,
      %swap3A_259 = arith.index_cast %add3A_247 : i32 to index
      %swap3A_260 = arith.constant 64 : index
      %swap3A_261 = tpu.vector_load %arg8[%swap3A_259, %swap3A_260] {strides = array<i32>} : memref<128x128xf32, #tpu.memory_space<vmem>>, vector<16xf32>,
      tpu.vector_store %arg8[%swap3A_259, %swap3A_260], %broadcast_in_dim3A_12 {strides = array<i32>} : memref<128x128xf32, #tpu.memory_space<vmem>>, vector<16xf32>,
      %swap3A_262 = arith.index_cast %add3A_247 : i32 to index
      %swap3A_263 = arith.constant 80 : index
      %swap3A_264 = tpu.vector_load %arg8[%swap3A_262, %swap3A_263] {strides = array<i32>} : memref<128x128xf32, #tpu.memory_space<vmem>>, vector<16xf32>,
      tpu.vector_store %arg8[%swap3A_262, %swap3A_263], %broadcast_in_dim3A_12 {strides = array<i32>} : memref<128x128xf32, #tpu.memory_space<vmem>>, vector<16xf32>,
      %swap3A_265 = arith.index_cast %add3A_247 : i32 to index
      %swap3A_266 = arith.constant 96 : index
      %swap3A_267 = tpu.vector_load %arg8[%swap3A_265, %swap3A_266] {strides = array<i32>} : memref<128x128xf32, #tpu.memory_space<vmem>>, vector<16xf32>,
      tpu.vector_store %arg8[%swap3A_265, %swap3A_266], %broadcast_in_dim3A_12 {strides = array<i32>} : memref<128x128xf32, #tpu.memory_space<vmem>>, vector<16xf32>,
      %swap3A_268 = arith.index_cast %add3A_247 : i32 to index
      %swap3A_269 = arith.constant 112 : index
      %swap3A_270 = tpu.vector_load %arg8[%swap3A_268, %swap3A_269] {strides = array<i32>} : memref<128x128xf32, #tpu.memory_space<vmem>>, vector<16xf32>,
      tpu.vector_store %arg8[%swap3A_268, %swap3A_269], %broadcast_in_dim3A_12 {strides = array<i32>} : memref<128x128xf32, #tpu.memory_space<vmem>>, vector<16xf32>,
    }
    %scan3A_18 = arith.constant 128 : i32
    %mul3A_19 = arith.constant 632 : i32
    %mul3A_20 = arith.muli %arg1, %mul3A_19 : i32
    %add3A_21 = arith.constant 0 : i32
    %add3A_22 = arith.addi %mul3A_20, %add3A_21 : i32
    %dma_start3A_23 = arith.constant 0 : i32
    %dma_start3A_24 = tpu.memref_slice %arg10[%add3A_22, %dma_start3A_23] : memref<10112x128xf32, #tpu.memory_space<vmem_shared>> -> memref<128x128xf32, #tpu.memory_space<vmem_shared>>
    %dma_start3A_25 = arith.constant 0 : i32
    %dma_start3A_26 = tpu.memref_slice %arg10[%add3A_22, %dma_start3A_25] : memref<10112x128xf32, #tpu.memory_space<vmem_shared>> -> memref<128x128xf32, #tpu.memory_space<vmem_shared>>
    tpu.enqueue_dma source(%arg8 : memref<128x128xf32, #tpu.memory_space<vmem>>) target(%dma_start3A_26 : memref<128x128xf32, #tpu.memory_space<vmem_shared>>) target_semaphore(%arg15 : memref<!tpu.dma_semaphore, #tpu.memory_space<semaphore_mem>>)
    %dma_wait3A_27 = arith.constant 0 : i32
    %dma_wait3A_28 = tpu.memref_slice %arg10[%add3A_22, %dma_wait3A_27] : memref<10112x128xf32, #tpu.memory_space<vmem_shared>> -> memref<128x128xf32, #tpu.memory_space<vmem_shared>>
    %dma_wait3A_29 = arith.constant 0 : i32
    %dma_wait3A_30 = tpu.memref_slice %arg10[%add3A_22, %dma_wait3A_29] : memref<10112x128xf32, #tpu.memory_space<vmem_shared>> -> memref<128x128xf32, #tpu.memory_space<vmem_shared>>
    tpu.wait_dma2 semaphore(%arg15 : memref<!tpu.dma_semaphore, #tpu.memory_space<semaphore_mem>>) src(%arg8 : memref<128x128xf32, #tpu.memory_space<vmem>>) dst(%dma_wait3A_30 : memref<128x128xf32, #tpu.memory_space<vmem_shared>>)
    %mul3A_31 = arith.constant 632 : i32
    %mul3A_32 = arith.muli %arg1, %mul3A_31 : i32
    %add3A_33 = arith.constant 128 : i32
    %add3A_34 = arith.addi %mul3A_32, %add3A_33 : i32
    %dma_start3A_35 = arith.constant 0 : i32
    %dma_start3A_36 = tpu.memref_slice %arg10[%add3A_34, %dma_start3A_35] : memref<10112x128xf32, #tpu.memory_space<vmem_shared>> -> memref<128x128xf32, #tpu.memory_space<vmem_shared>>
    %dma_start3A_37 = arith.constant 0 : i32
    %dma_start3A_38 = tpu.memref_slice %arg10[%add3A_34, %dma_start3A_37] : memref<10112x128xf32, #tpu.memory_space<vmem_shared>> -> memref<128x128xf32, #tpu.memory_space<vmem_shared>>
    tpu.enqueue_dma source(%arg8 : memref<128x128xf32, #tpu.memory_space<vmem>>) target(%dma_start3A_38 : memref<128x128xf32, #tpu.memory_space<vmem_shared>>) target_semaphore(%arg15 : memref<!tpu.dma_semaphore, #tpu.memory_space<semaphore_mem>>)
    %dma_wait3A_39 = arith.constant 0 : i32
    %dma_wait3A_40 = tpu.memref_slice %arg10[%add3A_34, %dma_wait3A_39] : memref<10112x128xf32, #tpu.memory_space<vmem_shared>> -> memref<128x128xf32, #tpu.memory_space<vmem_shared>>
    %dma_wait3A_41 = arith.constant 0 : i32
    %dma_wait3A_42 = tpu.memref_slice %arg10[%add3A_34, %dma_wait3A_41] : memref<10112x128xf32, #tpu.memory_space<vmem_shared>> -> memref<128x128xf32, #tpu.memory_space<vmem_shared>>
    tpu.wait_dma2 semaphore(%arg15 : memref<!tpu.dma_semaphore, #tpu.memory_space<semaphore_mem>>) src(%arg8 : memref<128x128xf32, #tpu.memory_space<vmem>>) dst(%dma_wait3A_42 : memref<128x128xf32, #tpu.memory_space<vmem_shared>>)
    %mul3A_43 = arith.constant 632 : i32
    %mul3A_44 = arith.muli %arg1, %mul3A_43 : i32
    %add3A_45 = arith.constant 256 : i32
    %add3A_46 = arith.addi %mul3A_44, %add3A_45 : i32
    %dma_start3A_47 = arith.constant 0 : i32
    %dma_start3A_48 = tpu.memref_slice %arg10[%add3A_46, %dma_start3A_47] : memref<10112x128xf32, #tpu.memory_space<vmem_shared>> -> memref<128x128xf32, #tpu.memory_space<vmem_shared>>
    %dma_start3A_49 = arith.constant 0 : i32
    %dma_start3A_50 = tpu.memref_slice %arg10[%add3A_46, %dma_start3A_49] : memref<10112x128xf32, #tpu.memory_space<vmem_shared>> -> memref<128x128xf32, #tpu.memory_space<vmem_shared>>
    tpu.enqueue_dma source(%arg8 : memref<128x128xf32, #tpu.memory_space<vmem>>) target(%dma_start3A_50 : memref<128x128xf32, #tpu.memory_space<vmem_shared>>) target_semaphore(%arg15 : memref<!tpu.dma_semaphore, #tpu.memory_space<semaphore_mem>>)
    %dma_wait3A_51 = arith.constant 0 : i32
    %dma_wait3A_52 = tpu.memref_slice %arg10[%add3A_46, %dma_wait3A_51] : memref<10112x128xf32, #tpu.memory_space<vmem_shared>> -> memref<128x128xf32, #tpu.memory_space<vmem_shared>>
    %dma_wait3A_53 = arith.constant 0 : i32
    %dma_wait3A_54 = tpu.memref_slice %arg10[%add3A_46, %dma_wait3A_53] : memref<10112x128xf32, #tpu.memory_space<vmem_shared>> -> memref<128x128xf32, #tpu.memory_space<vmem_shared>>
    tpu.wait_dma2 semaphore(%arg15 : memref<!tpu.dma_semaphore, #tpu.memory_space<semaphore_mem>>) src(%arg8 : memref<128x128xf32, #tpu.memory_space<vmem>>) dst(%dma_wait3A_54 : memref<128x128xf32, #tpu.memory_space<vmem_shared>>)
    %mul3A_55 = arith.constant 632 : i32
    %mul3A_56 = arith.muli %arg1, %mul3A_55 : i32
    %add3A_57 = arith.constant 384 : i32
    %add3A_58 = arith.addi %mul3A_56, %add3A_57 : i32
    %dma_start3A_59 = arith.constant 0 : i32
    %dma_start3A_60 = tpu.memref_slice %arg10[%add3A_58, %dma_start3A_59] : memref<10112x128xf32, #tpu.memory_space<vmem_shared>> -> memref<128x128xf32, #tpu.memory_space<vmem_shared>>
    %dma_start3A_61 = arith.constant 0 : i32
    %dma_start3A_62 = tpu.memref_slice %arg10[%add3A_58, %dma_start3A_61] : memref<10112x128xf32, #tpu.memory_space<vmem_shared>> -> memref<128x128xf32, #tpu.memory_space<vmem_shared>>
    tpu.enqueue_dma source(%arg8 : memref<128x128xf32, #tpu.memory_space<vmem>>) target(%dma_start3A_62 : memref<128x128xf32, #tpu.memory_space<vmem_shared>>) target_semaphore(%arg15 : memref<!tpu.dma_semaphore, #tpu.memory_space<semaphore_mem>>)
    %dma_wait3A_63 = arith.constant 0 : i32
    %dma_wait3A_64 = tpu.memref_slice %arg10[%add3A_58, %dma_wait3A_63] : memref<10112x128xf32, #tpu.memory_space<vmem_shared>> -> memref<128x128xf32, #tpu.memory_space<vmem_shared>>
    %dma_wait3A_65 = arith.constant 0 : i32
    %dma_wait3A_66 = tpu.memref_slice %arg10[%add3A_58, %dma_wait3A_65] : memref<10112x128xf32, #tpu.memory_space<vmem_shared>> -> memref<128x128xf32, #tpu.memory_space<vmem_shared>>
    tpu.wait_dma2 semaphore(%arg15 : memref<!tpu.dma_semaphore, #tpu.memory_space<semaphore_mem>>) src(%arg8 : memref<128x128xf32, #tpu.memory_space<vmem>>) dst(%dma_wait3A_66 : memref<128x128xf32, #tpu.memory_space<vmem_shared>>)
    %mul3A_67 = arith.constant 632 : i32
    %mul3A_68 = arith.muli %arg1, %mul3A_67 : i32
    %add3A_69 = arith.constant 632 : i32
    %add3A_70 = arith.addi %mul3A_68, %add3A_69 : i32
    %sub3A = arith.constant 120 : i32
    %sub3A_71 = arith.subi %add3A_70, %sub3A : i32
    %dma_start3A_72 = arith.constant 0 : i32
    %dma_start3A_73 = arith.constant 0 : i32
    %dma_start3A_74 = tpu.memref_slice %arg8[%dma_start3A_72, %dma_start3A_73] : memref<128x128xf32, #tpu.memory_space<vmem>> -> memref<120x128xf32, #tpu.memory_space<vmem>>
    %dma_start3A_75 = arith.constant 0 : i32
    %dma_start3A_76 = tpu.memref_slice %arg10[%sub3A_71, %dma_start3A_75] : memref<10112x128xf32, #tpu.memory_space<vmem_shared>> -> memref<120x128xf32, #tpu.memory_space<vmem_shared>>
    %dma_start3A_77 = arith.constant 0 : i32
    %dma_start3A_78 = tpu.memref_slice %arg10[%sub3A_71, %dma_start3A_77] : memref<10112x128xf32, #tpu.memory_space<vmem_shared>> -> memref<120x128xf32, #tpu.memory_space<vmem_shared>>
    %dma_start3A_79 = arith.constant 0 : i32
    %dma_start3A_80 = arith.constant 0 : i32
    %dma_start3A_81 = tpu.memref_slice %arg8[%dma_start3A_79, %dma_start3A_80] : memref<128x128xf32, #tpu.memory_space<vmem>> -> memref<120x128xf32, #tpu.memory_space<vmem>>
    tpu.enqueue_dma source(%dma_start3A_81 : memref<120x128xf32, #tpu.memory_space<vmem>>) target(%dma_start3A_78 : memref<120x128xf32, #tpu.memory_space<vmem_shared>>) target_semaphore(%arg15 : memref<!tpu.dma_semaphore, #tpu.memory_space<semaphore_mem>>)
    %dma_wait3A_82 = arith.constant 0 : i32
    %dma_wait3A_83 = arith.constant 0 : i32
    %dma_wait3A_84 = tpu.memref_slice %arg8[%dma_wait3A_82, %dma_wait3A_83] : memref<128x128xf32, #tpu.memory_space<vmem>> -> memref<120x128xf32, #tpu.memory_space<vmem>>
    %dma_wait3A_85 = arith.constant 0 : i32
    %dma_wait3A_86 = tpu.memref_slice %arg10[%sub3A_71, %dma_wait3A_85] : memref<10112x128xf32, #tpu.memory_space<vmem_shared>> -> memref<120x128xf32, #tpu.memory_space<vmem_shared>>
    %dma_wait3A_87 = arith.constant 0 : i32
    %dma_wait3A_88 = tpu.memref_slice %arg10[%sub3A_71, %dma_wait3A_87] : memref<10112x128xf32, #tpu.memory_space<vmem_shared>> -> memref<120x128xf32, #tpu.memory_space<vmem_shared>>
    %dma_wait3A_89 = arith.constant 0 : i32
    %dma_wait3A_90 = arith.constant 0 : i32
    %dma_wait3A_91 = tpu.memref_slice %arg8[%dma_wait3A_89, %dma_wait3A_90] : memref<128x128xf32, #tpu.memory_space<vmem>> -> memref<120x128xf32, #tpu.memory_space<vmem>>
    tpu.wait_dma2 semaphore(%arg15 : memref<!tpu.dma_semaphore, #tpu.memory_space<semaphore_mem>>) src(%dma_wait3A_91 : memref<120x128xf32, #tpu.memory_space<vmem>>) dst(%dma_wait3A_88 : memref<120x128xf32, #tpu.memory_space<vmem_shared>>)
    %barrier3A = arith.constant 0 : index
    tpu.barrier barrier_id(%barrier3A)
    %dma_start3A_92 = arith.constant 0 : i32
    %dma_start3A_93 = tpu.memref_slice %arg6[%dma_start3A_92] : memref<10752xi32, #tpu.memory_space<vmem>> -> memref<128xi32, #tpu.memory_space<vmem>>
    %dma_start3A_94 = arith.constant 0 : i32
    %dma_start3A_95 = arith.constant 0 : i32
    %dma_start3A_96 = tpu.memref_slice %arg2[%add3A_14, %dma_start3A_94, %dma_start3A_95] : memref<4x10000x128xf32, #tpu.memory_space<hbm>> -> memref<1x10000x128xf32, #tpu.memory_space<hbm>>
    %dma_start3A_97 = tpu.memref_squeeze %dma_start3A_96 : memref<1x10000x128xf32, #tpu.memory_space<hbm>> -> memref<10000x128xf32, #tpu.memory_space<hbm>>
    %dma_start3A_98 = arith.constant 0 : i32
    %dma_start3A_99 = arith.constant 0 : i32
    %dma_start3A_100 = tpu.memref_slice %dma_start3A_97[%dma_start3A_98, %dma_start3A_99] : memref<10000x128xf32, #tpu.memory_space<hbm>> -> memref<10000x128xf32, #tpu.memory_space<hbm>>
    tpu.enqueue_indirect_dma source(%dma_start3A_100 : memref<10000x128xf32, #tpu.memory_space<hbm>>) target(%arg8 : memref<128x128xf32, #tpu.memory_space<vmem>>) offsets(%dma_start3A_93 : memref<128xi32, #tpu.memory_space<vmem>>) semaphore(%arg11 : memref<!tpu.dma_semaphore, #tpu.memory_space<semaphore_mem>>)
    %scan3A_101 = arith.constant 0 : i32
    %scan3A_102 = arith.constant 3 : i32
    %scan3A_103 = arith.addi %scan3A_101, %scan3A_102 : i32
    %scan3A_104 = arith.constant 1 : i32
    scf.for %scan3A_243 = %scan3A_101 to %scan3A_103 step %scan3A_104  : i32 {
      %mul3A_244 = arith.constant 1 : i32
      %mul3A_245 = arith.muli %scan3A_243, %mul3A_244 : i32
      %add3A_246 = arith.constant 0 : i32
      %add3A_247 = arith.addi %add3A_246, %mul3A_245 : i32
      %dma_start3A_248 = arith.constant 0 : i32
      %dma_start3A_249 = arith.constant 0 : i32
      %dma_start3A_250 = tpu.memref_slice %arg4[%arg1, %add3A_247, %dma_start3A_248, %dma_start3A_249] : memref<16x3x28x128xi32, #tpu.memory_space<hbm>> -> memref<1x1x28x128xi32, #tpu.memory_space<hbm>>
      %dma_start3A_251 = tpu.memref_squeeze %dma_start3A_250 : memref<1x1x28x128xi32, #tpu.memory_space<hbm>> -> memref<28x128xi32, #tpu.memory_space<hbm>>
      %dma_start3A_252 = arith.constant 0 : i32
      %dma_start3A_253 = arith.constant 0 : i32
      %dma_start3A_254 = tpu.memref_slice %arg4[%arg1, %add3A_247, %dma_start3A_252, %dma_start3A_253] : memref<16x3x28x128xi32, #tpu.memory_space<hbm>> -> memref<1x1x28x128xi32, #tpu.memory_space<hbm>>
      %dma_start3A_255 = tpu.memref_squeeze %dma_start3A_254 : memref<1x1x28x128xi32, #tpu.memory_space<hbm>> -> memref<28x128xi32, #tpu.memory_space<hbm>>
      tpu.enqueue_dma source(%dma_start3A_255 : memref<28x128xi32, #tpu.memory_space<hbm>>) target(%arg7 : memref<28x128xi32, #tpu.memory_space<vmem>>) target_semaphore(%arg15 : memref<!tpu.dma_semaphore, #tpu.memory_space<semaphore_mem>>)
      %dma_wait3A_256 = arith.constant 0 : i32
      %dma_wait3A_257 = arith.constant 0 : i32
      %dma_wait3A_258 = tpu.memref_slice %arg4[%arg1, %add3A_247, %dma_wait3A_256, %dma_wait3A_257] : memref<16x3x28x128xi32, #tpu.memory_space<hbm>> -> memref<1x1x28x128xi32, #tpu.memory_space<hbm>>
      %dma_wait3A_259 = tpu.memref_squeeze %dma_wait3A_258 : memref<1x1x28x128xi32, #tpu.memory_space<hbm>> -> memref<28x128xi32, #tpu.memory_space<hbm>>
      %dma_wait3A_260 = arith.constant 0 : i32
      %dma_wait3A_261 = arith.constant 0 : i32
      %dma_wait3A_262 = tpu.memref_slice %arg4[%arg1, %add3A_247, %dma_wait3A_260, %dma_wait3A_261] : memref<16x3x28x128xi32, #tpu.memory_space<hbm>> -> memref<1x1x28x128xi32, #tpu.memory_space<hbm>>
      %dma_wait3A_263 = tpu.memref_squeeze %dma_wait3A_262 : memref<1x1x28x128xi32, #tpu.memory_space<hbm>> -> memref<28x128xi32, #tpu.memory_space<hbm>>
      tpu.wait_dma2 semaphore(%arg15 : memref<!tpu.dma_semaphore, #tpu.memory_space<semaphore_mem>>) src(%dma_wait3A_263 : memref<28x128xi32, #tpu.memory_space<hbm>>) dst(%arg7 : memref<28x128xi32, #tpu.memory_space<vmem>>)
      %scan3A_264 = arith.constant 0 : i32
      %scan3A_265 = arith.constant 14 : i32
      %scan3A_266 = arith.addi %scan3A_264, %scan3A_265 : i32
      %scan3A_267 = arith.constant 1 : i32
      scf.for %scan3A_269 = %scan3A_264 to %scan3A_266 step %scan3A_267  : i32 {
        %mul3A_270 = arith.constant 1 : i32
        %mul3A_271 = arith.muli %scan3A_269, %mul3A_270 : i32
        %add3A_272 = arith.constant 0 : i32
        %add3A_273 = arith.addi %add3A_272, %mul3A_271 : i32
        %mul3A_274 = arith.constant 28 : i32
        %mul3A_275 = arith.muli %add3A_247, %mul3A_274 : i32
        %mul3A_276 = arith.constant 2 : i32
        %mul3A_277 = arith.muli %mul3A_276, %add3A_273 : i32
        %add3A_278 = arith.addi %mul3A_275, %mul3A_277 : i32
        %mul3A_279 = arith.constant 2 : i32
        %mul3A_280 = arith.muli %mul3A_279, %add3A_273 : i32
        %add3A_281 = arith.constant 1 : i32
        %add3A_282 = arith.addi %add3A_278, %add3A_281 : i32
        %mul3A_283 = arith.constant 128 : i32
        %mul3A_284 = arith.muli %add3A_282, %mul3A_283 : i32
        %dma_start3A_285 = tpu.memref_slice %arg6[%mul3A_284] : memref<10752xi32, #tpu.memory_space<vmem>> -> memref<128xi32, #tpu.memory_space<vmem>>
        %dma_start3A_286 = arith.constant 0 : i32
        %dma_start3A_287 = arith.constant 0 : i32
        %dma_start3A_288 = tpu.memref_slice %arg2[%add3A_14, %dma_start3A_286, %dma_start3A_287] : memref<4x10000x128xf32, #tpu.memory_space<hbm>> -> memref<1x10000x128xf32, #tpu.memory_space<hbm>>
        %dma_start3A_289 = tpu.memref_squeeze %dma_start3A_288 : memref<1x10000x128xf32, #tpu.memory_space<hbm>> -> memref<10000x128xf32, #tpu.memory_space<hbm>>
        %dma_start3A_290 = arith.constant 0 : i32
        %dma_start3A_291 = arith.constant 0 : i32
        %dma_start3A_292 = tpu.memref_slice %dma_start3A_289[%dma_start3A_290, %dma_start3A_291] : memref<10000x128xf32, #tpu.memory_space<hbm>> -> memref<10000x128xf32, #tpu.memory_space<hbm>>
        tpu.enqueue_indirect_dma source(%dma_start3A_292 : memref<10000x128xf32, #tpu.memory_space<hbm>>) target(%arg9 : memref<128x128xf32, #tpu.memory_space<vmem>>) offsets(%dma_start3A_285 : memref<128xi32, #tpu.memory_space<vmem>>) semaphore(%arg12 : memref<!tpu.dma_semaphore, #tpu.memory_space<semaphore_mem>>)
        %mul3A_293 = arith.constant 128 : i32
        %mul3A_294 = arith.muli %add3A_278, %mul3A_293 : i32
        %dma_wait3A_295 = tpu.memref_slice %arg6[%mul3A_294] : memref<10752xi32, #tpu.memory_space<vmem>> -> memref<128xi32, #tpu.memory_space<vmem>>
        %dma_wait3A_296 = arith.constant 0 : i32
        %dma_wait3A_297 = arith.constant 0 : i32
        %dma_wait3A_298 = tpu.memref_slice %arg2[%add3A_14, %dma_wait3A_296, %dma_wait3A_297] : memref<4x10000x128xf32, #tpu.memory_space<hbm>> -> memref<1x10000x128xf32, #tpu.memory_space<hbm>>
        %dma_wait3A_299 = tpu.memref_squeeze %dma_wait3A_298 : memref<1x10000x128xf32, #tpu.memory_space<hbm>> -> memref<10000x128xf32, #tpu.memory_space<hbm>>
        %dma_wait3A_300 = arith.constant 0 : i32
        %dma_wait3A_301 = arith.constant 0 : i32
        %dma_wait3A_302 = tpu.memref_slice %dma_wait3A_299[%dma_wait3A_300, %dma_wait3A_301] : memref<10000x128xf32, #tpu.memory_space<hbm>> -> memref<10000x128xf32, #tpu.memory_space<hbm>>
        tpu.wait_indirect_dma semaphore(%arg11 : memref<!tpu.dma_semaphore, #tpu.memory_space<semaphore_mem>>) src(%dma_wait3A_302 : memref<10000x128xf32, #tpu.memory_space<hbm>>) dst(%arg8 : memref<128x128xf32, #tpu.memory_space<vmem>>)
        %dma_start3A_303 = arith.constant 0 : i32
        %dma_start3A_304 = tpu.memref_slice %arg7[%mul3A_280, %dma_start3A_303] : memref<28x128xi32, #tpu.memory_space<vmem>> -> memref<1x128xi32, #tpu.memory_space<vmem>>
        %dma_start3A_305 = tpu.memref_squeeze %dma_start3A_304 : memref<1x128xi32, #tpu.memory_space<vmem>> -> memref<128xi32, #tpu.memory_space<vmem>>
        %dma_start3A_306 = arith.constant 0 : i32
        %dma_start3A_307 = arith.constant 0 : i32
        %dma_start3A_308 = tpu.memref_slice %arg10[%dma_start3A_306, %dma_start3A_307] : memref<10112x128xf32, #tpu.memory_space<vmem_shared>> -> memref<10112x128xf32, #tpu.memory_space<vmem_shared>>
        tpu.enqueue_indirect_dma source(%arg8 : memref<128x128xf32, #tpu.memory_space<vmem>>) target(%dma_start3A_308 : memref<10112x128xf32, #tpu.memory_space<vmem_shared>>) offsets(%dma_start3A_305 : memref<128xi32, #tpu.memory_space<vmem>>) semaphore(%arg13 : memref<!tpu.dma_semaphore, #tpu.memory_space<semaphore_mem>>) {add = true}
        %dma_wait3A_309 = arith.constant 0 : i32
        %dma_wait3A_310 = tpu.memref_slice %arg7[%mul3A_280, %dma_wait3A_309] : memref<28x128xi32, #tpu.memory_space<vmem>> -> memref<1x128xi32, #tpu.memory_space<vmem>>
        %dma_wait3A_311 = tpu.memref_squeeze %dma_wait3A_310 : memref<1x128xi32, #tpu.memory_space<vmem>> -> memref<128xi32, #tpu.memory_space<vmem>>
        %dma_wait3A_312 = arith.constant 0 : i32
        %dma_wait3A_313 = arith.constant 0 : i32
        %dma_wait3A_314 = tpu.memref_slice %arg10[%dma_wait3A_312, %dma_wait3A_313] : memref<10112x128xf32, #tpu.memory_space<vmem_shared>> -> memref<10112x128xf32, #tpu.memory_space<vmem_shared>>
        tpu.wait_indirect_dma semaphore(%arg13 : memref<!tpu.dma_semaphore, #tpu.memory_space<semaphore_mem>>) src(%arg8 : memref<128x128xf32, #tpu.memory_space<vmem>>) dst(%dma_wait3A_314 : memref<10112x128xf32, #tpu.memory_space<vmem_shared>>)
        %add3A_315 = arith.constant 2 : i32
        %add3A_316 = arith.addi %add3A_278, %add3A_315 : i32
        %lt3A = arith.constant 84 : i32
        %lt3A_317 = arith.cmpi slt, %add3A_316, %lt3A : i32
        %convert_element_type3A_318 = arith.extui %lt3A_317 : i1 to i32
        %cond3A_319 = arith.constant 0 : i32
        %cond3A_320 = arith.cmpi ne, %convert_element_type3A_318, %cond3A_319 : i32
        scf.if %cond3A_320 {
          %add3A_347 = arith.constant 2 : i32
          %add3A_348 = arith.addi %add3A_278, %add3A_347 : i32
          %mul3A_349 = arith.constant 128 : i32
          %mul3A_350 = arith.muli %add3A_348, %mul3A_349 : i32
          %dma_start3A_351 = tpu.memref_slice %arg6[%mul3A_350] : memref<10752xi32, #tpu.memory_space<vmem>> -> memref<128xi32, #tpu.memory_space<vmem>>
          %dma_start3A_352 = arith.constant 0 : i32
          %dma_start3A_353 = arith.constant 0 : i32
          %dma_start3A_354 = tpu.memref_slice %arg2[%add3A_14, %dma_start3A_352, %dma_start3A_353] : memref<4x10000x128xf32, #tpu.memory_space<hbm>> -> memref<1x10000x128xf32, #tpu.memory_space<hbm>>
          %dma_start3A_355 = tpu.memref_squeeze %dma_start3A_354 : memref<1x10000x128xf32, #tpu.memory_space<hbm>> -> memref<10000x128xf32, #tpu.memory_space<hbm>>
          %dma_start3A_356 = arith.constant 0 : i32
          %dma_start3A_357 = arith.constant 0 : i32
          %dma_start3A_358 = tpu.memref_slice %dma_start3A_355[%dma_start3A_356, %dma_start3A_357] : memref<10000x128xf32, #tpu.memory_space<hbm>> -> memref<10000x128xf32, #tpu.memory_space<hbm>>
          tpu.enqueue_indirect_dma source(%dma_start3A_358 : memref<10000x128xf32, #tpu.memory_space<hbm>>) target(%arg8 : memref<128x128xf32, #tpu.memory_space<vmem>>) offsets(%dma_start3A_351 : memref<128xi32, #tpu.memory_space<vmem>>) semaphore(%arg11 : memref<!tpu.dma_semaphore, #tpu.memory_space<semaphore_mem>>)
        } else {
        }
        %add3A_321 = arith.constant 1 : i32
        %add3A_322 = arith.addi %add3A_278, %add3A_321 : i32
        %mul3A_323 = arith.constant 128 : i32
        %mul3A_324 = arith.muli %add3A_322, %mul3A_323 : i32
        %dma_wait3A_325 = tpu.memref_slice %arg6[%mul3A_324] : memref<10752xi32, #tpu.memory_space<vmem>> -> memref<128xi32, #tpu.memory_space<vmem>>
        %dma_wait3A_326 = arith.constant 0 : i32
        %dma_wait3A_327 = arith.constant 0 : i32
        %dma_wait3A_328 = tpu.memref_slice %arg2[%add3A_14, %dma_wait3A_326, %dma_wait3A_327] : memref<4x10000x128xf32, #tpu.memory_space<hbm>> -> memref<1x10000x128xf32, #tpu.memory_space<hbm>>
        %dma_wait3A_329 = tpu.memref_squeeze %dma_wait3A_328 : memref<1x10000x128xf32, #tpu.memory_space<hbm>> -> memref<10000x128xf32, #tpu.memory_space<hbm>>
        %dma_wait3A_330 = arith.constant 0 : i32
        %dma_wait3A_331 = arith.constant 0 : i32
        %dma_wait3A_332 = tpu.memref_slice %dma_wait3A_329[%dma_wait3A_330, %dma_wait3A_331] : memref<10000x128xf32, #tpu.memory_space<hbm>> -> memref<10000x128xf32, #tpu.memory_space<hbm>>
        tpu.wait_indirect_dma semaphore(%arg12 : memref<!tpu.dma_semaphore, #tpu.memory_space<semaphore_mem>>) src(%dma_wait3A_332 : memref<10000x128xf32, #tpu.memory_space<hbm>>) dst(%arg9 : memref<128x128xf32, #tpu.memory_space<vmem>>)
        %add3A_333 = arith.constant 1 : i32
        %add3A_334 = arith.addi %mul3A_280, %add3A_333 : i32
        %dma_start3A_335 = arith.constant 0 : i32
        %dma_start3A_336 = tpu.memref_slice %arg7[%add3A_334, %dma_start3A_335] : memref<28x128xi32, #tpu.memory_space<vmem>> -> memref<1x128xi32, #tpu.memory_space<vmem>>
        %dma_start3A_337 = tpu.memref_squeeze %dma_start3A_336 : memref<1x128xi32, #tpu.memory_space<vmem>> -> memref<128xi32, #tpu.memory_space<vmem>>
        %dma_start3A_338 = arith.constant 0 : i32
        %dma_start3A_339 = arith.constant 0 : i32
        %dma_start3A_340 = tpu.memref_slice %arg10[%dma_start3A_338, %dma_start3A_339] : memref<10112x128xf32, #tpu.memory_space<vmem_shared>> -> memref<10112x128xf32, #tpu.memory_space<vmem_shared>>
        tpu.enqueue_indirect_dma source(%arg9 : memref<128x128xf32, #tpu.memory_space<vmem>>) target(%dma_start3A_340 : memref<10112x128xf32, #tpu.memory_space<vmem_shared>>) offsets(%dma_start3A_337 : memref<128xi32, #tpu.memory_space<vmem>>) semaphore(%arg14 : memref<!tpu.dma_semaphore, #tpu.memory_space<semaphore_mem>>) {add = true}
        %dma_wait3A_341 = arith.constant 0 : i32
        %dma_wait3A_342 = tpu.memref_slice %arg7[%add3A_334, %dma_wait3A_341] : memref<28x128xi32, #tpu.memory_space<vmem>> -> memref<1x128xi32, #tpu.memory_space<vmem>>
        %dma_wait3A_343 = tpu.memref_squeeze %dma_wait3A_342 : memref<1x128xi32, #tpu.memory_space<vmem>> -> memref<128xi32, #tpu.memory_space<vmem>>
        %dma_wait3A_344 = arith.constant 0 : i32
        %dma_wait3A_345 = arith.constant 0 : i32
        %dma_wait3A_346 = tpu.memref_slice %arg10[%dma_wait3A_344, %dma_wait3A_345] : memref<10112x128xf32, #tpu.memory_space<vmem_shared>> -> memref<10112x128xf32, #tpu.memory_space<vmem_shared>>
        tpu.wait_indirect_dma semaphore(%arg14 : memref<!tpu.dma_semaphore, #tpu.memory_space<semaphore_mem>>) src(%arg9 : memref<128x128xf32, #tpu.memory_space<vmem>>) dst(%dma_wait3A_346 : memref<10112x128xf32, #tpu.memory_space<vmem_shared>>)
      }
      %scan3A_268 = arith.constant 14 : i32
    }
    %scan3A_105 = arith.constant 3 : i32
    %barrier3A_106 = arith.constant 0 : index
    tpu.barrier barrier_id(%barrier3A_106)
    %mul3A_107 = arith.constant 624 : i32
    %mul3A_108 = arith.muli %arg1, %mul3A_107 : i32
    %mul3A_109 = arith.constant 624 : i32
    %mul3A_110 = arith.muli %arg1, %mul3A_109 : i32
    %dma_start3A_111 = arith.constant 0 : i32
    %dma_start3A_112 = tpu.memref_slice %arg5[%add3A_14, %mul3A_110, %dma_start3A_111] : memref<4x10000x128xf32, #tpu.memory_space<hbm>> -> memref<1x624x128xf32, #tpu.memory_space<hbm>>
    %dma_start3A_113 = tpu.memref_squeeze %dma_start3A_112 : memref<1x624x128xf32, #tpu.memory_space<hbm>> -> memref<624x128xf32, #tpu.memory_space<hbm>>
    %dma_start3A_114 = arith.constant 0 : i32
    %dma_start3A_115 = tpu.memref_slice %arg10[%mul3A_108, %dma_start3A_114] : memref<10112x128xf32, #tpu.memory_space<vmem_shared>> -> memref<624x128xf32, #tpu.memory_space<vmem_shared>>
    tpu.enqueue_dma source(%dma_start3A_115 : memref<624x128xf32, #tpu.memory_space<vmem_shared>>) target(%dma_start3A_113 : memref<624x128xf32, #tpu.memory_space<hbm>>) target_semaphore(%arg15 : memref<!tpu.dma_semaphore, #tpu.memory_space<semaphore_mem>>)
    %dma_wait3A_116 = arith.constant 0 : i32
    %dma_wait3A_117 = tpu.memref_slice %arg5[%add3A_14, %mul3A_110, %dma_wait3A_116] : memref<4x10000x128xf32, #tpu.memory_space<hbm>> -> memref<1x624x128xf32, #tpu.memory_space<hbm>>
    %dma_wait3A_118 = tpu.memref_squeeze %dma_wait3A_117 : memref<1x624x128xf32, #tpu.memory_space<hbm>> -> memref<624x128xf32, #tpu.memory_space<hbm>>
    %dma_wait3A_119 = arith.constant 0 : i32
    %dma_wait3A_120 = tpu.memref_slice %arg10[%mul3A_108, %dma_wait3A_119] : memref<10112x128xf32, #tpu.memory_space<vmem_shared>> -> memref<624x128xf32, #tpu.memory_space<vmem_shared>>
    tpu.wait_dma2 semaphore(%arg15 : memref<!tpu.dma_semaphore, #tpu.memory_space<semaphore_mem>>) src(%dma_wait3A_120 : memref<624x128xf32, #tpu.memory_space<vmem_shared>>) dst(%dma_wait3A_118 : memref<624x128xf32, #tpu.memory_space<hbm>>)
    %eq3A = arith.constant 0 : i32
    %eq3A_121 = arith.cmpi eq, %arg1, %eq3A : i32
    %convert_element_type3A = arith.extui %eq3A_121 : i1 to i32
    %cond3A = arith.constant 0 : i32
    %cond3A_122 = arith.cmpi ne, %convert_element_type3A, %cond3A : i32
    scf.if %cond3A_122 {
      %dma_start3A_243 = arith.constant 9984 : i32
      %dma_start3A_244 = arith.constant 0 : i32
      %dma_start3A_245 = tpu.memref_slice %arg5[%add3A_14, %dma_start3A_243, %dma_start3A_244] : memref<4x10000x128xf32, #tpu.memory_space<hbm>> -> memref<1x16x128xf32, #tpu.memory_space<hbm>>
      %dma_start3A_246 = tpu.memref_squeeze %dma_start3A_245 : memref<1x16x128xf32, #tpu.memory_space<hbm>> -> memref<16x128xf32, #tpu.memory_space<hbm>>
      %dma_start3A_247 = arith.constant 9984 : i32
      %dma_start3A_248 = arith.constant 0 : i32
      %dma_start3A_249 = tpu.memref_slice %arg10[%dma_start3A_247, %dma_start3A_248] : memref<10112x128xf32, #tpu.memory_space<vmem_shared>> -> memref<16x128xf32, #tpu.memory_space<vmem_shared>>
      tpu.enqueue_dma source(%dma_start3A_249 : memref<16x128xf32, #tpu.memory_space<vmem_shared>>) target(%dma_start3A_246 : memref<16x128xf32, #tpu.memory_space<hbm>>) target_semaphore(%arg15 : memref<!tpu.dma_semaphore, #tpu.memory_space<semaphore_mem>>)
      %dma_wait3A_250 = arith.constant 9984 : i32
      %dma_wait3A_251 = arith.constant 0 : i32
      %dma_wait3A_252 = tpu.memref_slice %arg5[%add3A_14, %dma_wait3A_250, %dma_wait3A_251] : memref<4x10000x128xf32, #tpu.memory_space<hbm>> -> memref<1x16x128xf32, #tpu.memory_space<hbm>>
      %dma_wait3A_253 = tpu.memref_squeeze %dma_wait3A_252 : memref<1x16x128xf32, #tpu.memory_space<hbm>> -> memref<16x128xf32, #tpu.memory_space<hbm>>
      %dma_wait3A_254 = arith.constant 9984 : i32
      %dma_wait3A_255 = arith.constant 0 : i32
      %dma_wait3A_256 = tpu.memref_slice %arg10[%dma_wait3A_254, %dma_wait3A_255] : memref<10112x128xf32, #tpu.memory_space<vmem_shared>> -> memref<16x128xf32, #tpu.memory_space<vmem_shared>>
      tpu.wait_dma2 semaphore(%arg15 : memref<!tpu.dma_semaphore, #tpu.memory_space<semaphore_mem>>) src(%dma_wait3A_256 : memref<16x128xf32, #tpu.memory_space<vmem_shared>>) dst(%dma_wait3A_253 : memref<16x128xf32, #tpu.memory_space<hbm>>)
    } else {
    }
    %barrier3A_123 = arith.constant 0 : index
    tpu.barrier barrier_id(%barrier3A_123)
    %mul3A_124 = arith.constant 2 : i32
    %mul3A_125 = arith.muli %arg0, %mul3A_124 : i32
    %add3A_126 = arith.constant 1 : i32
    %add3A_127 = arith.addi %mul3A_125, %add3A_126 : i32
    %scan3A_128 = arith.constant 0 : i32
    %scan3A_129 = arith.constant 128 : i32
    %scan3A_130 = arith.addi %scan3A_128, %scan3A_129 : i32
    %scan3A_131 = arith.constant 1 : i32
    scf.for %scan3A_243 = %scan3A_128 to %scan3A_130 step %scan3A_131  : i32 {
      %mul3A_244 = arith.constant 1 : i32
      %mul3A_245 = arith.muli %scan3A_243, %mul3A_244 : i32
      %add3A_246 = arith.constant 0 : i32
      %add3A_247 = arith.addi %add3A_246, %mul3A_245 : i32
      %swap3A = arith.index_cast %add3A_247 : i32 to index
      %swap3A_248 = arith.constant 0 : index
      %swap3A_249 = tpu.vector_load %arg8[%swap3A, %swap3A_248] {strides = array<i32>} : memref<128x128xf32, #tpu.memory_space<vmem>>, vector<16xf32>,
      tpu.vector_store %arg8[%swap3A, %swap3A_248], %broadcast_in_dim3A_12 {strides = array<i32>} : memref<128x128xf32, #tpu.memory_space<vmem>>, vector<16xf32>,
      %swap3A_250 = arith.index_cast %add3A_247 : i32 to index
      %swap3A_251 = arith.constant 16 : index
      %swap3A_252 = tpu.vector_load %arg8[%swap3A_250, %swap3A_251] {strides = array<i32>} : memref<128x128xf32, #tpu.memory_space<vmem>>, vector<16xf32>,
      tpu.vector_store %arg8[%swap3A_250, %swap3A_251], %broadcast_in_dim3A_12 {strides = array<i32>} : memref<128x128xf32, #tpu.memory_space<vmem>>, vector<16xf32>,
      %swap3A_253 = arith.index_cast %add3A_247 : i32 to index
      %swap3A_254 = arith.constant 32 : index
      %swap3A_255 = tpu.vector_load %arg8[%swap3A_253, %swap3A_254] {strides = array<i32>} : memref<128x128xf32, #tpu.memory_space<vmem>>, vector<16xf32>,
      tpu.vector_store %arg8[%swap3A_253, %swap3A_254], %broadcast_in_dim3A_12 {strides = array<i32>} : memref<128x128xf32, #tpu.memory_space<vmem>>, vector<16xf32>,
      %swap3A_256 = arith.index_cast %add3A_247 : i32 to index
      %swap3A_257 = arith.constant 48 : index
      %swap3A_258 = tpu.vector_load %arg8[%swap3A_256, %swap3A_257] {strides = array<i32>} : memref<128x128xf32, #tpu.memory_space<vmem>>, vector<16xf32>,
      tpu.vector_store %arg8[%swap3A_256, %swap3A_257], %broadcast_in_dim3A_12 {strides = array<i32>} : memref<128x128xf32, #tpu.memory_space<vmem>>, vector<16xf32>,
      %swap3A_259 = arith.index_cast %add3A_247 : i32 to index
      %swap3A_260 = arith.constant 64 : index
      %swap3A_261 = tpu.vector_load %arg8[%swap3A_259, %swap3A_260] {strides = array<i32>} : memref<128x128xf32, #tpu.memory_space<vmem>>, vector<16xf32>,
      tpu.vector_store %arg8[%swap3A_259, %swap3A_260], %broadcast_in_dim3A_12 {strides = array<i32>} : memref<128x128xf32, #tpu.memory_space<vmem>>, vector<16xf32>,
      %swap3A_262 = arith.index_cast %add3A_247 : i32 to index
      %swap3A_263 = arith.constant 80 : index
      %swap3A_264 = tpu.vector_load %arg8[%swap3A_262, %swap3A_263] {strides = array<i32>} : memref<128x128xf32, #tpu.memory_space<vmem>>, vector<16xf32>,
      tpu.vector_store %arg8[%swap3A_262, %swap3A_263], %broadcast_in_dim3A_12 {strides = array<i32>} : memref<128x128xf32, #tpu.memory_space<vmem>>, vector<16xf32>,
      %swap3A_265 = arith.index_cast %add3A_247 : i32 to index
      %swap3A_266 = arith.constant 96 : index
      %swap3A_267 = tpu.vector_load %arg8[%swap3A_265, %swap3A_266] {strides = array<i32>} : memref<128x128xf32, #tpu.memory_space<vmem>>, vector<16xf32>,
      tpu.vector_store %arg8[%swap3A_265, %swap3A_266], %broadcast_in_dim3A_12 {strides = array<i32>} : memref<128x128xf32, #tpu.memory_space<vmem>>, vector<16xf32>,
      %swap3A_268 = arith.index_cast %add3A_247 : i32 to index
      %swap3A_269 = arith.constant 112 : index
      %swap3A_270 = tpu.vector_load %arg8[%swap3A_268, %swap3A_269] {strides = array<i32>} : memref<128x128xf32, #tpu.memory_space<vmem>>, vector<16xf32>,
      tpu.vector_store %arg8[%swap3A_268, %swap3A_269], %broadcast_in_dim3A_12 {strides = array<i32>} : memref<128x128xf32, #tpu.memory_space<vmem>>, vector<16xf32>,
    }
    %scan3A_132 = arith.constant 128 : i32
    %mul3A_133 = arith.constant 632 : i32
    %mul3A_134 = arith.muli %arg1, %mul3A_133 : i32
    %add3A_135 = arith.constant 0 : i32
    %add3A_136 = arith.addi %mul3A_134, %add3A_135 : i32
    %dma_start3A_137 = arith.constant 0 : i32
    %dma_start3A_138 = tpu.memref_slice %arg10[%add3A_136, %dma_start3A_137] : memref<10112x128xf32, #tpu.memory_space<vmem_shared>> -> memref<128x128xf32, #tpu.memory_space<vmem_shared>>
    %dma_start3A_139 = arith.constant 0 : i32
    %dma_start3A_140 = tpu.memref_slice %arg10[%add3A_136, %dma_start3A_139] : memref<10112x128xf32, #tpu.memory_space<vmem_shared>> -> memref<128x128xf32, #tpu.memory_space<vmem_shared>>
    tpu.enqueue_dma source(%arg8 : memref<128x128xf32, #tpu.memory_space<vmem>>) target(%dma_start3A_140 : memref<128x128xf32, #tpu.memory_space<vmem_shared>>) target_semaphore(%arg15 : memref<!tpu.dma_semaphore, #tpu.memory_space<semaphore_mem>>)
    %dma_wait3A_141 = arith.constant 0 : i32
    %dma_wait3A_142 = tpu.memref_slice %arg10[%add3A_136, %dma_wait3A_141] : memref<10112x128xf32, #tpu.memory_space<vmem_shared>> -> memref<128x128xf32, #tpu.memory_space<vmem_shared>>
    %dma_wait3A_143 = arith.constant 0 : i32
    %dma_wait3A_144 = tpu.memref_slice %arg10[%add3A_136, %dma_wait3A_143] : memref<10112x128xf32, #tpu.memory_space<vmem_shared>> -> memref<128x128xf32, #tpu.memory_space<vmem_shared>>
    tpu.wait_dma2 semaphore(%arg15 : memref<!tpu.dma_semaphore, #tpu.memory_space<semaphore_mem>>) src(%arg8 : memref<128x128xf32, #tpu.memory_space<vmem>>) dst(%dma_wait3A_144 : memref<128x128xf32, #tpu.memory_space<vmem_shared>>)
    %mul3A_145 = arith.constant 632 : i32
    %mul3A_146 = arith.muli %arg1, %mul3A_145 : i32
    %add3A_147 = arith.constant 128 : i32
    %add3A_148 = arith.addi %mul3A_146, %add3A_147 : i32
    %dma_start3A_149 = arith.constant 0 : i32
    %dma_start3A_150 = tpu.memref_slice %arg10[%add3A_148, %dma_start3A_149] : memref<10112x128xf32, #tpu.memory_space<vmem_shared>> -> memref<128x128xf32, #tpu.memory_space<vmem_shared>>
    %dma_start3A_151 = arith.constant 0 : i32
    %dma_start3A_152 = tpu.memref_slice %arg10[%add3A_148, %dma_start3A_151] : memref<10112x128xf32, #tpu.memory_space<vmem_shared>> -> memref<128x128xf32, #tpu.memory_space<vmem_shared>>
    tpu.enqueue_dma source(%arg8 : memref<128x128xf32, #tpu.memory_space<vmem>>) target(%dma_start3A_152 : memref<128x128xf32, #tpu.memory_space<vmem_shared>>) target_semaphore(%arg15 : memref<!tpu.dma_semaphore, #tpu.memory_space<semaphore_mem>>)
    %dma_wait3A_153 = arith.constant 0 : i32
    %dma_wait3A_154 = tpu.memref_slice %arg10[%add3A_148, %dma_wait3A_153] : memref<10112x128xf32, #tpu.memory_space<vmem_shared>> -> memref<128x128xf32, #tpu.memory_space<vmem_shared>>
    %dma_wait3A_155 = arith.constant 0 : i32
    %dma_wait3A_156 = tpu.memref_slice %arg10[%add3A_148, %dma_wait3A_155] : memref<10112x128xf32, #tpu.memory_space<vmem_shared>> -> memref<128x128xf32, #tpu.memory_space<vmem_shared>>
    tpu.wait_dma2 semaphore(%arg15 : memref<!tpu.dma_semaphore, #tpu.memory_space<semaphore_mem>>) src(%arg8 : memref<128x128xf32, #tpu.memory_space<vmem>>) dst(%dma_wait3A_156 : memref<128x128xf32, #tpu.memory_space<vmem_shared>>)
    %mul3A_157 = arith.constant 632 : i32
    %mul3A_158 = arith.muli %arg1, %mul3A_157 : i32
    %add3A_159 = arith.constant 256 : i32
    %add3A_160 = arith.addi %mul3A_158, %add3A_159 : i32
    %dma_start3A_161 = arith.constant 0 : i32
    %dma_start3A_162 = tpu.memref_slice %arg10[%add3A_160, %dma_start3A_161] : memref<10112x128xf32, #tpu.memory_space<vmem_shared>> -> memref<128x128xf32, #tpu.memory_space<vmem_shared>>
    %dma_start3A_163 = arith.constant 0 : i32
    %dma_start3A_164 = tpu.memref_slice %arg10[%add3A_160, %dma_start3A_163] : memref<10112x128xf32, #tpu.memory_space<vmem_shared>> -> memref<128x128xf32, #tpu.memory_space<vmem_shared>>
    tpu.enqueue_dma source(%arg8 : memref<128x128xf32, #tpu.memory_space<vmem>>) target(%dma_start3A_164 : memref<128x128xf32, #tpu.memory_space<vmem_shared>>) target_semaphore(%arg15 : memref<!tpu.dma_semaphore, #tpu.memory_space<semaphore_mem>>)
    %dma_wait3A_165 = arith.constant 0 : i32
    %dma_wait3A_166 = tpu.memref_slice %arg10[%add3A_160, %dma_wait3A_165] : memref<10112x128xf32, #tpu.memory_space<vmem_shared>> -> memref<128x128xf32, #tpu.memory_space<vmem_shared>>
    %dma_wait3A_167 = arith.constant 0 : i32
    %dma_wait3A_168 = tpu.memref_slice %arg10[%add3A_160, %dma_wait3A_167] : memref<10112x128xf32, #tpu.memory_space<vmem_shared>> -> memref<128x128xf32, #tpu.memory_space<vmem_shared>>
    tpu.wait_dma2 semaphore(%arg15 : memref<!tpu.dma_semaphore, #tpu.memory_space<semaphore_mem>>) src(%arg8 : memref<128x128xf32, #tpu.memory_space<vmem>>) dst(%dma_wait3A_168 : memref<128x128xf32, #tpu.memory_space<vmem_shared>>)
    %mul3A_169 = arith.constant 632 : i32
    %mul3A_170 = arith.muli %arg1, %mul3A_169 : i32
    %add3A_171 = arith.constant 384 : i32
    %add3A_172 = arith.addi %mul3A_170, %add3A_171 : i32
    %dma_start3A_173 = arith.constant 0 : i32
    %dma_start3A_174 = tpu.memref_slice %arg10[%add3A_172, %dma_start3A_173] : memref<10112x128xf32, #tpu.memory_space<vmem_shared>> -> memref<128x128xf32, #tpu.memory_space<vmem_shared>>
    %dma_start3A_175 = arith.constant 0 : i32
    %dma_start3A_176 = tpu.memref_slice %arg10[%add3A_172, %dma_start3A_175] : memref<10112x128xf32, #tpu.memory_space<vmem_shared>> -> memref<128x128xf32, #tpu.memory_space<vmem_shared>>
    tpu.enqueue_dma source(%arg8 : memref<128x128xf32, #tpu.memory_space<vmem>>) target(%dma_start3A_176 : memref<128x128xf32, #tpu.memory_space<vmem_shared>>) target_semaphore(%arg15 : memref<!tpu.dma_semaphore, #tpu.memory_space<semaphore_mem>>)
    %dma_wait3A_177 = arith.constant 0 : i32
    %dma_wait3A_178 = tpu.memref_slice %arg10[%add3A_172, %dma_wait3A_177] : memref<10112x128xf32, #tpu.memory_space<vmem_shared>> -> memref<128x128xf32, #tpu.memory_space<vmem_shared>>
    %dma_wait3A_179 = arith.constant 0 : i32
    %dma_wait3A_180 = tpu.memref_slice %arg10[%add3A_172, %dma_wait3A_179] : memref<10112x128xf32, #tpu.memory_space<vmem_shared>> -> memref<128x128xf32, #tpu.memory_space<vmem_shared>>
    tpu.wait_dma2 semaphore(%arg15 : memref<!tpu.dma_semaphore, #tpu.memory_space<semaphore_mem>>) src(%arg8 : memref<128x128xf32, #tpu.memory_space<vmem>>) dst(%dma_wait3A_180 : memref<128x128xf32, #tpu.memory_space<vmem_shared>>)
    %mul3A_181 = arith.constant 632 : i32
    %mul3A_182 = arith.muli %arg1, %mul3A_181 : i32
    %add3A_183 = arith.constant 632 : i32
    %add3A_184 = arith.addi %mul3A_182, %add3A_183 : i32
    %sub3A_185 = arith.constant 120 : i32
    %sub3A_186 = arith.subi %add3A_184, %sub3A_185 : i32
    %dma_start3A_187 = arith.constant 0 : i32
    %dma_start3A_188 = arith.constant 0 : i32
    %dma_start3A_189 = tpu.memref_slice %arg8[%dma_start3A_187, %dma_start3A_188] : memref<128x128xf32, #tpu.memory_space<vmem>> -> memref<120x128xf32, #tpu.memory_space<vmem>>
    %dma_start3A_190 = arith.constant 0 : i32
    %dma_start3A_191 = tpu.memref_slice %arg10[%sub3A_186, %dma_start3A_190] : memref<10112x128xf32, #tpu.memory_space<vmem_shared>> -> memref<120x128xf32, #tpu.memory_space<vmem_shared>>
    %dma_start3A_192 = arith.constant 0 : i32
    %dma_start3A_193 = tpu.memref_slice %arg10[%sub3A_186, %dma_start3A_192] : memref<10112x128xf32, #tpu.memory_space<vmem_shared>> -> memref<120x128xf32, #tpu.memory_space<vmem_shared>>
    %dma_start3A_194 = arith.constant 0 : i32
    %dma_start3A_195 = arith.constant 0 : i32
    %dma_start3A_196 = tpu.memref_slice %arg8[%dma_start3A_194, %dma_start3A_195] : memref<128x128xf32, #tpu.memory_space<vmem>> -> memref<120x128xf32, #tpu.memory_space<vmem>>
    tpu.enqueue_dma source(%dma_start3A_196 : memref<120x128xf32, #tpu.memory_space<vmem>>) target(%dma_start3A_193 : memref<120x128xf32, #tpu.memory_space<vmem_shared>>) target_semaphore(%arg15 : memref<!tpu.dma_semaphore, #tpu.memory_space<semaphore_mem>>)
    %dma_wait3A_197 = arith.constant 0 : i32
    %dma_wait3A_198 = arith.constant 0 : i32
    %dma_wait3A_199 = tpu.memref_slice %arg8[%dma_wait3A_197, %dma_wait3A_198] : memref<128x128xf32, #tpu.memory_space<vmem>> -> memref<120x128xf32, #tpu.memory_space<vmem>>
    %dma_wait3A_200 = arith.constant 0 : i32
    %dma_wait3A_201 = tpu.memref_slice %arg10[%sub3A_186, %dma_wait3A_200] : memref<10112x128xf32, #tpu.memory_space<vmem_shared>> -> memref<120x128xf32, #tpu.memory_space<vmem_shared>>
    %dma_wait3A_202 = arith.constant 0 : i32
    %dma_wait3A_203 = tpu.memref_slice %arg10[%sub3A_186, %dma_wait3A_202] : memref<10112x128xf32, #tpu.memory_space<vmem_shared>> -> memref<120x128xf32, #tpu.memory_space<vmem_shared>>
    %dma_wait3A_204 = arith.constant 0 : i32
    %dma_wait3A_205 = arith.constant 0 : i32
    %dma_wait3A_206 = tpu.memref_slice %arg8[%dma_wait3A_204, %dma_wait3A_205] : memref<128x128xf32, #tpu.memory_space<vmem>> -> memref<120x128xf32, #tpu.memory_space<vmem>>
    tpu.wait_dma2 semaphore(%arg15 : memref<!tpu.dma_semaphore, #tpu.memory_space<semaphore_mem>>) src(%dma_wait3A_206 : memref<120x128xf32, #tpu.memory_space<vmem>>) dst(%dma_wait3A_203 : memref<120x128xf32, #tpu.memory_space<vmem_shared>>)
    %barrier3A_207 = arith.constant 0 : index
    tpu.barrier barrier_id(%barrier3A_207)
    %dma_start3A_208 = arith.constant 0 : i32
    %dma_start3A_209 = tpu.memref_slice %arg6[%dma_start3A_208] : memref<10752xi32, #tpu.memory_space<vmem>> -> memref<128xi32, #tpu.memory_space<vmem>>
    %dma_start3A_210 = arith.constant 0 : i32
    %dma_start3A_211 = arith.constant 0 : i32
    %dma_start3A_212 = tpu.memref_slice %arg2[%add3A_127, %dma_start3A_210, %dma_start3A_211] : memref<4x10000x128xf32, #tpu.memory_space<hbm>> -> memref<1x10000x128xf32, #tpu.memory_space<hbm>>
    %dma_start3A_213 = tpu.memref_squeeze %dma_start3A_212 : memref<1x10000x128xf32, #tpu.memory_space<hbm>> -> memref<10000x128xf32, #tpu.memory_space<hbm>>
    %dma_start3A_214 = arith.constant 0 : i32
    %dma_start3A_215 = arith.constant 0 : i32
    %dma_start3A_216 = tpu.memref_slice %dma_start3A_213[%dma_start3A_214, %dma_start3A_215] : memref<10000x128xf32, #tpu.memory_space<hbm>> -> memref<10000x128xf32, #tpu.memory_space<hbm>>
    tpu.enqueue_indirect_dma source(%dma_start3A_216 : memref<10000x128xf32, #tpu.memory_space<hbm>>) target(%arg8 : memref<128x128xf32, #tpu.memory_space<vmem>>) offsets(%dma_start3A_209 : memref<128xi32, #tpu.memory_space<vmem>>) semaphore(%arg11 : memref<!tpu.dma_semaphore, #tpu.memory_space<semaphore_mem>>)
    %scan3A_217 = arith.constant 0 : i32
    %scan3A_218 = arith.constant 3 : i32
    %scan3A_219 = arith.addi %scan3A_217, %scan3A_218 : i32
    %scan3A_220 = arith.constant 1 : i32
    scf.for %scan3A_243 = %scan3A_217 to %scan3A_219 step %scan3A_220  : i32 {
      %mul3A_244 = arith.constant 1 : i32
      %mul3A_245 = arith.muli %scan3A_243, %mul3A_244 : i32
      %add3A_246 = arith.constant 0 : i32
      %add3A_247 = arith.addi %add3A_246, %mul3A_245 : i32
      %dma_start3A_248 = arith.constant 0 : i32
      %dma_start3A_249 = arith.constant 0 : i32
      %dma_start3A_250 = tpu.memref_slice %arg4[%arg1, %add3A_247, %dma_start3A_248, %dma_start3A_249] : memref<16x3x28x128xi32, #tpu.memory_space<hbm>> -> memref<1x1x28x128xi32, #tpu.memory_space<hbm>>
      %dma_start3A_251 = tpu.memref_squeeze %dma_start3A_250 : memref<1x1x28x128xi32, #tpu.memory_space<hbm>> -> memref<28x128xi32, #tpu.memory_space<hbm>>
      %dma_start3A_252 = arith.constant 0 : i32
      %dma_start3A_253 = arith.constant 0 : i32
      %dma_start3A_254 = tpu.memref_slice %arg4[%arg1, %add3A_247, %dma_start3A_252, %dma_start3A_253] : memref<16x3x28x128xi32, #tpu.memory_space<hbm>> -> memref<1x1x28x128xi32, #tpu.memory_space<hbm>>
      %dma_start3A_255 = tpu.memref_squeeze %dma_start3A_254 : memref<1x1x28x128xi32, #tpu.memory_space<hbm>> -> memref<28x128xi32, #tpu.memory_space<hbm>>
      tpu.enqueue_dma source(%dma_start3A_255 : memref<28x128xi32, #tpu.memory_space<hbm>>) target(%arg7 : memref<28x128xi32, #tpu.memory_space<vmem>>) target_semaphore(%arg15 : memref<!tpu.dma_semaphore, #tpu.memory_space<semaphore_mem>>)
      %dma_wait3A_256 = arith.constant 0 : i32
      %dma_wait3A_257 = arith.constant 0 : i32
      %dma_wait3A_258 = tpu.memref_slice %arg4[%arg1, %add3A_247, %dma_wait3A_256, %dma_wait3A_257] : memref<16x3x28x128xi32, #tpu.memory_space<hbm>> -> memref<1x1x28x128xi32, #tpu.memory_space<hbm>>
      %dma_wait3A_259 = tpu.memref_squeeze %dma_wait3A_258 : memref<1x1x28x128xi32, #tpu.memory_space<hbm>> -> memref<28x128xi32, #tpu.memory_space<hbm>>
      %dma_wait3A_260 = arith.constant 0 : i32
      %dma_wait3A_261 = arith.constant 0 : i32
      %dma_wait3A_262 = tpu.memref_slice %arg4[%arg1, %add3A_247, %dma_wait3A_260, %dma_wait3A_261] : memref<16x3x28x128xi32, #tpu.memory_space<hbm>> -> memref<1x1x28x128xi32, #tpu.memory_space<hbm>>
      %dma_wait3A_263 = tpu.memref_squeeze %dma_wait3A_262 : memref<1x1x28x128xi32, #tpu.memory_space<hbm>> -> memref<28x128xi32, #tpu.memory_space<hbm>>
      tpu.wait_dma2 semaphore(%arg15 : memref<!tpu.dma_semaphore, #tpu.memory_space<semaphore_mem>>) src(%dma_wait3A_263 : memref<28x128xi32, #tpu.memory_space<hbm>>) dst(%arg7 : memref<28x128xi32, #tpu.memory_space<vmem>>)
      %scan3A_264 = arith.constant 0 : i32
      %scan3A_265 = arith.constant 14 : i32
      %scan3A_266 = arith.addi %scan3A_264, %scan3A_265 : i32
      %scan3A_267 = arith.constant 1 : i32
      scf.for %scan3A_269 = %scan3A_264 to %scan3A_266 step %scan3A_267  : i32 {
        %mul3A_270 = arith.constant 1 : i32
        %mul3A_271 = arith.muli %scan3A_269, %mul3A_270 : i32
        %add3A_272 = arith.constant 0 : i32
        %add3A_273 = arith.addi %add3A_272, %mul3A_271 : i32
        %mul3A_274 = arith.constant 28 : i32
        %mul3A_275 = arith.muli %add3A_247, %mul3A_274 : i32
        %mul3A_276 = arith.constant 2 : i32
        %mul3A_277 = arith.muli %mul3A_276, %add3A_273 : i32
        %add3A_278 = arith.addi %mul3A_275, %mul3A_277 : i32
        %mul3A_279 = arith.constant 2 : i32
        %mul3A_280 = arith.muli %mul3A_279, %add3A_273 : i32
        %add3A_281 = arith.constant 1 : i32
        %add3A_282 = arith.addi %add3A_278, %add3A_281 : i32
        %mul3A_283 = arith.constant 128 : i32
        %mul3A_284 = arith.muli %add3A_282, %mul3A_283 : i32
        %dma_start3A_285 = tpu.memref_slice %arg6[%mul3A_284] : memref<10752xi32, #tpu.memory_space<vmem>> -> memref<128xi32, #tpu.memory_space<vmem>>
        %dma_start3A_286 = arith.constant 0 : i32
        %dma_start3A_287 = arith.constant 0 : i32
        %dma_start3A_288 = tpu.memref_slice %arg2[%add3A_127, %dma_start3A_286, %dma_start3A_287] : memref<4x10000x128xf32, #tpu.memory_space<hbm>> -> memref<1x10000x128xf32, #tpu.memory_space<hbm>>
        %dma_start3A_289 = tpu.memref_squeeze %dma_start3A_288 : memref<1x10000x128xf32, #tpu.memory_space<hbm>> -> memref<10000x128xf32, #tpu.memory_space<hbm>>
        %dma_start3A_290 = arith.constant 0 : i32
        %dma_start3A_291 = arith.constant 0 : i32
        %dma_start3A_292 = tpu.memref_slice %dma_start3A_289[%dma_start3A_290, %dma_start3A_291] : memref<10000x128xf32, #tpu.memory_space<hbm>> -> memref<10000x128xf32, #tpu.memory_space<hbm>>
        tpu.enqueue_indirect_dma source(%dma_start3A_292 : memref<10000x128xf32, #tpu.memory_space<hbm>>) target(%arg9 : memref<128x128xf32, #tpu.memory_space<vmem>>) offsets(%dma_start3A_285 : memref<128xi32, #tpu.memory_space<vmem>>) semaphore(%arg12 : memref<!tpu.dma_semaphore, #tpu.memory_space<semaphore_mem>>)
        %mul3A_293 = arith.constant 128 : i32
        %mul3A_294 = arith.muli %add3A_278, %mul3A_293 : i32
        %dma_wait3A_295 = tpu.memref_slice %arg6[%mul3A_294] : memref<10752xi32, #tpu.memory_space<vmem>> -> memref<128xi32, #tpu.memory_space<vmem>>
        %dma_wait3A_296 = arith.constant 0 : i32
        %dma_wait3A_297 = arith.constant 0 : i32
        %dma_wait3A_298 = tpu.memref_slice %arg2[%add3A_127, %dma_wait3A_296, %dma_wait3A_297] : memref<4x10000x128xf32, #tpu.memory_space<hbm>> -> memref<1x10000x128xf32, #tpu.memory_space<hbm>>
        %dma_wait3A_299 = tpu.memref_squeeze %dma_wait3A_298 : memref<1x10000x128xf32, #tpu.memory_space<hbm>> -> memref<10000x128xf32, #tpu.memory_space<hbm>>
        %dma_wait3A_300 = arith.constant 0 : i32
        %dma_wait3A_301 = arith.constant 0 : i32
        %dma_wait3A_302 = tpu.memref_slice %dma_wait3A_299[%dma_wait3A_300, %dma_wait3A_301] : memref<10000x128xf32, #tpu.memory_space<hbm>> -> memref<10000x128xf32, #tpu.memory_space<hbm>>
        tpu.wait_indirect_dma semaphore(%arg11 : memref<!tpu.dma_semaphore, #tpu.memory_space<semaphore_mem>>) src(%dma_wait3A_302 : memref<10000x128xf32, #tpu.memory_space<hbm>>) dst(%arg8 : memref<128x128xf32, #tpu.memory_space<vmem>>)
        %dma_start3A_303 = arith.constant 0 : i32
        %dma_start3A_304 = tpu.memref_slice %arg7[%mul3A_280, %dma_start3A_303] : memref<28x128xi32, #tpu.memory_space<vmem>> -> memref<1x128xi32, #tpu.memory_space<vmem>>
        %dma_start3A_305 = tpu.memref_squeeze %dma_start3A_304 : memref<1x128xi32, #tpu.memory_space<vmem>> -> memref<128xi32, #tpu.memory_space<vmem>>
        %dma_start3A_306 = arith.constant 0 : i32
        %dma_start3A_307 = arith.constant 0 : i32
        %dma_start3A_308 = tpu.memref_slice %arg10[%dma_start3A_306, %dma_start3A_307] : memref<10112x128xf32, #tpu.memory_space<vmem_shared>> -> memref<10112x128xf32, #tpu.memory_space<vmem_shared>>
        tpu.enqueue_indirect_dma source(%arg8 : memref<128x128xf32, #tpu.memory_space<vmem>>) target(%dma_start3A_308 : memref<10112x128xf32, #tpu.memory_space<vmem_shared>>) offsets(%dma_start3A_305 : memref<128xi32, #tpu.memory_space<vmem>>) semaphore(%arg13 : memref<!tpu.dma_semaphore, #tpu.memory_space<semaphore_mem>>) {add = true}
        %dma_wait3A_309 = arith.constant 0 : i32
        %dma_wait3A_310 = tpu.memref_slice %arg7[%mul3A_280, %dma_wait3A_309] : memref<28x128xi32, #tpu.memory_space<vmem>> -> memref<1x128xi32, #tpu.memory_space<vmem>>
        %dma_wait3A_311 = tpu.memref_squeeze %dma_wait3A_310 : memref<1x128xi32, #tpu.memory_space<vmem>> -> memref<128xi32, #tpu.memory_space<vmem>>
        %dma_wait3A_312 = arith.constant 0 : i32
        %dma_wait3A_313 = arith.constant 0 : i32
        %dma_wait3A_314 = tpu.memref_slice %arg10[%dma_wait3A_312, %dma_wait3A_313] : memref<10112x128xf32, #tpu.memory_space<vmem_shared>> -> memref<10112x128xf32, #tpu.memory_space<vmem_shared>>
        tpu.wait_indirect_dma semaphore(%arg13 : memref<!tpu.dma_semaphore, #tpu.memory_space<semaphore_mem>>) src(%arg8 : memref<128x128xf32, #tpu.memory_space<vmem>>) dst(%dma_wait3A_314 : memref<10112x128xf32, #tpu.memory_space<vmem_shared>>)
        %add3A_315 = arith.constant 2 : i32
        %add3A_316 = arith.addi %add3A_278, %add3A_315 : i32
        %lt3A = arith.constant 84 : i32
        %lt3A_317 = arith.cmpi slt, %add3A_316, %lt3A : i32
        %convert_element_type3A_318 = arith.extui %lt3A_317 : i1 to i32
        %cond3A_319 = arith.constant 0 : i32
        %cond3A_320 = arith.cmpi ne, %convert_element_type3A_318, %cond3A_319 : i32
        scf.if %cond3A_320 {
          %add3A_347 = arith.constant 2 : i32
          %add3A_348 = arith.addi %add3A_278, %add3A_347 : i32
          %mul3A_349 = arith.constant 128 : i32
          %mul3A_350 = arith.muli %add3A_348, %mul3A_349 : i32
          %dma_start3A_351 = tpu.memref_slice %arg6[%mul3A_350] : memref<10752xi32, #tpu.memory_space<vmem>> -> memref<128xi32, #tpu.memory_space<vmem>>
          %dma_start3A_352 = arith.constant 0 : i32
          %dma_start3A_353 = arith.constant 0 : i32
          %dma_start3A_354 = tpu.memref_slice %arg2[%add3A_127, %dma_start3A_352, %dma_start3A_353] : memref<4x10000x128xf32, #tpu.memory_space<hbm>> -> memref<1x10000x128xf32, #tpu.memory_space<hbm>>
          %dma_start3A_355 = tpu.memref_squeeze %dma_start3A_354 : memref<1x10000x128xf32, #tpu.memory_space<hbm>> -> memref<10000x128xf32, #tpu.memory_space<hbm>>
          %dma_start3A_356 = arith.constant 0 : i32
          %dma_start3A_357 = arith.constant 0 : i32
          %dma_start3A_358 = tpu.memref_slice %dma_start3A_355[%dma_start3A_356, %dma_start3A_357] : memref<10000x128xf32, #tpu.memory_space<hbm>> -> memref<10000x128xf32, #tpu.memory_space<hbm>>
          tpu.enqueue_indirect_dma source(%dma_start3A_358 : memref<10000x128xf32, #tpu.memory_space<hbm>>) target(%arg8 : memref<128x128xf32, #tpu.memory_space<vmem>>) offsets(%dma_start3A_351 : memref<128xi32, #tpu.memory_space<vmem>>) semaphore(%arg11 : memref<!tpu.dma_semaphore, #tpu.memory_space<semaphore_mem>>)
        } else {
        }
        %add3A_321 = arith.constant 1 : i32
        %add3A_322 = arith.addi %add3A_278, %add3A_321 : i32
        %mul3A_323 = arith.constant 128 : i32
        %mul3A_324 = arith.muli %add3A_322, %mul3A_323 : i32
        %dma_wait3A_325 = tpu.memref_slice %arg6[%mul3A_324] : memref<10752xi32, #tpu.memory_space<vmem>> -> memref<128xi32, #tpu.memory_space<vmem>>
        %dma_wait3A_326 = arith.constant 0 : i32
        %dma_wait3A_327 = arith.constant 0 : i32
        %dma_wait3A_328 = tpu.memref_slice %arg2[%add3A_127, %dma_wait3A_326, %dma_wait3A_327] : memref<4x10000x128xf32, #tpu.memory_space<hbm>> -> memref<1x10000x128xf32, #tpu.memory_space<hbm>>
        %dma_wait3A_329 = tpu.memref_squeeze %dma_wait3A_328 : memref<1x10000x128xf32, #tpu.memory_space<hbm>> -> memref<10000x128xf32, #tpu.memory_space<hbm>>
        %dma_wait3A_330 = arith.constant 0 : i32
        %dma_wait3A_331 = arith.constant 0 : i32
        %dma_wait3A_332 = tpu.memref_slice %dma_wait3A_329[%dma_wait3A_330, %dma_wait3A_331] : memref<10000x128xf32, #tpu.memory_space<hbm>> -> memref<10000x128xf32, #tpu.memory_space<hbm>>
        tpu.wait_indirect_dma semaphore(%arg12 : memref<!tpu.dma_semaphore, #tpu.memory_space<semaphore_mem>>) src(%dma_wait3A_332 : memref<10000x128xf32, #tpu.memory_space<hbm>>) dst(%arg9 : memref<128x128xf32, #tpu.memory_space<vmem>>)
        %add3A_333 = arith.constant 1 : i32
        %add3A_334 = arith.addi %mul3A_280, %add3A_333 : i32
        %dma_start3A_335 = arith.constant 0 : i32
        %dma_start3A_336 = tpu.memref_slice %arg7[%add3A_334, %dma_start3A_335] : memref<28x128xi32, #tpu.memory_space<vmem>> -> memref<1x128xi32, #tpu.memory_space<vmem>>
        %dma_start3A_337 = tpu.memref_squeeze %dma_start3A_336 : memref<1x128xi32, #tpu.memory_space<vmem>> -> memref<128xi32, #tpu.memory_space<vmem>>
        %dma_start3A_338 = arith.constant 0 : i32
        %dma_start3A_339 = arith.constant 0 : i32
        %dma_start3A_340 = tpu.memref_slice %arg10[%dma_start3A_338, %dma_start3A_339] : memref<10112x128xf32, #tpu.memory_space<vmem_shared>> -> memref<10112x128xf32, #tpu.memory_space<vmem_shared>>
        tpu.enqueue_indirect_dma source(%arg9 : memref<128x128xf32, #tpu.memory_space<vmem>>) target(%dma_start3A_340 : memref<10112x128xf32, #tpu.memory_space<vmem_shared>>) offsets(%dma_start3A_337 : memref<128xi32, #tpu.memory_space<vmem>>) semaphore(%arg14 : memref<!tpu.dma_semaphore, #tpu.memory_space<semaphore_mem>>) {add = true}
        %dma_wait3A_341 = arith.constant 0 : i32
        %dma_wait3A_342 = tpu.memref_slice %arg7[%add3A_334, %dma_wait3A_341] : memref<28x128xi32, #tpu.memory_space<vmem>> -> memref<1x128xi32, #tpu.memory_space<vmem>>
        %dma_wait3A_343 = tpu.memref_squeeze %dma_wait3A_342 : memref<1x128xi32, #tpu.memory_space<vmem>> -> memref<128xi32, #tpu.memory_space<vmem>>
        %dma_wait3A_344 = arith.constant 0 : i32
        %dma_wait3A_345 = arith.constant 0 : i32
        %dma_wait3A_346 = tpu.memref_slice %arg10[%dma_wait3A_344, %dma_wait3A_345] : memref<10112x128xf32, #tpu.memory_space<vmem_shared>> -> memref<10112x128xf32, #tpu.memory_space<vmem_shared>>
        tpu.wait_indirect_dma semaphore(%arg14 : memref<!tpu.dma_semaphore, #tpu.memory_space<semaphore_mem>>) src(%arg9 : memref<128x128xf32, #tpu.memory_space<vmem>>) dst(%dma_wait3A_346 : memref<10112x128xf32, #tpu.memory_space<vmem_shared>>)
      }
      %scan3A_268 = arith.constant 14 : i32
    }
    %scan3A_221 = arith.constant 3 : i32
    %barrier3A_222 = arith.constant 0 : index
    tpu.barrier barrier_id(%barrier3A_222)
    %mul3A_223 = arith.constant 624 : i32
    %mul3A_224 = arith.muli %arg1, %mul3A_223 : i32
    %mul3A_225 = arith.constant 624 : i32
    %mul3A_226 = arith.muli %arg1, %mul3A_225 : i32
    %dma_start3A_227 = arith.constant 0 : i32
    %dma_start3A_228 = tpu.memref_slice %arg5[%add3A_127, %mul3A_226, %dma_start3A_227] : memref<4x10000x128xf32, #tpu.memory_space<hbm>> -> memref<1x624x128xf32, #tpu.memory_space<hbm>>
    %dma_start3A_229 = tpu.memref_squeeze %dma_start3A_228 : memref<1x624x128xf32, #tpu.memory_space<hbm>> -> memref<624x128xf32, #tpu.memory_space<hbm>>
    %dma_start3A_230 = arith.constant 0 : i32
    %dma_start3A_231 = tpu.memref_slice %arg10[%mul3A_224, %dma_start3A_230] : memref<10112x128xf32, #tpu.memory_space<vmem_shared>> -> memref<624x128xf32, #tpu.memory_space<vmem_shared>>
    tpu.enqueue_dma source(%dma_start3A_231 : memref<624x128xf32, #tpu.memory_space<vmem_shared>>) target(%dma_start3A_229 : memref<624x128xf32, #tpu.memory_space<hbm>>) target_semaphore(%arg15 : memref<!tpu.dma_semaphore, #tpu.memory_space<semaphore_mem>>)
    %dma_wait3A_232 = arith.constant 0 : i32
    %dma_wait3A_233 = tpu.memref_slice %arg5[%add3A_127, %mul3A_226, %dma_wait3A_232] : memref<4x10000x128xf32, #tpu.memory_space<hbm>> -> memref<1x624x128xf32, #tpu.memory_space<hbm>>
    %dma_wait3A_234 = tpu.memref_squeeze %dma_wait3A_233 : memref<1x624x128xf32, #tpu.memory_space<hbm>> -> memref<624x128xf32, #tpu.memory_space<hbm>>
    %dma_wait3A_235 = arith.constant 0 : i32
    %dma_wait3A_236 = tpu.memref_slice %arg10[%mul3A_224, %dma_wait3A_235] : memref<10112x128xf32, #tpu.memory_space<vmem_shared>> -> memref<624x128xf32, #tpu.memory_space<vmem_shared>>
    tpu.wait_dma2 semaphore(%arg15 : memref<!tpu.dma_semaphore, #tpu.memory_space<semaphore_mem>>) src(%dma_wait3A_236 : memref<624x128xf32, #tpu.memory_space<vmem_shared>>) dst(%dma_wait3A_234 : memref<624x128xf32, #tpu.memory_space<hbm>>)
    %eq3A_237 = arith.constant 0 : i32
    %eq3A_238 = arith.cmpi eq, %arg1, %eq3A_237 : i32
    %convert_element_type3A_239 = arith.extui %eq3A_238 : i1 to i32
    %cond3A_240 = arith.constant 0 : i32
    %cond3A_241 = arith.cmpi ne, %convert_element_type3A_239, %cond3A_240 : i32
    scf.if %cond3A_241 {
      %dma_start3A_243 = arith.constant 9984 : i32
      %dma_start3A_244 = arith.constant 0 : i32
      %dma_start3A_245 = tpu.memref_slice %arg5[%add3A_127, %dma_start3A_243, %dma_start3A_244] : memref<4x10000x128xf32, #tpu.memory_space<hbm>> -> memref<1x16x128xf32, #tpu.memory_space<hbm>>
      %dma_start3A_246 = tpu.memref_squeeze %dma_start3A_245 : memref<1x16x128xf32, #tpu.memory_space<hbm>> -> memref<16x128xf32, #tpu.memory_space<hbm>>
      %dma_start3A_247 = arith.constant 9984 : i32
      %dma_start3A_248 = arith.constant 0 : i32
      %dma_start3A_249 = tpu.memref_slice %arg10[%dma_start3A_247, %dma_start3A_248] : memref<10112x128xf32, #tpu.memory_space<vmem_shared>> -> memref<16x128xf32, #tpu.memory_space<vmem_shared>>
      tpu.enqueue_dma source(%dma_start3A_249 : memref<16x128xf32, #tpu.memory_space<vmem_shared>>) target(%dma_start3A_246 : memref<16x128xf32, #tpu.memory_space<hbm>>) target_semaphore(%arg15 : memref<!tpu.dma_semaphore, #tpu.memory_space<semaphore_mem>>)
      %dma_wait3A_250 = arith.constant 9984 : i32
      %dma_wait3A_251 = arith.constant 0 : i32
      %dma_wait3A_252 = tpu.memref_slice %arg5[%add3A_127, %dma_wait3A_250, %dma_wait3A_251] : memref<4x10000x128xf32, #tpu.memory_space<hbm>> -> memref<1x16x128xf32, #tpu.memory_space<hbm>>
      %dma_wait3A_253 = tpu.memref_squeeze %dma_wait3A_252 : memref<1x16x128xf32, #tpu.memory_space<hbm>> -> memref<16x128xf32, #tpu.memory_space<hbm>>
      %dma_wait3A_254 = arith.constant 9984 : i32
      %dma_wait3A_255 = arith.constant 0 : i32
      %dma_wait3A_256 = tpu.memref_slice %arg10[%dma_wait3A_254, %dma_wait3A_255] : memref<10112x128xf32, #tpu.memory_space<vmem_shared>> -> memref<16x128xf32, #tpu.memory_space<vmem_shared>>
      tpu.wait_dma2 semaphore(%arg15 : memref<!tpu.dma_semaphore, #tpu.memory_space<semaphore_mem>>) src(%dma_wait3A_256 : memref<16x128xf32, #tpu.memory_space<vmem_shared>>) dst(%dma_wait3A_253 : memref<16x128xf32, #tpu.memory_space<hbm>>)
    } else {
    }
    %barrier3A_242 = arith.constant 0 : index
    tpu.barrier barrier_id(%barrier3A_242)
    return
  }
}

#map = affine_map<(d0, d1) -> (0, 0, 0)>
#map1 = affine_map<(d0, d1) -> (0, 0, 0, 0)>
module attributes {stable_mosaic.version = 14 : i64} {
  func.func @_agg_body(%arg0: i32, %arg1: i32, %arg2: memref<4x10000x128xf32, #tpu.memory_space<hbm>>, %arg3: memref<16x1x10752xi32, #tpu.memory_space<hbm>>, %arg4: memref<16x3x28x128xi32, #tpu.memory_space<hbm>>, %arg5: memref<4x10000x128xf32, #tpu.memory_space<hbm>>, %arg6: memref<10752xi32, #tpu.memory_space<vmem>>, %arg7: memref<28x128xi32, #tpu.memory_space<vmem>>, %arg8: memref<128x128xf32, #tpu.memory_space<vmem>>, %arg9: memref<128x128xf32, #tpu.memory_space<vmem>>, %arg10: memref<10112x128xf32, #tpu.memory_space<vmem_shared>>, %arg11: memref<!tpu.dma_semaphore, #tpu.memory_space<semaphore_mem>>, %arg12: memref<!tpu.dma_semaphore, #tpu.memory_space<semaphore_mem>>, %arg13: memref<!tpu.dma_semaphore, #tpu.memory_space<semaphore_mem>>, %arg14: memref<!tpu.dma_semaphore, #tpu.memory_space<semaphore_mem>>, %arg15: memref<!tpu.dma_semaphore, #tpu.memory_space<semaphore_mem>>) attributes {dimension_semantics = [#tpu.dimension_semantics<core_parallel>, #tpu.dimension_semantics<subcore_parallel>], iteration_bounds = array<i64: 2, 16>, scalar_prefetch = 0 : i64, scratch_operands = 10 : i64, tpu.core_type = #tpu.core_type<sc_vector_subcore>, window_params = [{transform_indices = #map}, {transform_indices = #map}, {transform_indices = #map1}, {transform_indices = #map}]} {
    %dma_start3A = arith.constant 0 : i32
    %dma_start3A_0 = arith.constant 0 : i32
    %dma_start3A_1 = tpu.memref_slice %arg3[%arg1, %dma_start3A, %dma_start3A_0] : memref<16x1x10752xi32, #tpu.memory_space<hbm>> -> memref<1x1x10752xi32, #tpu.memory_space<hbm>>
    %dma_start3A_2 = tpu.memref_squeeze %dma_start3A_1 : memref<1x1x10752xi32, #tpu.memory_space<hbm>> -> memref<10752xi32, #tpu.memory_space<hbm>>
    %dma_start3A_3 = arith.constant 0 : i32
    %dma_start3A_4 = tpu.memref_slice %arg3[%arg1, %dma_start3A, %dma_start3A_3] : memref<16x1x10752xi32, #tpu.memory_space<hbm>> -> memref<1x1x10752xi32, #tpu.memory_space<hbm>>
    %dma_start3A_5 = tpu.memref_squeeze %dma_start3A_4 : memref<1x1x10752xi32, #tpu.memory_space<hbm>> -> memref<10752xi32, #tpu.memory_space<hbm>>
    tpu.enqueue_dma source(%dma_start3A_5 : memref<10752xi32, #tpu.memory_space<hbm>>) target(%arg6 : memref<10752xi32, #tpu.memory_space<vmem>>) target_semaphore(%arg15 : memref<!tpu.dma_semaphore, #tpu.memory_space<semaphore_mem>>)
    %dma_wait3A = arith.constant 0 : i32
    %dma_wait3A_6 = arith.constant 0 : i32
    %dma_wait3A_7 = tpu.memref_slice %arg3[%arg1, %dma_wait3A, %dma_wait3A_6] : memref<16x1x10752xi32, #tpu.memory_space<hbm>> -> memref<1x1x10752xi32, #tpu.memory_space<hbm>>
    %dma_wait3A_8 = tpu.memref_squeeze %dma_wait3A_7 : memref<1x1x10752xi32, #tpu.memory_space<hbm>> -> memref<10752xi32, #tpu.memory_space<hbm>>
    %dma_wait3A_9 = arith.constant 0 : i32
    %dma_wait3A_10 = tpu.memref_slice %arg3[%arg1, %dma_wait3A, %dma_wait3A_9] : memref<16x1x10752xi32, #tpu.memory_space<hbm>> -> memref<1x1x10752xi32, #tpu.memory_space<hbm>>
    %dma_wait3A_11 = tpu.memref_squeeze %dma_wait3A_10 : memref<1x1x10752xi32, #tpu.memory_space<hbm>> -> memref<10752xi32, #tpu.memory_space<hbm>>
    tpu.wait_dma2 semaphore(%arg15 : memref<!tpu.dma_semaphore, #tpu.memory_space<semaphore_mem>>) src(%dma_wait3A_11 : memref<10752xi32, #tpu.memory_space<hbm>>) dst(%arg6 : memref<10752xi32, #tpu.memory_space<vmem>>)
    %broadcast_in_dim3A = arith.constant 0.000000e+00 : f32
    %broadcast_in_dim3A_12 = vector.broadcast %broadcast_in_dim3A : f32 to vector<16xf32>
    %mul3A = arith.constant 2 : i32
    %mul3A_13 = arith.muli %arg0, %mul3A : i32
    %add3A = arith.constant 0 : i32
    %add3A_14 = arith.addi %mul3A_13, %add3A : i32
    %scan3A = arith.constant 0 : i32
    %scan3A_15 = arith.constant 128 : i32
    %scan3A_16 = arith.addi %scan3A, %scan3A_15 : i32
    %scan3A_17 = arith.constant 1 : i32
    scf.for %scan3A_243 = %scan3A to %scan3A_16 step %scan3A_17  : i32 {
      %mul3A_244 = arith.constant 1 : i32
      %mul3A_245 = arith.muli %scan3A_243, %mul3A_244 : i32
      %add3A_246 = arith.constant 0 : i32
      %add3A_247 = arith.addi %add3A_246, %mul3A_245 : i32
      %swap3A = arith.index_cast %add3A_247 : i32 to index
      %swap3A_248 = arith.constant 0 : index
      %swap3A_249 = tpu.vector_load %arg8[%swap3A, %swap3A_248] {strides = array<i32>} : memref<128x128xf32, #tpu.memory_space<vmem>>, vector<16xf32>,
      tpu.vector_store %arg8[%swap3A, %swap3A_248], %broadcast_in_dim3A_12 {strides = array<i32>} : memref<128x128xf32, #tpu.memory_space<vmem>>, vector<16xf32>,
      %swap3A_250 = arith.index_cast %add3A_247 : i32 to index
      %swap3A_251 = arith.constant 16 : index
      %swap3A_252 = tpu.vector_load %arg8[%swap3A_250, %swap3A_251] {strides = array<i32>} : memref<128x128xf32, #tpu.memory_space<vmem>>, vector<16xf32>,
      tpu.vector_store %arg8[%swap3A_250, %swap3A_251], %broadcast_in_dim3A_12 {strides = array<i32>} : memref<128x128xf32, #tpu.memory_space<vmem>>, vector<16xf32>,
      %swap3A_253 = arith.index_cast %add3A_247 : i32 to index
      %swap3A_254 = arith.constant 32 : index
      %swap3A_255 = tpu.vector_load %arg8[%swap3A_253, %swap3A_254] {strides = array<i32>} : memref<128x128xf32, #tpu.memory_space<vmem>>, vector<16xf32>,
      tpu.vector_store %arg8[%swap3A_253, %swap3A_254], %broadcast_in_dim3A_12 {strides = array<i32>} : memref<128x128xf32, #tpu.memory_space<vmem>>, vector<16xf32>,
      %swap3A_256 = arith.index_cast %add3A_247 : i32 to index
      %swap3A_257 = arith.constant 48 : index
      %swap3A_258 = tpu.vector_load %arg8[%swap3A_256, %swap3A_257] {strides = array<i32>} : memref<128x128xf32, #tpu.memory_space<vmem>>, vector<16xf32>,
      tpu.vector_store %arg8[%swap3A_256, %swap3A_257], %broadcast_in_dim3A_12 {strides = array<i32>} : memref<128x128xf32, #tpu.memory_space<vmem>>, vector<16xf32>,
      %swap3A_259 = arith.index_cast %add3A_247 : i32 to index
      %swap3A_260 = arith.constant 64 : index
      %swap3A_261 = tpu.vector_load %arg8[%swap3A_259, %swap3A_260] {strides = array<i32>} : memref<128x128xf32, #tpu.memory_space<vmem>>, vector<16xf32>,
      tpu.vector_store %arg8[%swap3A_259, %swap3A_260], %broadcast_in_dim3A_12 {strides = array<i32>} : memref<128x128xf32, #tpu.memory_space<vmem>>, vector<16xf32>,
      %swap3A_262 = arith.index_cast %add3A_247 : i32 to index
      %swap3A_263 = arith.constant 80 : index
      %swap3A_264 = tpu.vector_load %arg8[%swap3A_262, %swap3A_263] {strides = array<i32>} : memref<128x128xf32, #tpu.memory_space<vmem>>, vector<16xf32>,
      tpu.vector_store %arg8[%swap3A_262, %swap3A_263], %broadcast_in_dim3A_12 {strides = array<i32>} : memref<128x128xf32, #tpu.memory_space<vmem>>, vector<16xf32>,
      %swap3A_265 = arith.index_cast %add3A_247 : i32 to index
      %swap3A_266 = arith.constant 96 : index
      %swap3A_267 = tpu.vector_load %arg8[%swap3A_265, %swap3A_266] {strides = array<i32>} : memref<128x128xf32, #tpu.memory_space<vmem>>, vector<16xf32>,
      tpu.vector_store %arg8[%swap3A_265, %swap3A_266], %broadcast_in_dim3A_12 {strides = array<i32>} : memref<128x128xf32, #tpu.memory_space<vmem>>, vector<16xf32>,
      %swap3A_268 = arith.index_cast %add3A_247 : i32 to index
      %swap3A_269 = arith.constant 112 : index
      %swap3A_270 = tpu.vector_load %arg8[%swap3A_268, %swap3A_269] {strides = array<i32>} : memref<128x128xf32, #tpu.memory_space<vmem>>, vector<16xf32>,
      tpu.vector_store %arg8[%swap3A_268, %swap3A_269], %broadcast_in_dim3A_12 {strides = array<i32>} : memref<128x128xf32, #tpu.memory_space<vmem>>, vector<16xf32>,
    }
    %scan3A_18 = arith.constant 128 : i32
    %mul3A_19 = arith.constant 632 : i32
    %mul3A_20 = arith.muli %arg1, %mul3A_19 : i32
    %add3A_21 = arith.constant 0 : i32
    %add3A_22 = arith.addi %mul3A_20, %add3A_21 : i32
    %dma_start3A_23 = arith.constant 0 : i32
    %dma_start3A_24 = tpu.memref_slice %arg10[%add3A_22, %dma_start3A_23] : memref<10112x128xf32, #tpu.memory_space<vmem_shared>> -> memref<128x128xf32, #tpu.memory_space<vmem_shared>>
    %dma_start3A_25 = arith.constant 0 : i32
    %dma_start3A_26 = tpu.memref_slice %arg10[%add3A_22, %dma_start3A_25] : memref<10112x128xf32, #tpu.memory_space<vmem_shared>> -> memref<128x128xf32, #tpu.memory_space<vmem_shared>>
    tpu.enqueue_dma source(%arg8 : memref<128x128xf32, #tpu.memory_space<vmem>>) target(%dma_start3A_26 : memref<128x128xf32, #tpu.memory_space<vmem_shared>>) target_semaphore(%arg15 : memref<!tpu.dma_semaphore, #tpu.memory_space<semaphore_mem>>)
    %dma_wait3A_27 = arith.constant 0 : i32
    %dma_wait3A_28 = tpu.memref_slice %arg10[%add3A_22, %dma_wait3A_27] : memref<10112x128xf32, #tpu.memory_space<vmem_shared>> -> memref<128x128xf32, #tpu.memory_space<vmem_shared>>
    %dma_wait3A_29 = arith.constant 0 : i32
    %dma_wait3A_30 = tpu.memref_slice %arg10[%add3A_22, %dma_wait3A_29] : memref<10112x128xf32, #tpu.memory_space<vmem_shared>> -> memref<128x128xf32, #tpu.memory_space<vmem_shared>>
    tpu.wait_dma2 semaphore(%arg15 : memref<!tpu.dma_semaphore, #tpu.memory_space<semaphore_mem>>) src(%arg8 : memref<128x128xf32, #tpu.memory_space<vmem>>) dst(%dma_wait3A_30 : memref<128x128xf32, #tpu.memory_space<vmem_shared>>)
    %mul3A_31 = arith.constant 632 : i32
    %mul3A_32 = arith.muli %arg1, %mul3A_31 : i32
    %add3A_33 = arith.constant 128 : i32
    %add3A_34 = arith.addi %mul3A_32, %add3A_33 : i32
    %dma_start3A_35 = arith.constant 0 : i32
    %dma_start3A_36 = tpu.memref_slice %arg10[%add3A_34, %dma_start3A_35] : memref<10112x128xf32, #tpu.memory_space<vmem_shared>> -> memref<128x128xf32, #tpu.memory_space<vmem_shared>>
    %dma_start3A_37 = arith.constant 0 : i32
    %dma_start3A_38 = tpu.memref_slice %arg10[%add3A_34, %dma_start3A_37] : memref<10112x128xf32, #tpu.memory_space<vmem_shared>> -> memref<128x128xf32, #tpu.memory_space<vmem_shared>>
    tpu.enqueue_dma source(%arg8 : memref<128x128xf32, #tpu.memory_space<vmem>>) target(%dma_start3A_38 : memref<128x128xf32, #tpu.memory_space<vmem_shared>>) target_semaphore(%arg15 : memref<!tpu.dma_semaphore, #tpu.memory_space<semaphore_mem>>)
    %dma_wait3A_39 = arith.constant 0 : i32
    %dma_wait3A_40 = tpu.memref_slice %arg10[%add3A_34, %dma_wait3A_39] : memref<10112x128xf32, #tpu.memory_space<vmem_shared>> -> memref<128x128xf32, #tpu.memory_space<vmem_shared>>
    %dma_wait3A_41 = arith.constant 0 : i32
    %dma_wait3A_42 = tpu.memref_slice %arg10[%add3A_34, %dma_wait3A_41] : memref<10112x128xf32, #tpu.memory_space<vmem_shared>> -> memref<128x128xf32, #tpu.memory_space<vmem_shared>>
    tpu.wait_dma2 semaphore(%arg15 : memref<!tpu.dma_semaphore, #tpu.memory_space<semaphore_mem>>) src(%arg8 : memref<128x128xf32, #tpu.memory_space<vmem>>) dst(%dma_wait3A_42 : memref<128x128xf32, #tpu.memory_space<vmem_shared>>)
    %mul3A_43 = arith.constant 632 : i32
    %mul3A_44 = arith.muli %arg1, %mul3A_43 : i32
    %add3A_45 = arith.constant 256 : i32
    %add3A_46 = arith.addi %mul3A_44, %add3A_45 : i32
    %dma_start3A_47 = arith.constant 0 : i32
    %dma_start3A_48 = tpu.memref_slice %arg10[%add3A_46, %dma_start3A_47] : memref<10112x128xf32, #tpu.memory_space<vmem_shared>> -> memref<128x128xf32, #tpu.memory_space<vmem_shared>>
    %dma_start3A_49 = arith.constant 0 : i32
    %dma_start3A_50 = tpu.memref_slice %arg10[%add3A_46, %dma_start3A_49] : memref<10112x128xf32, #tpu.memory_space<vmem_shared>> -> memref<128x128xf32, #tpu.memory_space<vmem_shared>>
    tpu.enqueue_dma source(%arg8 : memref<128x128xf32, #tpu.memory_space<vmem>>) target(%dma_start3A_50 : memref<128x128xf32, #tpu.memory_space<vmem_shared>>) target_semaphore(%arg15 : memref<!tpu.dma_semaphore, #tpu.memory_space<semaphore_mem>>)
    %dma_wait3A_51 = arith.constant 0 : i32
    %dma_wait3A_52 = tpu.memref_slice %arg10[%add3A_46, %dma_wait3A_51] : memref<10112x128xf32, #tpu.memory_space<vmem_shared>> -> memref<128x128xf32, #tpu.memory_space<vmem_shared>>
    %dma_wait3A_53 = arith.constant 0 : i32
    %dma_wait3A_54 = tpu.memref_slice %arg10[%add3A_46, %dma_wait3A_53] : memref<10112x128xf32, #tpu.memory_space<vmem_shared>> -> memref<128x128xf32, #tpu.memory_space<vmem_shared>>
    tpu.wait_dma2 semaphore(%arg15 : memref<!tpu.dma_semaphore, #tpu.memory_space<semaphore_mem>>) src(%arg8 : memref<128x128xf32, #tpu.memory_space<vmem>>) dst(%dma_wait3A_54 : memref<128x128xf32, #tpu.memory_space<vmem_shared>>)
    %mul3A_55 = arith.constant 632 : i32
    %mul3A_56 = arith.muli %arg1, %mul3A_55 : i32
    %add3A_57 = arith.constant 384 : i32
    %add3A_58 = arith.addi %mul3A_56, %add3A_57 : i32
    %dma_start3A_59 = arith.constant 0 : i32
    %dma_start3A_60 = tpu.memref_slice %arg10[%add3A_58, %dma_start3A_59] : memref<10112x128xf32, #tpu.memory_space<vmem_shared>> -> memref<128x128xf32, #tpu.memory_space<vmem_shared>>
    %dma_start3A_61 = arith.constant 0 : i32
    %dma_start3A_62 = tpu.memref_slice %arg10[%add3A_58, %dma_start3A_61] : memref<10112x128xf32, #tpu.memory_space<vmem_shared>> -> memref<128x128xf32, #tpu.memory_space<vmem_shared>>
    tpu.enqueue_dma source(%arg8 : memref<128x128xf32, #tpu.memory_space<vmem>>) target(%dma_start3A_62 : memref<128x128xf32, #tpu.memory_space<vmem_shared>>) target_semaphore(%arg15 : memref<!tpu.dma_semaphore, #tpu.memory_space<semaphore_mem>>)
    %dma_wait3A_63 = arith.constant 0 : i32
    %dma_wait3A_64 = tpu.memref_slice %arg10[%add3A_58, %dma_wait3A_63] : memref<10112x128xf32, #tpu.memory_space<vmem_shared>> -> memref<128x128xf32, #tpu.memory_space<vmem_shared>>
    %dma_wait3A_65 = arith.constant 0 : i32
    %dma_wait3A_66 = tpu.memref_slice %arg10[%add3A_58, %dma_wait3A_65] : memref<10112x128xf32, #tpu.memory_space<vmem_shared>> -> memref<128x128xf32, #tpu.memory_space<vmem_shared>>
    tpu.wait_dma2 semaphore(%arg15 : memref<!tpu.dma_semaphore, #tpu.memory_space<semaphore_mem>>) src(%arg8 : memref<128x128xf32, #tpu.memory_space<vmem>>) dst(%dma_wait3A_66 : memref<128x128xf32, #tpu.memory_space<vmem_shared>>)
    %mul3A_67 = arith.constant 632 : i32
    %mul3A_68 = arith.muli %arg1, %mul3A_67 : i32
    %add3A_69 = arith.constant 632 : i32
    %add3A_70 = arith.addi %mul3A_68, %add3A_69 : i32
    %sub3A = arith.constant 120 : i32
    %sub3A_71 = arith.subi %add3A_70, %sub3A : i32
    %dma_start3A_72 = arith.constant 0 : i32
    %dma_start3A_73 = arith.constant 0 : i32
    %dma_start3A_74 = tpu.memref_slice %arg8[%dma_start3A_72, %dma_start3A_73] : memref<128x128xf32, #tpu.memory_space<vmem>> -> memref<120x128xf32, #tpu.memory_space<vmem>>
    %dma_start3A_75 = arith.constant 0 : i32
    %dma_start3A_76 = tpu.memref_slice %arg10[%sub3A_71, %dma_start3A_75] : memref<10112x128xf32, #tpu.memory_space<vmem_shared>> -> memref<120x128xf32, #tpu.memory_space<vmem_shared>>
    %dma_start3A_77 = arith.constant 0 : i32
    %dma_start3A_78 = tpu.memref_slice %arg10[%sub3A_71, %dma_start3A_77] : memref<10112x128xf32, #tpu.memory_space<vmem_shared>> -> memref<120x128xf32, #tpu.memory_space<vmem_shared>>
    %dma_start3A_79 = arith.constant 0 : i32
    %dma_start3A_80 = arith.constant 0 : i32
    %dma_start3A_81 = tpu.memref_slice %arg8[%dma_start3A_79, %dma_start3A_80] : memref<128x128xf32, #tpu.memory_space<vmem>> -> memref<120x128xf32, #tpu.memory_space<vmem>>
    tpu.enqueue_dma source(%dma_start3A_81 : memref<120x128xf32, #tpu.memory_space<vmem>>) target(%dma_start3A_78 : memref<120x128xf32, #tpu.memory_space<vmem_shared>>) target_semaphore(%arg15 : memref<!tpu.dma_semaphore, #tpu.memory_space<semaphore_mem>>)
    %dma_wait3A_82 = arith.constant 0 : i32
    %dma_wait3A_83 = arith.constant 0 : i32
    %dma_wait3A_84 = tpu.memref_slice %arg8[%dma_wait3A_82, %dma_wait3A_83] : memref<128x128xf32, #tpu.memory_space<vmem>> -> memref<120x128xf32, #tpu.memory_space<vmem>>
    %dma_wait3A_85 = arith.constant 0 : i32
    %dma_wait3A_86 = tpu.memref_slice %arg10[%sub3A_71, %dma_wait3A_85] : memref<10112x128xf32, #tpu.memory_space<vmem_shared>> -> memref<120x128xf32, #tpu.memory_space<vmem_shared>>
    %dma_wait3A_87 = arith.constant 0 : i32
    %dma_wait3A_88 = tpu.memref_slice %arg10[%sub3A_71, %dma_wait3A_87] : memref<10112x128xf32, #tpu.memory_space<vmem_shared>> -> memref<120x128xf32, #tpu.memory_space<vmem_shared>>
    %dma_wait3A_89 = arith.constant 0 : i32
    %dma_wait3A_90 = arith.constant 0 : i32
    %dma_wait3A_91 = tpu.memref_slice %arg8[%dma_wait3A_89, %dma_wait3A_90] : memref<128x128xf32, #tpu.memory_space<vmem>> -> memref<120x128xf32, #tpu.memory_space<vmem>>
    tpu.wait_dma2 semaphore(%arg15 : memref<!tpu.dma_semaphore, #tpu.memory_space<semaphore_mem>>) src(%dma_wait3A_91 : memref<120x128xf32, #tpu.memory_space<vmem>>) dst(%dma_wait3A_88 : memref<120x128xf32, #tpu.memory_space<vmem_shared>>)
    %barrier3A = arith.constant 0 : index
    tpu.barrier barrier_id(%barrier3A)
    %dma_start3A_92 = arith.constant 0 : i32
    %dma_start3A_93 = tpu.memref_slice %arg6[%dma_start3A_92] : memref<10752xi32, #tpu.memory_space<vmem>> -> memref<128xi32, #tpu.memory_space<vmem>>
    %dma_start3A_94 = arith.constant 0 : i32
    %dma_start3A_95 = arith.constant 0 : i32
    %dma_start3A_96 = tpu.memref_slice %arg2[%add3A_14, %dma_start3A_94, %dma_start3A_95] : memref<4x10000x128xf32, #tpu.memory_space<hbm>> -> memref<1x10000x128xf32, #tpu.memory_space<hbm>>
    %dma_start3A_97 = tpu.memref_squeeze %dma_start3A_96 : memref<1x10000x128xf32, #tpu.memory_space<hbm>> -> memref<10000x128xf32, #tpu.memory_space<hbm>>
    %dma_start3A_98 = arith.constant 0 : i32
    %dma_start3A_99 = arith.constant 0 : i32
    %dma_start3A_100 = tpu.memref_slice %dma_start3A_97[%dma_start3A_98, %dma_start3A_99] : memref<10000x128xf32, #tpu.memory_space<hbm>> -> memref<10000x128xf32, #tpu.memory_space<hbm>>
    tpu.enqueue_indirect_dma source(%dma_start3A_100 : memref<10000x128xf32, #tpu.memory_space<hbm>>) target(%arg8 : memref<128x128xf32, #tpu.memory_space<vmem>>) offsets(%dma_start3A_93 : memref<128xi32, #tpu.memory_space<vmem>>) semaphore(%arg11 : memref<!tpu.dma_semaphore, #tpu.memory_space<semaphore_mem>>)
    %scan3A_101 = arith.constant 0 : i32
    %scan3A_102 = arith.constant 3 : i32
    %scan3A_103 = arith.addi %scan3A_101, %scan3A_102 : i32
    %scan3A_104 = arith.constant 1 : i32
    scf.for %scan3A_243 = %scan3A_101 to %scan3A_103 step %scan3A_104  : i32 {
      %mul3A_244 = arith.constant 1 : i32
      %mul3A_245 = arith.muli %scan3A_243, %mul3A_244 : i32
      %add3A_246 = arith.constant 0 : i32
      %add3A_247 = arith.addi %add3A_246, %mul3A_245 : i32
      %dma_start3A_248 = arith.constant 0 : i32
      %dma_start3A_249 = arith.constant 0 : i32
      %dma_start3A_250 = tpu.memref_slice %arg4[%arg1, %add3A_247, %dma_start3A_248, %dma_start3A_249] : memref<16x3x28x128xi32, #tpu.memory_space<hbm>> -> memref<1x1x28x128xi32, #tpu.memory_space<hbm>>
      %dma_start3A_251 = tpu.memref_squeeze %dma_start3A_250 : memref<1x1x28x128xi32, #tpu.memory_space<hbm>> -> memref<28x128xi32, #tpu.memory_space<hbm>>
      %dma_start3A_252 = arith.constant 0 : i32
      %dma_start3A_253 = arith.constant 0 : i32
      %dma_start3A_254 = tpu.memref_slice %arg4[%arg1, %add3A_247, %dma_start3A_252, %dma_start3A_253] : memref<16x3x28x128xi32, #tpu.memory_space<hbm>> -> memref<1x1x28x128xi32, #tpu.memory_space<hbm>>
      %dma_start3A_255 = tpu.memref_squeeze %dma_start3A_254 : memref<1x1x28x128xi32, #tpu.memory_space<hbm>> -> memref<28x128xi32, #tpu.memory_space<hbm>>
      tpu.enqueue_dma source(%dma_start3A_255 : memref<28x128xi32, #tpu.memory_space<hbm>>) target(%arg7 : memref<28x128xi32, #tpu.memory_space<vmem>>) target_semaphore(%arg15 : memref<!tpu.dma_semaphore, #tpu.memory_space<semaphore_mem>>)
      %dma_wait3A_256 = arith.constant 0 : i32
      %dma_wait3A_257 = arith.constant 0 : i32
      %dma_wait3A_258 = tpu.memref_slice %arg4[%arg1, %add3A_247, %dma_wait3A_256, %dma_wait3A_257] : memref<16x3x28x128xi32, #tpu.memory_space<hbm>> -> memref<1x1x28x128xi32, #tpu.memory_space<hbm>>
      %dma_wait3A_259 = tpu.memref_squeeze %dma_wait3A_258 : memref<1x1x28x128xi32, #tpu.memory_space<hbm>> -> memref<28x128xi32, #tpu.memory_space<hbm>>
      %dma_wait3A_260 = arith.constant 0 : i32
      %dma_wait3A_261 = arith.constant 0 : i32
      %dma_wait3A_262 = tpu.memref_slice %arg4[%arg1, %add3A_247, %dma_wait3A_260, %dma_wait3A_261] : memref<16x3x28x128xi32, #tpu.memory_space<hbm>> -> memref<1x1x28x128xi32, #tpu.memory_space<hbm>>
      %dma_wait3A_263 = tpu.memref_squeeze %dma_wait3A_262 : memref<1x1x28x128xi32, #tpu.memory_space<hbm>> -> memref<28x128xi32, #tpu.memory_space<hbm>>
      tpu.wait_dma2 semaphore(%arg15 : memref<!tpu.dma_semaphore, #tpu.memory_space<semaphore_mem>>) src(%dma_wait3A_263 : memref<28x128xi32, #tpu.memory_space<hbm>>) dst(%arg7 : memref<28x128xi32, #tpu.memory_space<vmem>>)
      %scan3A_264 = arith.constant 0 : i32
      %scan3A_265 = arith.constant 14 : i32
      %scan3A_266 = arith.addi %scan3A_264, %scan3A_265 : i32
      %scan3A_267 = arith.constant 1 : i32
      scf.for %scan3A_269 = %scan3A_264 to %scan3A_266 step %scan3A_267  : i32 {
        %mul3A_270 = arith.constant 1 : i32
        %mul3A_271 = arith.muli %scan3A_269, %mul3A_270 : i32
        %add3A_272 = arith.constant 0 : i32
        %add3A_273 = arith.addi %add3A_272, %mul3A_271 : i32
        %mul3A_274 = arith.constant 28 : i32
        %mul3A_275 = arith.muli %add3A_247, %mul3A_274 : i32
        %mul3A_276 = arith.constant 2 : i32
        %mul3A_277 = arith.muli %mul3A_276, %add3A_273 : i32
        %add3A_278 = arith.addi %mul3A_275, %mul3A_277 : i32
        %mul3A_279 = arith.constant 2 : i32
        %mul3A_280 = arith.muli %mul3A_279, %add3A_273 : i32
        %add3A_281 = arith.constant 1 : i32
        %add3A_282 = arith.addi %add3A_278, %add3A_281 : i32
        %mul3A_283 = arith.constant 128 : i32
        %mul3A_284 = arith.muli %add3A_282, %mul3A_283 : i32
        %dma_start3A_285 = tpu.memref_slice %arg6[%mul3A_284] : memref<10752xi32, #tpu.memory_space<vmem>> -> memref<128xi32, #tpu.memory_space<vmem>>
        %dma_start3A_286 = arith.constant 0 : i32
        %dma_start3A_287 = arith.constant 0 : i32
        %dma_start3A_288 = tpu.memref_slice %arg2[%add3A_14, %dma_start3A_286, %dma_start3A_287] : memref<4x10000x128xf32, #tpu.memory_space<hbm>> -> memref<1x10000x128xf32, #tpu.memory_space<hbm>>
        %dma_start3A_289 = tpu.memref_squeeze %dma_start3A_288 : memref<1x10000x128xf32, #tpu.memory_space<hbm>> -> memref<10000x128xf32, #tpu.memory_space<hbm>>
        %dma_start3A_290 = arith.constant 0 : i32
        %dma_start3A_291 = arith.constant 0 : i32
        %dma_start3A_292 = tpu.memref_slice %dma_start3A_289[%dma_start3A_290, %dma_start3A_291] : memref<10000x128xf32, #tpu.memory_space<hbm>> -> memref<10000x128xf32, #tpu.memory_space<hbm>>
        tpu.enqueue_indirect_dma source(%dma_start3A_292 : memref<10000x128xf32, #tpu.memory_space<hbm>>) target(%arg9 : memref<128x128xf32, #tpu.memory_space<vmem>>) offsets(%dma_start3A_285 : memref<128xi32, #tpu.memory_space<vmem>>) semaphore(%arg12 : memref<!tpu.dma_semaphore, #tpu.memory_space<semaphore_mem>>)
        %mul3A_293 = arith.constant 128 : i32
        %mul3A_294 = arith.muli %add3A_278, %mul3A_293 : i32
        %dma_wait3A_295 = tpu.memref_slice %arg6[%mul3A_294] : memref<10752xi32, #tpu.memory_space<vmem>> -> memref<128xi32, #tpu.memory_space<vmem>>
        %dma_wait3A_296 = arith.constant 0 : i32
        %dma_wait3A_297 = arith.constant 0 : i32
        %dma_wait3A_298 = tpu.memref_slice %arg2[%add3A_14, %dma_wait3A_296, %dma_wait3A_297] : memref<4x10000x128xf32, #tpu.memory_space<hbm>> -> memref<1x10000x128xf32, #tpu.memory_space<hbm>>
        %dma_wait3A_299 = tpu.memref_squeeze %dma_wait3A_298 : memref<1x10000x128xf32, #tpu.memory_space<hbm>> -> memref<10000x128xf32, #tpu.memory_space<hbm>>
        %dma_wait3A_300 = arith.constant 0 : i32
        %dma_wait3A_301 = arith.constant 0 : i32
        %dma_wait3A_302 = tpu.memref_slice %dma_wait3A_299[%dma_wait3A_300, %dma_wait3A_301] : memref<10000x128xf32, #tpu.memory_space<hbm>> -> memref<10000x128xf32, #tpu.memory_space<hbm>>
        tpu.wait_indirect_dma semaphore(%arg11 : memref<!tpu.dma_semaphore, #tpu.memory_space<semaphore_mem>>) src(%dma_wait3A_302 : memref<10000x128xf32, #tpu.memory_space<hbm>>) dst(%arg8 : memref<128x128xf32, #tpu.memory_space<vmem>>)
        %dma_start3A_303 = arith.constant 0 : i32
        %dma_start3A_304 = tpu.memref_slice %arg7[%mul3A_280, %dma_start3A_303] : memref<28x128xi32, #tpu.memory_space<vmem>> -> memref<1x128xi32, #tpu.memory_space<vmem>>
        %dma_start3A_305 = tpu.memref_squeeze %dma_start3A_304 : memref<1x128xi32, #tpu.memory_space<vmem>> -> memref<128xi32, #tpu.memory_space<vmem>>
        %dma_start3A_306 = arith.constant 0 : i32
        %dma_start3A_307 = arith.constant 0 : i32
        %dma_start3A_308 = tpu.memref_slice %arg10[%dma_start3A_306, %dma_start3A_307] : memref<10112x128xf32, #tpu.memory_space<vmem_shared>> -> memref<10112x128xf32, #tpu.memory_space<vmem_shared>>
        tpu.enqueue_indirect_dma source(%arg8 : memref<128x128xf32, #tpu.memory_space<vmem>>) target(%dma_start3A_308 : memref<10112x128xf32, #tpu.memory_space<vmem_shared>>) offsets(%dma_start3A_305 : memref<128xi32, #tpu.memory_space<vmem>>) semaphore(%arg13 : memref<!tpu.dma_semaphore, #tpu.memory_space<semaphore_mem>>) {add = true}
        %dma_wait3A_309 = arith.constant 0 : i32
        %dma_wait3A_310 = tpu.memref_slice %arg7[%mul3A_280, %dma_wait3A_309] : memref<28x128xi32, #tpu.memory_space<vmem>> -> memref<1x128xi32, #tpu.memory_space<vmem>>
        %dma_wait3A_311 = tpu.memref_squeeze %dma_wait3A_310 : memref<1x128xi32, #tpu.memory_space<vmem>> -> memref<128xi32, #tpu.memory_space<vmem>>
        %dma_wait3A_312 = arith.constant 0 : i32
        %dma_wait3A_313 = arith.constant 0 : i32
        %dma_wait3A_314 = tpu.memref_slice %arg10[%dma_wait3A_312, %dma_wait3A_313] : memref<10112x128xf32, #tpu.memory_space<vmem_shared>> -> memref<10112x128xf32, #tpu.memory_space<vmem_shared>>
        tpu.wait_indirect_dma semaphore(%arg13 : memref<!tpu.dma_semaphore, #tpu.memory_space<semaphore_mem>>) src(%arg8 : memref<128x128xf32, #tpu.memory_space<vmem>>) dst(%dma_wait3A_314 : memref<10112x128xf32, #tpu.memory_space<vmem_shared>>)
        %add3A_315 = arith.constant 2 : i32
        %add3A_316 = arith.addi %add3A_278, %add3A_315 : i32
        %lt3A = arith.constant 84 : i32
        %lt3A_317 = arith.cmpi slt, %add3A_316, %lt3A : i32
        %convert_element_type3A_318 = arith.extui %lt3A_317 : i1 to i32
        %cond3A_319 = arith.constant 0 : i32
        %cond3A_320 = arith.cmpi ne, %convert_element_type3A_318, %cond3A_319 : i32
        scf.if %cond3A_320 {
          %add3A_347 = arith.constant 2 : i32
          %add3A_348 = arith.addi %add3A_278, %add3A_347 : i32
          %mul3A_349 = arith.constant 128 : i32
          %mul3A_350 = arith.muli %add3A_348, %mul3A_349 : i32
          %dma_start3A_351 = tpu.memref_slice %arg6[%mul3A_350] : memref<10752xi32, #tpu.memory_space<vmem>> -> memref<128xi32, #tpu.memory_space<vmem>>
          %dma_start3A_352 = arith.constant 0 : i32
          %dma_start3A_353 = arith.constant 0 : i32
          %dma_start3A_354 = tpu.memref_slice %arg2[%add3A_14, %dma_start3A_352, %dma_start3A_353] : memref<4x10000x128xf32, #tpu.memory_space<hbm>> -> memref<1x10000x128xf32, #tpu.memory_space<hbm>>
          %dma_start3A_355 = tpu.memref_squeeze %dma_start3A_354 : memref<1x10000x128xf32, #tpu.memory_space<hbm>> -> memref<10000x128xf32, #tpu.memory_space<hbm>>
          %dma_start3A_356 = arith.constant 0 : i32
          %dma_start3A_357 = arith.constant 0 : i32
          %dma_start3A_358 = tpu.memref_slice %dma_start3A_355[%dma_start3A_356, %dma_start3A_357] : memref<10000x128xf32, #tpu.memory_space<hbm>> -> memref<10000x128xf32, #tpu.memory_space<hbm>>
          tpu.enqueue_indirect_dma source(%dma_start3A_358 : memref<10000x128xf32, #tpu.memory_space<hbm>>) target(%arg8 : memref<128x128xf32, #tpu.memory_space<vmem>>) offsets(%dma_start3A_351 : memref<128xi32, #tpu.memory_space<vmem>>) semaphore(%arg11 : memref<!tpu.dma_semaphore, #tpu.memory_space<semaphore_mem>>)
        } else {
        }
        %add3A_321 = arith.constant 1 : i32
        %add3A_322 = arith.addi %add3A_278, %add3A_321 : i32
        %mul3A_323 = arith.constant 128 : i32
        %mul3A_324 = arith.muli %add3A_322, %mul3A_323 : i32
        %dma_wait3A_325 = tpu.memref_slice %arg6[%mul3A_324] : memref<10752xi32, #tpu.memory_space<vmem>> -> memref<128xi32, #tpu.memory_space<vmem>>
        %dma_wait3A_326 = arith.constant 0 : i32
        %dma_wait3A_327 = arith.constant 0 : i32
        %dma_wait3A_328 = tpu.memref_slice %arg2[%add3A_14, %dma_wait3A_326, %dma_wait3A_327] : memref<4x10000x128xf32, #tpu.memory_space<hbm>> -> memref<1x10000x128xf32, #tpu.memory_space<hbm>>
        %dma_wait3A_329 = tpu.memref_squeeze %dma_wait3A_328 : memref<1x10000x128xf32, #tpu.memory_space<hbm>> -> memref<10000x128xf32, #tpu.memory_space<hbm>>
        %dma_wait3A_330 = arith.constant 0 : i32
        %dma_wait3A_331 = arith.constant 0 : i32
        %dma_wait3A_332 = tpu.memref_slice %dma_wait3A_329[%dma_wait3A_330, %dma_wait3A_331] : memref<10000x128xf32, #tpu.memory_space<hbm>> -> memref<10000x128xf32, #tpu.memory_space<hbm>>
        tpu.wait_indirect_dma semaphore(%arg12 : memref<!tpu.dma_semaphore, #tpu.memory_space<semaphore_mem>>) src(%dma_wait3A_332 : memref<10000x128xf32, #tpu.memory_space<hbm>>) dst(%arg9 : memref<128x128xf32, #tpu.memory_space<vmem>>)
        %add3A_333 = arith.constant 1 : i32
        %add3A_334 = arith.addi %mul3A_280, %add3A_333 : i32
        %dma_start3A_335 = arith.constant 0 : i32
        %dma_start3A_336 = tpu.memref_slice %arg7[%add3A_334, %dma_start3A_335] : memref<28x128xi32, #tpu.memory_space<vmem>> -> memref<1x128xi32, #tpu.memory_space<vmem>>
        %dma_start3A_337 = tpu.memref_squeeze %dma_start3A_336 : memref<1x128xi32, #tpu.memory_space<vmem>> -> memref<128xi32, #tpu.memory_space<vmem>>
        %dma_start3A_338 = arith.constant 0 : i32
        %dma_start3A_339 = arith.constant 0 : i32
        %dma_start3A_340 = tpu.memref_slice %arg10[%dma_start3A_338, %dma_start3A_339] : memref<10112x128xf32, #tpu.memory_space<vmem_shared>> -> memref<10112x128xf32, #tpu.memory_space<vmem_shared>>
        tpu.enqueue_indirect_dma source(%arg9 : memref<128x128xf32, #tpu.memory_space<vmem>>) target(%dma_start3A_340 : memref<10112x128xf32, #tpu.memory_space<vmem_shared>>) offsets(%dma_start3A_337 : memref<128xi32, #tpu.memory_space<vmem>>) semaphore(%arg14 : memref<!tpu.dma_semaphore, #tpu.memory_space<semaphore_mem>>) {add = true}
        %dma_wait3A_341 = arith.constant 0 : i32
        %dma_wait3A_342 = tpu.memref_slice %arg7[%add3A_334, %dma_wait3A_341] : memref<28x128xi32, #tpu.memory_space<vmem>> -> memref<1x128xi32, #tpu.memory_space<vmem>>
        %dma_wait3A_343 = tpu.memref_squeeze %dma_wait3A_342 : memref<1x128xi32, #tpu.memory_space<vmem>> -> memref<128xi32, #tpu.memory_space<vmem>>
        %dma_wait3A_344 = arith.constant 0 : i32
        %dma_wait3A_345 = arith.constant 0 : i32
        %dma_wait3A_346 = tpu.memref_slice %arg10[%dma_wait3A_344, %dma_wait3A_345] : memref<10112x128xf32, #tpu.memory_space<vmem_shared>> -> memref<10112x128xf32, #tpu.memory_space<vmem_shared>>
        tpu.wait_indirect_dma semaphore(%arg14 : memref<!tpu.dma_semaphore, #tpu.memory_space<semaphore_mem>>) src(%arg9 : memref<128x128xf32, #tpu.memory_space<vmem>>) dst(%dma_wait3A_346 : memref<10112x128xf32, #tpu.memory_space<vmem_shared>>)
      }
      %scan3A_268 = arith.constant 14 : i32
    }
    %scan3A_105 = arith.constant 3 : i32
    %barrier3A_106 = arith.constant 0 : index
    tpu.barrier barrier_id(%barrier3A_106)
    %mul3A_107 = arith.constant 624 : i32
    %mul3A_108 = arith.muli %arg1, %mul3A_107 : i32
    %mul3A_109 = arith.constant 624 : i32
    %mul3A_110 = arith.muli %arg1, %mul3A_109 : i32
    %dma_start3A_111 = arith.constant 0 : i32
    %dma_start3A_112 = tpu.memref_slice %arg5[%add3A_14, %mul3A_110, %dma_start3A_111] : memref<4x10000x128xf32, #tpu.memory_space<hbm>> -> memref<1x624x128xf32, #tpu.memory_space<hbm>>
    %dma_start3A_113 = tpu.memref_squeeze %dma_start3A_112 : memref<1x624x128xf32, #tpu.memory_space<hbm>> -> memref<624x128xf32, #tpu.memory_space<hbm>>
    %dma_start3A_114 = arith.constant 0 : i32
    %dma_start3A_115 = tpu.memref_slice %arg10[%mul3A_108, %dma_start3A_114] : memref<10112x128xf32, #tpu.memory_space<vmem_shared>> -> memref<624x128xf32, #tpu.memory_space<vmem_shared>>
    tpu.enqueue_dma source(%dma_start3A_115 : memref<624x128xf32, #tpu.memory_space<vmem_shared>>) target(%dma_start3A_113 : memref<624x128xf32, #tpu.memory_space<hbm>>) target_semaphore(%arg15 : memref<!tpu.dma_semaphore, #tpu.memory_space<semaphore_mem>>)
    %dma_wait3A_116 = arith.constant 0 : i32
    %dma_wait3A_117 = tpu.memref_slice %arg5[%add3A_14, %mul3A_110, %dma_wait3A_116] : memref<4x10000x128xf32, #tpu.memory_space<hbm>> -> memref<1x624x128xf32, #tpu.memory_space<hbm>>
    %dma_wait3A_118 = tpu.memref_squeeze %dma_wait3A_117 : memref<1x624x128xf32, #tpu.memory_space<hbm>> -> memref<624x128xf32, #tpu.memory_space<hbm>>
    %dma_wait3A_119 = arith.constant 0 : i32
    %dma_wait3A_120 = tpu.memref_slice %arg10[%mul3A_108, %dma_wait3A_119] : memref<10112x128xf32, #tpu.memory_space<vmem_shared>> -> memref<624x128xf32, #tpu.memory_space<vmem_shared>>
    tpu.wait_dma2 semaphore(%arg15 : memref<!tpu.dma_semaphore, #tpu.memory_space<semaphore_mem>>) src(%dma_wait3A_120 : memref<624x128xf32, #tpu.memory_space<vmem_shared>>) dst(%dma_wait3A_118 : memref<624x128xf32, #tpu.memory_space<hbm>>)
    %eq3A = arith.constant 0 : i32
    %eq3A_121 = arith.cmpi eq, %arg1, %eq3A : i32
    %convert_element_type3A = arith.extui %eq3A_121 : i1 to i32
    %cond3A = arith.constant 0 : i32
    %cond3A_122 = arith.cmpi ne, %convert_element_type3A, %cond3A : i32
    scf.if %cond3A_122 {
      %dma_start3A_243 = arith.constant 9984 : i32
      %dma_start3A_244 = arith.constant 0 : i32
      %dma_start3A_245 = tpu.memref_slice %arg5[%add3A_14, %dma_start3A_243, %dma_start3A_244] : memref<4x10000x128xf32, #tpu.memory_space<hbm>> -> memref<1x16x128xf32, #tpu.memory_space<hbm>>
      %dma_start3A_246 = tpu.memref_squeeze %dma_start3A_245 : memref<1x16x128xf32, #tpu.memory_space<hbm>> -> memref<16x128xf32, #tpu.memory_space<hbm>>
      %dma_start3A_247 = arith.constant 9984 : i32
      %dma_start3A_248 = arith.constant 0 : i32
      %dma_start3A_249 = tpu.memref_slice %arg10[%dma_start3A_247, %dma_start3A_248] : memref<10112x128xf32, #tpu.memory_space<vmem_shared>> -> memref<16x128xf32, #tpu.memory_space<vmem_shared>>
      tpu.enqueue_dma source(%dma_start3A_249 : memref<16x128xf32, #tpu.memory_space<vmem_shared>>) target(%dma_start3A_246 : memref<16x128xf32, #tpu.memory_space<hbm>>) target_semaphore(%arg15 : memref<!tpu.dma_semaphore, #tpu.memory_space<semaphore_mem>>)
      %dma_wait3A_250 = arith.constant 9984 : i32
      %dma_wait3A_251 = arith.constant 0 : i32
      %dma_wait3A_252 = tpu.memref_slice %arg5[%add3A_14, %dma_wait3A_250, %dma_wait3A_251] : memref<4x10000x128xf32, #tpu.memory_space<hbm>> -> memref<1x16x128xf32, #tpu.memory_space<hbm>>
      %dma_wait3A_253 = tpu.memref_squeeze %dma_wait3A_252 : memref<1x16x128xf32, #tpu.memory_space<hbm>> -> memref<16x128xf32, #tpu.memory_space<hbm>>
      %dma_wait3A_254 = arith.constant 9984 : i32
      %dma_wait3A_255 = arith.constant 0 : i32
      %dma_wait3A_256 = tpu.memref_slice %arg10[%dma_wait3A_254, %dma_wait3A_255] : memref<10112x128xf32, #tpu.memory_space<vmem_shared>> -> memref<16x128xf32, #tpu.memory_space<vmem_shared>>
      tpu.wait_dma2 semaphore(%arg15 : memref<!tpu.dma_semaphore, #tpu.memory_space<semaphore_mem>>) src(%dma_wait3A_256 : memref<16x128xf32, #tpu.memory_space<vmem_shared>>) dst(%dma_wait3A_253 : memref<16x128xf32, #tpu.memory_space<hbm>>)
    } else {
    }
    %barrier3A_123 = arith.constant 0 : index
    tpu.barrier barrier_id(%barrier3A_123)
    %mul3A_124 = arith.constant 2 : i32
    %mul3A_125 = arith.muli %arg0, %mul3A_124 : i32
    %add3A_126 = arith.constant 1 : i32
    %add3A_127 = arith.addi %mul3A_125, %add3A_126 : i32
    %scan3A_128 = arith.constant 0 : i32
    %scan3A_129 = arith.constant 128 : i32
    %scan3A_130 = arith.addi %scan3A_128, %scan3A_129 : i32
    %scan3A_131 = arith.constant 1 : i32
    scf.for %scan3A_243 = %scan3A_128 to %scan3A_130 step %scan3A_131  : i32 {
      %mul3A_244 = arith.constant 1 : i32
      %mul3A_245 = arith.muli %scan3A_243, %mul3A_244 : i32
      %add3A_246 = arith.constant 0 : i32
      %add3A_247 = arith.addi %add3A_246, %mul3A_245 : i32
      %swap3A = arith.index_cast %add3A_247 : i32 to index
      %swap3A_248 = arith.constant 0 : index
      %swap3A_249 = tpu.vector_load %arg8[%swap3A, %swap3A_248] {strides = array<i32>} : memref<128x128xf32, #tpu.memory_space<vmem>>, vector<16xf32>,
      tpu.vector_store %arg8[%swap3A, %swap3A_248], %broadcast_in_dim3A_12 {strides = array<i32>} : memref<128x128xf32, #tpu.memory_space<vmem>>, vector<16xf32>,
      %swap3A_250 = arith.index_cast %add3A_247 : i32 to index
      %swap3A_251 = arith.constant 16 : index
      %swap3A_252 = tpu.vector_load %arg8[%swap3A_250, %swap3A_251] {strides = array<i32>} : memref<128x128xf32, #tpu.memory_space<vmem>>, vector<16xf32>,
      tpu.vector_store %arg8[%swap3A_250, %swap3A_251], %broadcast_in_dim3A_12 {strides = array<i32>} : memref<128x128xf32, #tpu.memory_space<vmem>>, vector<16xf32>,
      %swap3A_253 = arith.index_cast %add3A_247 : i32 to index
      %swap3A_254 = arith.constant 32 : index
      %swap3A_255 = tpu.vector_load %arg8[%swap3A_253, %swap3A_254] {strides = array<i32>} : memref<128x128xf32, #tpu.memory_space<vmem>>, vector<16xf32>,
      tpu.vector_store %arg8[%swap3A_253, %swap3A_254], %broadcast_in_dim3A_12 {strides = array<i32>} : memref<128x128xf32, #tpu.memory_space<vmem>>, vector<16xf32>,
      %swap3A_256 = arith.index_cast %add3A_247 : i32 to index
      %swap3A_257 = arith.constant 48 : index
      %swap3A_258 = tpu.vector_load %arg8[%swap3A_256, %swap3A_257] {strides = array<i32>} : memref<128x128xf32, #tpu.memory_space<vmem>>, vector<16xf32>,
      tpu.vector_store %arg8[%swap3A_256, %swap3A_257], %broadcast_in_dim3A_12 {strides = array<i32>} : memref<128x128xf32, #tpu.memory_space<vmem>>, vector<16xf32>,
      %swap3A_259 = arith.index_cast %add3A_247 : i32 to index
      %swap3A_260 = arith.constant 64 : index
      %swap3A_261 = tpu.vector_load %arg8[%swap3A_259, %swap3A_260] {strides = array<i32>} : memref<128x128xf32, #tpu.memory_space<vmem>>, vector<16xf32>,
      tpu.vector_store %arg8[%swap3A_259, %swap3A_260], %broadcast_in_dim3A_12 {strides = array<i32>} : memref<128x128xf32, #tpu.memory_space<vmem>>, vector<16xf32>,
      %swap3A_262 = arith.index_cast %add3A_247 : i32 to index
      %swap3A_263 = arith.constant 80 : index
      %swap3A_264 = tpu.vector_load %arg8[%swap3A_262, %swap3A_263] {strides = array<i32>} : memref<128x128xf32, #tpu.memory_space<vmem>>, vector<16xf32>,
      tpu.vector_store %arg8[%swap3A_262, %swap3A_263], %broadcast_in_dim3A_12 {strides = array<i32>} : memref<128x128xf32, #tpu.memory_space<vmem>>, vector<16xf32>,
      %swap3A_265 = arith.index_cast %add3A_247 : i32 to index
      %swap3A_266 = arith.constant 96 : index
      %swap3A_267 = tpu.vector_load %arg8[%swap3A_265, %swap3A_266] {strides = array<i32>} : memref<128x128xf32, #tpu.memory_space<vmem>>, vector<16xf32>,
      tpu.vector_store %arg8[%swap3A_265, %swap3A_266], %broadcast_in_dim3A_12 {strides = array<i32>} : memref<128x128xf32, #tpu.memory_space<vmem>>, vector<16xf32>,
      %swap3A_268 = arith.index_cast %add3A_247 : i32 to index
      %swap3A_269 = arith.constant 112 : index
      %swap3A_270 = tpu.vector_load %arg8[%swap3A_268, %swap3A_269] {strides = array<i32>} : memref<128x128xf32, #tpu.memory_space<vmem>>, vector<16xf32>,
      tpu.vector_store %arg8[%swap3A_268, %swap3A_269], %broadcast_in_dim3A_12 {strides = array<i32>} : memref<128x128xf32, #tpu.memory_space<vmem>>, vector<16xf32>,
    }
    %scan3A_132 = arith.constant 128 : i32
    %mul3A_133 = arith.constant 632 : i32
    %mul3A_134 = arith.muli %arg1, %mul3A_133 : i32
    %add3A_135 = arith.constant 0 : i32
    %add3A_136 = arith.addi %mul3A_134, %add3A_135 : i32
    %dma_start3A_137 = arith.constant 0 : i32
    %dma_start3A_138 = tpu.memref_slice %arg10[%add3A_136, %dma_start3A_137] : memref<10112x128xf32, #tpu.memory_space<vmem_shared>> -> memref<128x128xf32, #tpu.memory_space<vmem_shared>>
    %dma_start3A_139 = arith.constant 0 : i32
    %dma_start3A_140 = tpu.memref_slice %arg10[%add3A_136, %dma_start3A_139] : memref<10112x128xf32, #tpu.memory_space<vmem_shared>> -> memref<128x128xf32, #tpu.memory_space<vmem_shared>>
    tpu.enqueue_dma source(%arg8 : memref<128x128xf32, #tpu.memory_space<vmem>>) target(%dma_start3A_140 : memref<128x128xf32, #tpu.memory_space<vmem_shared>>) target_semaphore(%arg15 : memref<!tpu.dma_semaphore, #tpu.memory_space<semaphore_mem>>)
    %dma_wait3A_141 = arith.constant 0 : i32
    %dma_wait3A_142 = tpu.memref_slice %arg10[%add3A_136, %dma_wait3A_141] : memref<10112x128xf32, #tpu.memory_space<vmem_shared>> -> memref<128x128xf32, #tpu.memory_space<vmem_shared>>
    %dma_wait3A_143 = arith.constant 0 : i32
    %dma_wait3A_144 = tpu.memref_slice %arg10[%add3A_136, %dma_wait3A_143] : memref<10112x128xf32, #tpu.memory_space<vmem_shared>> -> memref<128x128xf32, #tpu.memory_space<vmem_shared>>
    tpu.wait_dma2 semaphore(%arg15 : memref<!tpu.dma_semaphore, #tpu.memory_space<semaphore_mem>>) src(%arg8 : memref<128x128xf32, #tpu.memory_space<vmem>>) dst(%dma_wait3A_144 : memref<128x128xf32, #tpu.memory_space<vmem_shared>>)
    %mul3A_145 = arith.constant 632 : i32
    %mul3A_146 = arith.muli %arg1, %mul3A_145 : i32
    %add3A_147 = arith.constant 128 : i32
    %add3A_148 = arith.addi %mul3A_146, %add3A_147 : i32
    %dma_start3A_149 = arith.constant 0 : i32
    %dma_start3A_150 = tpu.memref_slice %arg10[%add3A_148, %dma_start3A_149] : memref<10112x128xf32, #tpu.memory_space<vmem_shared>> -> memref<128x128xf32, #tpu.memory_space<vmem_shared>>
    %dma_start3A_151 = arith.constant 0 : i32
    %dma_start3A_152 = tpu.memref_slice %arg10[%add3A_148, %dma_start3A_151] : memref<10112x128xf32, #tpu.memory_space<vmem_shared>> -> memref<128x128xf32, #tpu.memory_space<vmem_shared>>
    tpu.enqueue_dma source(%arg8 : memref<128x128xf32, #tpu.memory_space<vmem>>) target(%dma_start3A_152 : memref<128x128xf32, #tpu.memory_space<vmem_shared>>) target_semaphore(%arg15 : memref<!tpu.dma_semaphore, #tpu.memory_space<semaphore_mem>>)
    %dma_wait3A_153 = arith.constant 0 : i32
    %dma_wait3A_154 = tpu.memref_slice %arg10[%add3A_148, %dma_wait3A_153] : memref<10112x128xf32, #tpu.memory_space<vmem_shared>> -> memref<128x128xf32, #tpu.memory_space<vmem_shared>>
    %dma_wait3A_155 = arith.constant 0 : i32
    %dma_wait3A_156 = tpu.memref_slice %arg10[%add3A_148, %dma_wait3A_155] : memref<10112x128xf32, #tpu.memory_space<vmem_shared>> -> memref<128x128xf32, #tpu.memory_space<vmem_shared>>
    tpu.wait_dma2 semaphore(%arg15 : memref<!tpu.dma_semaphore, #tpu.memory_space<semaphore_mem>>) src(%arg8 : memref<128x128xf32, #tpu.memory_space<vmem>>) dst(%dma_wait3A_156 : memref<128x128xf32, #tpu.memory_space<vmem_shared>>)
    %mul3A_157 = arith.constant 632 : i32
    %mul3A_158 = arith.muli %arg1, %mul3A_157 : i32
    %add3A_159 = arith.constant 256 : i32
    %add3A_160 = arith.addi %mul3A_158, %add3A_159 : i32
    %dma_start3A_161 = arith.constant 0 : i32
    %dma_start3A_162 = tpu.memref_slice %arg10[%add3A_160, %dma_start3A_161] : memref<10112x128xf32, #tpu.memory_space<vmem_shared>> -> memref<128x128xf32, #tpu.memory_space<vmem_shared>>
    %dma_start3A_163 = arith.constant 0 : i32
    %dma_start3A_164 = tpu.memref_slice %arg10[%add3A_160, %dma_start3A_163] : memref<10112x128xf32, #tpu.memory_space<vmem_shared>> -> memref<128x128xf32, #tpu.memory_space<vmem_shared>>
    tpu.enqueue_dma source(%arg8 : memref<128x128xf32, #tpu.memory_space<vmem>>) target(%dma_start3A_164 : memref<128x128xf32, #tpu.memory_space<vmem_shared>>) target_semaphore(%arg15 : memref<!tpu.dma_semaphore, #tpu.memory_space<semaphore_mem>>)
    %dma_wait3A_165 = arith.constant 0 : i32
    %dma_wait3A_166 = tpu.memref_slice %arg10[%add3A_160, %dma_wait3A_165] : memref<10112x128xf32, #tpu.memory_space<vmem_shared>> -> memref<128x128xf32, #tpu.memory_space<vmem_shared>>
    %dma_wait3A_167 = arith.constant 0 : i32
    %dma_wait3A_168 = tpu.memref_slice %arg10[%add3A_160, %dma_wait3A_167] : memref<10112x128xf32, #tpu.memory_space<vmem_shared>> -> memref<128x128xf32, #tpu.memory_space<vmem_shared>>
    tpu.wait_dma2 semaphore(%arg15 : memref<!tpu.dma_semaphore, #tpu.memory_space<semaphore_mem>>) src(%arg8 : memref<128x128xf32, #tpu.memory_space<vmem>>) dst(%dma_wait3A_168 : memref<128x128xf32, #tpu.memory_space<vmem_shared>>)
    %mul3A_169 = arith.constant 632 : i32
    %mul3A_170 = arith.muli %arg1, %mul3A_169 : i32
    %add3A_171 = arith.constant 384 : i32
    %add3A_172 = arith.addi %mul3A_170, %add3A_171 : i32
    %dma_start3A_173 = arith.constant 0 : i32
    %dma_start3A_174 = tpu.memref_slice %arg10[%add3A_172, %dma_start3A_173] : memref<10112x128xf32, #tpu.memory_space<vmem_shared>> -> memref<128x128xf32, #tpu.memory_space<vmem_shared>>
    %dma_start3A_175 = arith.constant 0 : i32
    %dma_start3A_176 = tpu.memref_slice %arg10[%add3A_172, %dma_start3A_175] : memref<10112x128xf32, #tpu.memory_space<vmem_shared>> -> memref<128x128xf32, #tpu.memory_space<vmem_shared>>
    tpu.enqueue_dma source(%arg8 : memref<128x128xf32, #tpu.memory_space<vmem>>) target(%dma_start3A_176 : memref<128x128xf32, #tpu.memory_space<vmem_shared>>) target_semaphore(%arg15 : memref<!tpu.dma_semaphore, #tpu.memory_space<semaphore_mem>>)
    %dma_wait3A_177 = arith.constant 0 : i32
    %dma_wait3A_178 = tpu.memref_slice %arg10[%add3A_172, %dma_wait3A_177] : memref<10112x128xf32, #tpu.memory_space<vmem_shared>> -> memref<128x128xf32, #tpu.memory_space<vmem_shared>>
    %dma_wait3A_179 = arith.constant 0 : i32
    %dma_wait3A_180 = tpu.memref_slice %arg10[%add3A_172, %dma_wait3A_179] : memref<10112x128xf32, #tpu.memory_space<vmem_shared>> -> memref<128x128xf32, #tpu.memory_space<vmem_shared>>
    tpu.wait_dma2 semaphore(%arg15 : memref<!tpu.dma_semaphore, #tpu.memory_space<semaphore_mem>>) src(%arg8 : memref<128x128xf32, #tpu.memory_space<vmem>>) dst(%dma_wait3A_180 : memref<128x128xf32, #tpu.memory_space<vmem_shared>>)
    %mul3A_181 = arith.constant 632 : i32
    %mul3A_182 = arith.muli %arg1, %mul3A_181 : i32
    %add3A_183 = arith.constant 632 : i32
    %add3A_184 = arith.addi %mul3A_182, %add3A_183 : i32
    %sub3A_185 = arith.constant 120 : i32
    %sub3A_186 = arith.subi %add3A_184, %sub3A_185 : i32
    %dma_start3A_187 = arith.constant 0 : i32
    %dma_start3A_188 = arith.constant 0 : i32
    %dma_start3A_189 = tpu.memref_slice %arg8[%dma_start3A_187, %dma_start3A_188] : memref<128x128xf32, #tpu.memory_space<vmem>> -> memref<120x128xf32, #tpu.memory_space<vmem>>
    %dma_start3A_190 = arith.constant 0 : i32
    %dma_start3A_191 = tpu.memref_slice %arg10[%sub3A_186, %dma_start3A_190] : memref<10112x128xf32, #tpu.memory_space<vmem_shared>> -> memref<120x128xf32, #tpu.memory_space<vmem_shared>>
    %dma_start3A_192 = arith.constant 0 : i32
    %dma_start3A_193 = tpu.memref_slice %arg10[%sub3A_186, %dma_start3A_192] : memref<10112x128xf32, #tpu.memory_space<vmem_shared>> -> memref<120x128xf32, #tpu.memory_space<vmem_shared>>
    %dma_start3A_194 = arith.constant 0 : i32
    %dma_start3A_195 = arith.constant 0 : i32
    %dma_start3A_196 = tpu.memref_slice %arg8[%dma_start3A_194, %dma_start3A_195] : memref<128x128xf32, #tpu.memory_space<vmem>> -> memref<120x128xf32, #tpu.memory_space<vmem>>
    tpu.enqueue_dma source(%dma_start3A_196 : memref<120x128xf32, #tpu.memory_space<vmem>>) target(%dma_start3A_193 : memref<120x128xf32, #tpu.memory_space<vmem_shared>>) target_semaphore(%arg15 : memref<!tpu.dma_semaphore, #tpu.memory_space<semaphore_mem>>)
    %dma_wait3A_197 = arith.constant 0 : i32
    %dma_wait3A_198 = arith.constant 0 : i32
    %dma_wait3A_199 = tpu.memref_slice %arg8[%dma_wait3A_197, %dma_wait3A_198] : memref<128x128xf32, #tpu.memory_space<vmem>> -> memref<120x128xf32, #tpu.memory_space<vmem>>
    %dma_wait3A_200 = arith.constant 0 : i32
    %dma_wait3A_201 = tpu.memref_slice %arg10[%sub3A_186, %dma_wait3A_200] : memref<10112x128xf32, #tpu.memory_space<vmem_shared>> -> memref<120x128xf32, #tpu.memory_space<vmem_shared>>
    %dma_wait3A_202 = arith.constant 0 : i32
    %dma_wait3A_203 = tpu.memref_slice %arg10[%sub3A_186, %dma_wait3A_202] : memref<10112x128xf32, #tpu.memory_space<vmem_shared>> -> memref<120x128xf32, #tpu.memory_space<vmem_shared>>
    %dma_wait3A_204 = arith.constant 0 : i32
    %dma_wait3A_205 = arith.constant 0 : i32
    %dma_wait3A_206 = tpu.memref_slice %arg8[%dma_wait3A_204, %dma_wait3A_205] : memref<128x128xf32, #tpu.memory_space<vmem>> -> memref<120x128xf32, #tpu.memory_space<vmem>>
    tpu.wait_dma2 semaphore(%arg15 : memref<!tpu.dma_semaphore, #tpu.memory_space<semaphore_mem>>) src(%dma_wait3A_206 : memref<120x128xf32, #tpu.memory_space<vmem>>) dst(%dma_wait3A_203 : memref<120x128xf32, #tpu.memory_space<vmem_shared>>)
    %barrier3A_207 = arith.constant 0 : index
    tpu.barrier barrier_id(%barrier3A_207)
    %dma_start3A_208 = arith.constant 0 : i32
    %dma_start3A_209 = tpu.memref_slice %arg6[%dma_start3A_208] : memref<10752xi32, #tpu.memory_space<vmem>> -> memref<128xi32, #tpu.memory_space<vmem>>
    %dma_start3A_210 = arith.constant 0 : i32
    %dma_start3A_211 = arith.constant 0 : i32
    %dma_start3A_212 = tpu.memref_slice %arg2[%add3A_127, %dma_start3A_210, %dma_start3A_211] : memref<4x10000x128xf32, #tpu.memory_space<hbm>> -> memref<1x10000x128xf32, #tpu.memory_space<hbm>>
    %dma_start3A_213 = tpu.memref_squeeze %dma_start3A_212 : memref<1x10000x128xf32, #tpu.memory_space<hbm>> -> memref<10000x128xf32, #tpu.memory_space<hbm>>
    %dma_start3A_214 = arith.constant 0 : i32
    %dma_start3A_215 = arith.constant 0 : i32
    %dma_start3A_216 = tpu.memref_slice %dma_start3A_213[%dma_start3A_214, %dma_start3A_215] : memref<10000x128xf32, #tpu.memory_space<hbm>> -> memref<10000x128xf32, #tpu.memory_space<hbm>>
    tpu.enqueue_indirect_dma source(%dma_start3A_216 : memref<10000x128xf32, #tpu.memory_space<hbm>>) target(%arg8 : memref<128x128xf32, #tpu.memory_space<vmem>>) offsets(%dma_start3A_209 : memref<128xi32, #tpu.memory_space<vmem>>) semaphore(%arg11 : memref<!tpu.dma_semaphore, #tpu.memory_space<semaphore_mem>>)
    %scan3A_217 = arith.constant 0 : i32
    %scan3A_218 = arith.constant 3 : i32
    %scan3A_219 = arith.addi %scan3A_217, %scan3A_218 : i32
    %scan3A_220 = arith.constant 1 : i32
    scf.for %scan3A_243 = %scan3A_217 to %scan3A_219 step %scan3A_220  : i32 {
      %mul3A_244 = arith.constant 1 : i32
      %mul3A_245 = arith.muli %scan3A_243, %mul3A_244 : i32
      %add3A_246 = arith.constant 0 : i32
      %add3A_247 = arith.addi %add3A_246, %mul3A_245 : i32
      %dma_start3A_248 = arith.constant 0 : i32
      %dma_start3A_249 = arith.constant 0 : i32
      %dma_start3A_250 = tpu.memref_slice %arg4[%arg1, %add3A_247, %dma_start3A_248, %dma_start3A_249] : memref<16x3x28x128xi32, #tpu.memory_space<hbm>> -> memref<1x1x28x128xi32, #tpu.memory_space<hbm>>
      %dma_start3A_251 = tpu.memref_squeeze %dma_start3A_250 : memref<1x1x28x128xi32, #tpu.memory_space<hbm>> -> memref<28x128xi32, #tpu.memory_space<hbm>>
      %dma_start3A_252 = arith.constant 0 : i32
      %dma_start3A_253 = arith.constant 0 : i32
      %dma_start3A_254 = tpu.memref_slice %arg4[%arg1, %add3A_247, %dma_start3A_252, %dma_start3A_253] : memref<16x3x28x128xi32, #tpu.memory_space<hbm>> -> memref<1x1x28x128xi32, #tpu.memory_space<hbm>>
      %dma_start3A_255 = tpu.memref_squeeze %dma_start3A_254 : memref<1x1x28x128xi32, #tpu.memory_space<hbm>> -> memref<28x128xi32, #tpu.memory_space<hbm>>
      tpu.enqueue_dma source(%dma_start3A_255 : memref<28x128xi32, #tpu.memory_space<hbm>>) target(%arg7 : memref<28x128xi32, #tpu.memory_space<vmem>>) target_semaphore(%arg15 : memref<!tpu.dma_semaphore, #tpu.memory_space<semaphore_mem>>)
      %dma_wait3A_256 = arith.constant 0 : i32
      %dma_wait3A_257 = arith.constant 0 : i32
      %dma_wait3A_258 = tpu.memref_slice %arg4[%arg1, %add3A_247, %dma_wait3A_256, %dma_wait3A_257] : memref<16x3x28x128xi32, #tpu.memory_space<hbm>> -> memref<1x1x28x128xi32, #tpu.memory_space<hbm>>
      %dma_wait3A_259 = tpu.memref_squeeze %dma_wait3A_258 : memref<1x1x28x128xi32, #tpu.memory_space<hbm>> -> memref<28x128xi32, #tpu.memory_space<hbm>>
      %dma_wait3A_260 = arith.constant 0 : i32
      %dma_wait3A_261 = arith.constant 0 : i32
      %dma_wait3A_262 = tpu.memref_slice %arg4[%arg1, %add3A_247, %dma_wait3A_260, %dma_wait3A_261] : memref<16x3x28x128xi32, #tpu.memory_space<hbm>> -> memref<1x1x28x128xi32, #tpu.memory_space<hbm>>
      %dma_wait3A_263 = tpu.memref_squeeze %dma_wait3A_262 : memref<1x1x28x128xi32, #tpu.memory_space<hbm>> -> memref<28x128xi32, #tpu.memory_space<hbm>>
      tpu.wait_dma2 semaphore(%arg15 : memref<!tpu.dma_semaphore, #tpu.memory_space<semaphore_mem>>) src(%dma_wait3A_263 : memref<28x128xi32, #tpu.memory_space<hbm>>) dst(%arg7 : memref<28x128xi32, #tpu.memory_space<vmem>>)
      %scan3A_264 = arith.constant 0 : i32
      %scan3A_265 = arith.constant 14 : i32
      %scan3A_266 = arith.addi %scan3A_264, %scan3A_265 : i32
      %scan3A_267 = arith.constant 1 : i32
      scf.for %scan3A_269 = %scan3A_264 to %scan3A_266 step %scan3A_267  : i32 {
        %mul3A_270 = arith.constant 1 : i32
        %mul3A_271 = arith.muli %scan3A_269, %mul3A_270 : i32
        %add3A_272 = arith.constant 0 : i32
        %add3A_273 = arith.addi %add3A_272, %mul3A_271 : i32
        %mul3A_274 = arith.constant 28 : i32
        %mul3A_275 = arith.muli %add3A_247, %mul3A_274 : i32
        %mul3A_276 = arith.constant 2 : i32
        %mul3A_277 = arith.muli %mul3A_276, %add3A_273 : i32
        %add3A_278 = arith.addi %mul3A_275, %mul3A_277 : i32
        %mul3A_279 = arith.constant 2 : i32
        %mul3A_280 = arith.muli %mul3A_279, %add3A_273 : i32
        %add3A_281 = arith.constant 1 : i32
        %add3A_282 = arith.addi %add3A_278, %add3A_281 : i32
        %mul3A_283 = arith.constant 128 : i32
        %mul3A_284 = arith.muli %add3A_282, %mul3A_283 : i32
        %dma_start3A_285 = tpu.memref_slice %arg6[%mul3A_284] : memref<10752xi32, #tpu.memory_space<vmem>> -> memref<128xi32, #tpu.memory_space<vmem>>
        %dma_start3A_286 = arith.constant 0 : i32
        %dma_start3A_287 = arith.constant 0 : i32
        %dma_start3A_288 = tpu.memref_slice %arg2[%add3A_127, %dma_start3A_286, %dma_start3A_287] : memref<4x10000x128xf32, #tpu.memory_space<hbm>> -> memref<1x10000x128xf32, #tpu.memory_space<hbm>>
        %dma_start3A_289 = tpu.memref_squeeze %dma_start3A_288 : memref<1x10000x128xf32, #tpu.memory_space<hbm>> -> memref<10000x128xf32, #tpu.memory_space<hbm>>
        %dma_start3A_290 = arith.constant 0 : i32
        %dma_start3A_291 = arith.constant 0 : i32
        %dma_start3A_292 = tpu.memref_slice %dma_start3A_289[%dma_start3A_290, %dma_start3A_291] : memref<10000x128xf32, #tpu.memory_space<hbm>> -> memref<10000x128xf32, #tpu.memory_space<hbm>>
        tpu.enqueue_indirect_dma source(%dma_start3A_292 : memref<10000x128xf32, #tpu.memory_space<hbm>>) target(%arg9 : memref<128x128xf32, #tpu.memory_space<vmem>>) offsets(%dma_start3A_285 : memref<128xi32, #tpu.memory_space<vmem>>) semaphore(%arg12 : memref<!tpu.dma_semaphore, #tpu.memory_space<semaphore_mem>>)
        %mul3A_293 = arith.constant 128 : i32
        %mul3A_294 = arith.muli %add3A_278, %mul3A_293 : i32
        %dma_wait3A_295 = tpu.memref_slice %arg6[%mul3A_294] : memref<10752xi32, #tpu.memory_space<vmem>> -> memref<128xi32, #tpu.memory_space<vmem>>
        %dma_wait3A_296 = arith.constant 0 : i32
        %dma_wait3A_297 = arith.constant 0 : i32
        %dma_wait3A_298 = tpu.memref_slice %arg2[%add3A_127, %dma_wait3A_296, %dma_wait3A_297] : memref<4x10000x128xf32, #tpu.memory_space<hbm>> -> memref<1x10000x128xf32, #tpu.memory_space<hbm>>
        %dma_wait3A_299 = tpu.memref_squeeze %dma_wait3A_298 : memref<1x10000x128xf32, #tpu.memory_space<hbm>> -> memref<10000x128xf32, #tpu.memory_space<hbm>>
        %dma_wait3A_300 = arith.constant 0 : i32
        %dma_wait3A_301 = arith.constant 0 : i32
        %dma_wait3A_302 = tpu.memref_slice %dma_wait3A_299[%dma_wait3A_300, %dma_wait3A_301] : memref<10000x128xf32, #tpu.memory_space<hbm>> -> memref<10000x128xf32, #tpu.memory_space<hbm>>
        tpu.wait_indirect_dma semaphore(%arg11 : memref<!tpu.dma_semaphore, #tpu.memory_space<semaphore_mem>>) src(%dma_wait3A_302 : memref<10000x128xf32, #tpu.memory_space<hbm>>) dst(%arg8 : memref<128x128xf32, #tpu.memory_space<vmem>>)
        %dma_start3A_303 = arith.constant 0 : i32
        %dma_start3A_304 = tpu.memref_slice %arg7[%mul3A_280, %dma_start3A_303] : memref<28x128xi32, #tpu.memory_space<vmem>> -> memref<1x128xi32, #tpu.memory_space<vmem>>
        %dma_start3A_305 = tpu.memref_squeeze %dma_start3A_304 : memref<1x128xi32, #tpu.memory_space<vmem>> -> memref<128xi32, #tpu.memory_space<vmem>>
        %dma_start3A_306 = arith.constant 0 : i32
        %dma_start3A_307 = arith.constant 0 : i32
        %dma_start3A_308 = tpu.memref_slice %arg10[%dma_start3A_306, %dma_start3A_307] : memref<10112x128xf32, #tpu.memory_space<vmem_shared>> -> memref<10112x128xf32, #tpu.memory_space<vmem_shared>>
        tpu.enqueue_indirect_dma source(%arg8 : memref<128x128xf32, #tpu.memory_space<vmem>>) target(%dma_start3A_308 : memref<10112x128xf32, #tpu.memory_space<vmem_shared>>) offsets(%dma_start3A_305 : memref<128xi32, #tpu.memory_space<vmem>>) semaphore(%arg13 : memref<!tpu.dma_semaphore, #tpu.memory_space<semaphore_mem>>) {add = true}
        %dma_wait3A_309 = arith.constant 0 : i32
        %dma_wait3A_310 = tpu.memref_slice %arg7[%mul3A_280, %dma_wait3A_309] : memref<28x128xi32, #tpu.memory_space<vmem>> -> memref<1x128xi32, #tpu.memory_space<vmem>>
        %dma_wait3A_311 = tpu.memref_squeeze %dma_wait3A_310 : memref<1x128xi32, #tpu.memory_space<vmem>> -> memref<128xi32, #tpu.memory_space<vmem>>
        %dma_wait3A_312 = arith.constant 0 : i32
        %dma_wait3A_313 = arith.constant 0 : i32
        %dma_wait3A_314 = tpu.memref_slice %arg10[%dma_wait3A_312, %dma_wait3A_313] : memref<10112x128xf32, #tpu.memory_space<vmem_shared>> -> memref<10112x128xf32, #tpu.memory_space<vmem_shared>>
        tpu.wait_indirect_dma semaphore(%arg13 : memref<!tpu.dma_semaphore, #tpu.memory_space<semaphore_mem>>) src(%arg8 : memref<128x128xf32, #tpu.memory_space<vmem>>) dst(%dma_wait3A_314 : memref<10112x128xf32, #tpu.memory_space<vmem_shared>>)
        %add3A_315 = arith.constant 2 : i32
        %add3A_316 = arith.addi %add3A_278, %add3A_315 : i32
        %lt3A = arith.constant 84 : i32
        %lt3A_317 = arith.cmpi slt, %add3A_316, %lt3A : i32
        %convert_element_type3A_318 = arith.extui %lt3A_317 : i1 to i32
        %cond3A_319 = arith.constant 0 : i32
        %cond3A_320 = arith.cmpi ne, %convert_element_type3A_318, %cond3A_319 : i32
        scf.if %cond3A_320 {
          %add3A_347 = arith.constant 2 : i32
          %add3A_348 = arith.addi %add3A_278, %add3A_347 : i32
          %mul3A_349 = arith.constant 128 : i32
          %mul3A_350 = arith.muli %add3A_348, %mul3A_349 : i32
          %dma_start3A_351 = tpu.memref_slice %arg6[%mul3A_350] : memref<10752xi32, #tpu.memory_space<vmem>> -> memref<128xi32, #tpu.memory_space<vmem>>
          %dma_start3A_352 = arith.constant 0 : i32
          %dma_start3A_353 = arith.constant 0 : i32
          %dma_start3A_354 = tpu.memref_slice %arg2[%add3A_127, %dma_start3A_352, %dma_start3A_353] : memref<4x10000x128xf32, #tpu.memory_space<hbm>> -> memref<1x10000x128xf32, #tpu.memory_space<hbm>>
          %dma_start3A_355 = tpu.memref_squeeze %dma_start3A_354 : memref<1x10000x128xf32, #tpu.memory_space<hbm>> -> memref<10000x128xf32, #tpu.memory_space<hbm>>
          %dma_start3A_356 = arith.constant 0 : i32
          %dma_start3A_357 = arith.constant 0 : i32
          %dma_start3A_358 = tpu.memref_slice %dma_start3A_355[%dma_start3A_356, %dma_start3A_357] : memref<10000x128xf32, #tpu.memory_space<hbm>> -> memref<10000x128xf32, #tpu.memory_space<hbm>>
          tpu.enqueue_indirect_dma source(%dma_start3A_358 : memref<10000x128xf32, #tpu.memory_space<hbm>>) target(%arg8 : memref<128x128xf32, #tpu.memory_space<vmem>>) offsets(%dma_start3A_351 : memref<128xi32, #tpu.memory_space<vmem>>) semaphore(%arg11 : memref<!tpu.dma_semaphore, #tpu.memory_space<semaphore_mem>>)
        } else {
        }
        %add3A_321 = arith.constant 1 : i32
        %add3A_322 = arith.addi %add3A_278, %add3A_321 : i32
        %mul3A_323 = arith.constant 128 : i32
        %mul3A_324 = arith.muli %add3A_322, %mul3A_323 : i32
        %dma_wait3A_325 = tpu.memref_slice %arg6[%mul3A_324] : memref<10752xi32, #tpu.memory_space<vmem>> -> memref<128xi32, #tpu.memory_space<vmem>>
        %dma_wait3A_326 = arith.constant 0 : i32
        %dma_wait3A_327 = arith.constant 0 : i32
        %dma_wait3A_328 = tpu.memref_slice %arg2[%add3A_127, %dma_wait3A_326, %dma_wait3A_327] : memref<4x10000x128xf32, #tpu.memory_space<hbm>> -> memref<1x10000x128xf32, #tpu.memory_space<hbm>>
        %dma_wait3A_329 = tpu.memref_squeeze %dma_wait3A_328 : memref<1x10000x128xf32, #tpu.memory_space<hbm>> -> memref<10000x128xf32, #tpu.memory_space<hbm>>
        %dma_wait3A_330 = arith.constant 0 : i32
        %dma_wait3A_331 = arith.constant 0 : i32
        %dma_wait3A_332 = tpu.memref_slice %dma_wait3A_329[%dma_wait3A_330, %dma_wait3A_331] : memref<10000x128xf32, #tpu.memory_space<hbm>> -> memref<10000x128xf32, #tpu.memory_space<hbm>>
        tpu.wait_indirect_dma semaphore(%arg12 : memref<!tpu.dma_semaphore, #tpu.memory_space<semaphore_mem>>) src(%dma_wait3A_332 : memref<10000x128xf32, #tpu.memory_space<hbm>>) dst(%arg9 : memref<128x128xf32, #tpu.memory_space<vmem>>)
        %add3A_333 = arith.constant 1 : i32
        %add3A_334 = arith.addi %mul3A_280, %add3A_333 : i32
        %dma_start3A_335 = arith.constant 0 : i32
        %dma_start3A_336 = tpu.memref_slice %arg7[%add3A_334, %dma_start3A_335] : memref<28x128xi32, #tpu.memory_space<vmem>> -> memref<1x128xi32, #tpu.memory_space<vmem>>
        %dma_start3A_337 = tpu.memref_squeeze %dma_start3A_336 : memref<1x128xi32, #tpu.memory_space<vmem>> -> memref<128xi32, #tpu.memory_space<vmem>>
        %dma_start3A_338 = arith.constant 0 : i32
        %dma_start3A_339 = arith.constant 0 : i32
        %dma_start3A_340 = tpu.memref_slice %arg10[%dma_start3A_338, %dma_start3A_339] : memref<10112x128xf32, #tpu.memory_space<vmem_shared>> -> memref<10112x128xf32, #tpu.memory_space<vmem_shared>>
        tpu.enqueue_indirect_dma source(%arg9 : memref<128x128xf32, #tpu.memory_space<vmem>>) target(%dma_start3A_340 : memref<10112x128xf32, #tpu.memory_space<vmem_shared>>) offsets(%dma_start3A_337 : memref<128xi32, #tpu.memory_space<vmem>>) semaphore(%arg14 : memref<!tpu.dma_semaphore, #tpu.memory_space<semaphore_mem>>) {add = true}
        %dma_wait3A_341 = arith.constant 0 : i32
        %dma_wait3A_342 = tpu.memref_slice %arg7[%add3A_334, %dma_wait3A_341] : memref<28x128xi32, #tpu.memory_space<vmem>> -> memref<1x128xi32, #tpu.memory_space<vmem>>
        %dma_wait3A_343 = tpu.memref_squeeze %dma_wait3A_342 : memref<1x128xi32, #tpu.memory_space<vmem>> -> memref<128xi32, #tpu.memory_space<vmem>>
        %dma_wait3A_344 = arith.constant 0 : i32
        %dma_wait3A_345 = arith.constant 0 : i32
        %dma_wait3A_346 = tpu.memref_slice %arg10[%dma_wait3A_344, %dma_wait3A_345] : memref<10112x128xf32, #tpu.memory_space<vmem_shared>> -> memref<10112x128xf32, #tpu.memory_space<vmem_shared>>
        tpu.wait_indirect_dma semaphore(%arg14 : memref<!tpu.dma_semaphore, #tpu.memory_space<semaphore_mem>>) src(%arg9 : memref<128x128xf32, #tpu.memory_space<vmem>>) dst(%dma_wait3A_346 : memref<10112x128xf32, #tpu.memory_space<vmem_shared>>)
      }
      %scan3A_268 = arith.constant 14 : i32
    }
    %scan3A_221 = arith.constant 3 : i32
    %barrier3A_222 = arith.constant 0 : index
    tpu.barrier barrier_id(%barrier3A_222)
    %mul3A_223 = arith.constant 624 : i32
    %mul3A_224 = arith.muli %arg1, %mul3A_223 : i32
    %mul3A_225 = arith.constant 624 : i32
    %mul3A_226 = arith.muli %arg1, %mul3A_225 : i32
    %dma_start3A_227 = arith.constant 0 : i32
    %dma_start3A_228 = tpu.memref_slice %arg5[%add3A_127, %mul3A_226, %dma_start3A_227] : memref<4x10000x128xf32, #tpu.memory_space<hbm>> -> memref<1x624x128xf32, #tpu.memory_space<hbm>>
    %dma_start3A_229 = tpu.memref_squeeze %dma_start3A_228 : memref<1x624x128xf32, #tpu.memory_space<hbm>> -> memref<624x128xf32, #tpu.memory_space<hbm>>
    %dma_start3A_230 = arith.constant 0 : i32
    %dma_start3A_231 = tpu.memref_slice %arg10[%mul3A_224, %dma_start3A_230] : memref<10112x128xf32, #tpu.memory_space<vmem_shared>> -> memref<624x128xf32, #tpu.memory_space<vmem_shared>>
    tpu.enqueue_dma source(%dma_start3A_231 : memref<624x128xf32, #tpu.memory_space<vmem_shared>>) target(%dma_start3A_229 : memref<624x128xf32, #tpu.memory_space<hbm>>) target_semaphore(%arg15 : memref<!tpu.dma_semaphore, #tpu.memory_space<semaphore_mem>>)
    %dma_wait3A_232 = arith.constant 0 : i32
    %dma_wait3A_233 = tpu.memref_slice %arg5[%add3A_127, %mul3A_226, %dma_wait3A_232] : memref<4x10000x128xf32, #tpu.memory_space<hbm>> -> memref<1x624x128xf32, #tpu.memory_space<hbm>>
    %dma_wait3A_234 = tpu.memref_squeeze %dma_wait3A_233 : memref<1x624x128xf32, #tpu.memory_space<hbm>> -> memref<624x128xf32, #tpu.memory_space<hbm>>
    %dma_wait3A_235 = arith.constant 0 : i32
    %dma_wait3A_236 = tpu.memref_slice %arg10[%mul3A_224, %dma_wait3A_235] : memref<10112x128xf32, #tpu.memory_space<vmem_shared>> -> memref<624x128xf32, #tpu.memory_space<vmem_shared>>
    tpu.wait_dma2 semaphore(%arg15 : memref<!tpu.dma_semaphore, #tpu.memory_space<semaphore_mem>>) src(%dma_wait3A_236 : memref<624x128xf32, #tpu.memory_space<vmem_shared>>) dst(%dma_wait3A_234 : memref<624x128xf32, #tpu.memory_space<hbm>>)
    %eq3A_237 = arith.constant 0 : i32
    %eq3A_238 = arith.cmpi eq, %arg1, %eq3A_237 : i32
    %convert_element_type3A_239 = arith.extui %eq3A_238 : i1 to i32
    %cond3A_240 = arith.constant 0 : i32
    %cond3A_241 = arith.cmpi ne, %convert_element_type3A_239, %cond3A_240 : i32
    scf.if %cond3A_241 {
      %dma_start3A_243 = arith.constant 9984 : i32
      %dma_start3A_244 = arith.constant 0 : i32
      %dma_start3A_245 = tpu.memref_slice %arg5[%add3A_127, %dma_start3A_243, %dma_start3A_244] : memref<4x10000x128xf32, #tpu.memory_space<hbm>> -> memref<1x16x128xf32, #tpu.memory_space<hbm>>
      %dma_start3A_246 = tpu.memref_squeeze %dma_start3A_245 : memref<1x16x128xf32, #tpu.memory_space<hbm>> -> memref<16x128xf32, #tpu.memory_space<hbm>>
      %dma_start3A_247 = arith.constant 9984 : i32
      %dma_start3A_248 = arith.constant 0 : i32
      %dma_start3A_249 = tpu.memref_slice %arg10[%dma_start3A_247, %dma_start3A_248] : memref<10112x128xf32, #tpu.memory_space<vmem_shared>> -> memref<16x128xf32, #tpu.memory_space<vmem_shared>>
      tpu.enqueue_dma source(%dma_start3A_249 : memref<16x128xf32, #tpu.memory_space<vmem_shared>>) target(%dma_start3A_246 : memref<16x128xf32, #tpu.memory_space<hbm>>) target_semaphore(%arg15 : memref<!tpu.dma_semaphore, #tpu.memory_space<semaphore_mem>>)
      %dma_wait3A_250 = arith.constant 9984 : i32
      %dma_wait3A_251 = arith.constant 0 : i32
      %dma_wait3A_252 = tpu.memref_slice %arg5[%add3A_127, %dma_wait3A_250, %dma_wait3A_251] : memref<4x10000x128xf32, #tpu.memory_space<hbm>> -> memref<1x16x128xf32, #tpu.memory_space<hbm>>
      %dma_wait3A_253 = tpu.memref_squeeze %dma_wait3A_252 : memref<1x16x128xf32, #tpu.memory_space<hbm>> -> memref<16x128xf32, #tpu.memory_space<hbm>>
      %dma_wait3A_254 = arith.constant 9984 : i32
      %dma_wait3A_255 = arith.constant 0 : i32
      %dma_wait3A_256 = tpu.memref_slice %arg10[%dma_wait3A_254, %dma_wait3A_255] : memref<10112x128xf32, #tpu.memory_space<vmem_shared>> -> memref<16x128xf32, #tpu.memory_space<vmem_shared>>
      tpu.wait_dma2 semaphore(%arg15 : memref<!tpu.dma_semaphore, #tpu.memory_space<semaphore_mem>>) src(%dma_wait3A_256 : memref<16x128xf32, #tpu.memory_space<vmem_shared>>) dst(%dma_wait3A_253 : memref<16x128xf32, #tpu.memory_space<hbm>>)
    } else {
    }
    %barrier3A_242 = arith.constant 0 : index
    tpu.barrier barrier_id(%barrier3A_242)
    return
  }
}

module attributes {stable_mosaic.version = 14 : i64} {
  func.func @_dinv_body(%arg0: memref<32x10112xf32, #tpu.memory_space<vmem>>, %arg1: memref<10000x1xf32, #tpu.memory_space<vmem>>) attributes {dimension_semantics = [], scalar_prefetch = 0 : i64, scratch_operands = 0 : i64, tpu.core_type = #tpu.core_type<tc>} {
    %get3A = arith.constant 0 : index
    %get3A_0 = arith.constant 0 : index
    %get3A_1 = vector.load %arg0[%get3A, %get3A_0] : memref<32x10112xf32, #tpu.memory_space<vmem>>, vector<32x10112xf32>
    %reduce_sum3A = arith.constant dense<0.000000e+00> : vector<10112xf32>
    %reduce_sum3A_2 = vector.multi_reduction <add>, %get3A_1, %reduce_sum3A [0] : vector<32x10112xf32> to vector<10112xf32>
    %slice3A = vector.extract_strided_slice %reduce_sum3A_2 {offsets = [0], sizes = [10000], strides = [1]} : vector<10112xf32> to vector<10000xf32>
    %rsqrt3A = math.rsqrt %slice3A : vector<10000xf32>
    %broadcast_in_dim3A = vector.shape_cast %rsqrt3A : vector<10000xf32> to vector<10000x1xf32>
    %swap3A = arith.constant 0 : index
    %swap3A_3 = arith.constant 0 : index
    %swap3A_4 = vector.load %arg1[%swap3A, %swap3A_3] : memref<10000x1xf32, #tpu.memory_space<vmem>>, vector<10000x1xf32>
    tpu.vector_store %arg1[%swap3A, %swap3A_3], %broadcast_in_dim3A {strides = array<i32>} : memref<10000x1xf32, #tpu.memory_space<vmem>>, vector<10000x1xf32>,
    return
  }
}

module attributes {stable_mosaic.version = 14 : i64} {
  func.func @_mm1_body(%arg0: i32, %arg1: memref<1000x256xf32, #tpu.memory_space<vmem>>, %arg2: memref<256x512xf32, #tpu.memory_space<vmem>>, %arg3: memref<1000x1xf32, #tpu.memory_space<vmem>>, %arg4: memref<4x1000x128xf32, #tpu.memory_space<vmem>>) attributes {dimension_semantics = [#tpu.dimension_semantics<arbitrary>], iteration_bounds = array<i64: 10>, scalar_prefetch = 0 : i64, scratch_operands = 0 : i64, tpu.core_type = #tpu.core_type<tc>, window_params = [{transform_indices = @transform_0, window_bounds = array<i64: 1000, 256>}, {pipeline_mode = #tpu.pipeline_mode<synchronous>, transform_indices = @transform_1, window_bounds = array<i64: 256, 512>}, {transform_indices = @transform_2, window_bounds = array<i64: 1000, 1>}, {transform_indices = @transform_3, window_bounds = array<i64: 4, 1000, 128>}]} {
    %get3A = arith.constant 0 : index
    %get3A_0 = arith.constant 0 : index
    %get3A_1 = vector.load %arg3[%get3A, %get3A_0] : memref<1000x1xf32, #tpu.memory_space<vmem>>, vector<1000x1xf32>
    %get3A_2 = arith.constant 0 : index
    %get3A_3 = arith.constant 0 : index
    %get3A_4 = vector.load %arg1[%get3A_2, %get3A_3] : memref<1000x256xf32, #tpu.memory_space<vmem>>, vector<1000x256xf32>
    %get3A_5 = arith.constant 0 : index
    %get3A_6 = arith.constant 0 : index
    %get3A_7 = vector.load %arg2[%get3A_5, %get3A_6] : memref<256x512xf32, #tpu.memory_space<vmem>>, vector<256x512xf32>
    %dot_general3A = arith.constant dense<0.000000e+00> : vector<1000x512xf32>
    %dot_general3A_8 = tpu.matmul %get3A_4, %get3A_7, %dot_general3A {dimension_numbers = #tpu.dot_dimension_numbers<[1], [0], [0], [1], [0, 0, 1, 1], [], []>, transpose_lhs_hint = false} : vector<1000x256xf32>, vector<256x512xf32>, vector<1000x512xf32> -> vector<1000x512xf32>
    %mul3A = vector.broadcast %get3A_1 : vector<1000x1xf32> to vector<1000x512xf32>
    %mul3A_9 = arith.mulf %mul3A, %dot_general3A_8 : vector<1000x512xf32>
    %slice3A = vector.extract_strided_slice %mul3A_9 {offsets = [0, 0], sizes = [1000, 128], strides = [1, 1]} : vector<1000x512xf32> to vector<1000x128xf32>
    %swap3A = arith.constant 0 : index
    %swap3A_10 = arith.constant 0 : index
    %swap3A_11 = arith.constant 0 : index
    %swap3A_12 = vector.load %arg4[%swap3A, %swap3A_10, %swap3A_11] : memref<4x1000x128xf32, #tpu.memory_space<vmem>>, vector<1x1000x128xf32>
    %swap3A_13 = vector.shape_cast %swap3A_12 : vector<1x1000x128xf32> to vector<1000x128xf32>
    %swap3A_14 = vector.shape_cast %slice3A : vector<1000x128xf32> to vector<1x1000x128xf32>
    tpu.vector_store %arg4[%swap3A, %swap3A_10, %swap3A_11], %swap3A_14 {strides = array<i32>} : memref<4x1000x128xf32, #tpu.memory_space<vmem>>, vector<1x1000x128xf32>,
    %slice3A_15 = vector.extract_strided_slice %mul3A_9 {offsets = [0, 128], sizes = [1000, 128], strides = [1, 1]} : vector<1000x512xf32> to vector<1000x128xf32>
    %swap3A_16 = arith.constant 1 : index
    %swap3A_17 = arith.constant 0 : index
    %swap3A_18 = arith.constant 0 : index
    %swap3A_19 = vector.load %arg4[%swap3A_16, %swap3A_17, %swap3A_18] : memref<4x1000x128xf32, #tpu.memory_space<vmem>>, vector<1x1000x128xf32>
    %swap3A_20 = vector.shape_cast %swap3A_19 : vector<1x1000x128xf32> to vector<1000x128xf32>
    %swap3A_21 = vector.shape_cast %slice3A_15 : vector<1000x128xf32> to vector<1x1000x128xf32>
    tpu.vector_store %arg4[%swap3A_16, %swap3A_17, %swap3A_18], %swap3A_21 {strides = array<i32>} : memref<4x1000x128xf32, #tpu.memory_space<vmem>>, vector<1x1000x128xf32>,
    %slice3A_22 = vector.extract_strided_slice %mul3A_9 {offsets = [0, 256], sizes = [1000, 128], strides = [1, 1]} : vector<1000x512xf32> to vector<1000x128xf32>
    %swap3A_23 = arith.constant 2 : index
    %swap3A_24 = arith.constant 0 : index
    %swap3A_25 = arith.constant 0 : index
    %swap3A_26 = vector.load %arg4[%swap3A_23, %swap3A_24, %swap3A_25] : memref<4x1000x128xf32, #tpu.memory_space<vmem>>, vector<1x1000x128xf32>
    %swap3A_27 = vector.shape_cast %swap3A_26 : vector<1x1000x128xf32> to vector<1000x128xf32>
    %swap3A_28 = vector.shape_cast %slice3A_22 : vector<1000x128xf32> to vector<1x1000x128xf32>
    tpu.vector_store %arg4[%swap3A_23, %swap3A_24, %swap3A_25], %swap3A_28 {strides = array<i32>} : memref<4x1000x128xf32, #tpu.memory_space<vmem>>, vector<1x1000x128xf32>,
    %slice3A_29 = vector.extract_strided_slice %mul3A_9 {offsets = [0, 384], sizes = [1000, 128], strides = [1, 1]} : vector<1000x512xf32> to vector<1000x128xf32>
    %swap3A_30 = arith.constant 3 : index
    %swap3A_31 = arith.constant 0 : index
    %swap3A_32 = arith.constant 0 : index
    %swap3A_33 = vector.load %arg4[%swap3A_30, %swap3A_31, %swap3A_32] : memref<4x1000x128xf32, #tpu.memory_space<vmem>>, vector<1x1000x128xf32>
    %swap3A_34 = vector.shape_cast %swap3A_33 : vector<1x1000x128xf32> to vector<1000x128xf32>
    %swap3A_35 = vector.shape_cast %slice3A_29 : vector<1000x128xf32> to vector<1x1000x128xf32>
    tpu.vector_store %arg4[%swap3A_30, %swap3A_31, %swap3A_32], %swap3A_35 {strides = array<i32>} : memref<4x1000x128xf32, #tpu.memory_space<vmem>>, vector<1x1000x128xf32>,
    return
  }
  func.func @transform_0(%arg0: i32) -> (i32, i32) {
    %c0_i32 = arith.constant 0 : i32
    %c0_i32_0 = arith.constant 0 : i32
    return %arg0, %c0_i32 : i32, i32
  }
  func.func @transform_1(%arg0: i32) -> (i32, i32) {
    %c0_i32 = arith.constant 0 : i32
    %c0_i32_0 = arith.constant 0 : i32
    %c0_i32_1 = arith.constant 0 : i32
    return %c0_i32, %c0_i32_0 : i32, i32
  }
  func.func @transform_2(%arg0: i32) -> (i32, i32) {
    %c0_i32 = arith.constant 0 : i32
    %c0_i32_0 = arith.constant 0 : i32
    return %arg0, %c0_i32 : i32, i32
  }
  func.func @transform_3(%arg0: i32) -> (i32, i32, i32) {
    %c0_i32 = arith.constant 0 : i32
    %c0_i32_0 = arith.constant 0 : i32
    %c0_i32_1 = arith.constant 0 : i32
    return %c0_i32, %arg0, %c0_i32_0 : i32, i32, i32
  }
}

module attributes {stable_mosaic.version = 14 : i64} {
  func.func @_mm2_body(%arg0: i32, %arg1: memref<4x1000x128xf32, #tpu.memory_space<vmem>>, %arg2: memref<512x512xf32, #tpu.memory_space<vmem>>, %arg3: memref<1000x1xf32, #tpu.memory_space<vmem>>, %arg4: memref<1x512xf32, #tpu.memory_space<vmem>>, %arg5: memref<1x512xf32, #tpu.memory_space<vmem>>, %arg6: memref<4x1000x128xf32, #tpu.memory_space<vmem>>) attributes {dimension_semantics = [#tpu.dimension_semantics<arbitrary>], iteration_bounds = array<i64: 10>, scalar_prefetch = 0 : i64, scratch_operands = 0 : i64, tpu.core_type = #tpu.core_type<tc>, window_params = [{transform_indices = @transform_0, window_bounds = array<i64: 4, 1000, 128>}, {pipeline_mode = #tpu.pipeline_mode<synchronous>, transform_indices = @transform_1, window_bounds = array<i64: 512, 512>}, {transform_indices = @transform_2, window_bounds = array<i64: 1000, 1>}, {pipeline_mode = #tpu.pipeline_mode<synchronous>, transform_indices = @transform_3, window_bounds = array<i64: 1, 512>}, {pipeline_mode = #tpu.pipeline_mode<synchronous>, transform_indices = @transform_4, window_bounds = array<i64: 1, 512>}, {transform_indices = @transform_5, window_bounds = array<i64: 4, 1000, 128>}]} {
    %get3A = arith.constant 0 : index
    %get3A_0 = arith.constant 0 : index
    %get3A_1 = arith.constant 0 : index
    %get3A_2 = vector.load %arg1[%get3A, %get3A_0, %get3A_1] : memref<4x1000x128xf32, #tpu.memory_space<vmem>>, vector<1x1000x128xf32>
    %get3A_3 = vector.shape_cast %get3A_2 : vector<1x1000x128xf32> to vector<1000x128xf32>
    %get3A_4 = arith.constant 1 : index
    %get3A_5 = arith.constant 0 : index
    %get3A_6 = arith.constant 0 : index
    %get3A_7 = vector.load %arg1[%get3A_4, %get3A_5, %get3A_6] : memref<4x1000x128xf32, #tpu.memory_space<vmem>>, vector<1x1000x128xf32>
    %get3A_8 = vector.shape_cast %get3A_7 : vector<1x1000x128xf32> to vector<1000x128xf32>
    %get3A_9 = arith.constant 2 : index
    %get3A_10 = arith.constant 0 : index
    %get3A_11 = arith.constant 0 : index
    %get3A_12 = vector.load %arg1[%get3A_9, %get3A_10, %get3A_11] : memref<4x1000x128xf32, #tpu.memory_space<vmem>>, vector<1x1000x128xf32>
    %get3A_13 = vector.shape_cast %get3A_12 : vector<1x1000x128xf32> to vector<1000x128xf32>
    %get3A_14 = arith.constant 3 : index
    %get3A_15 = arith.constant 0 : index
    %get3A_16 = arith.constant 0 : index
    %get3A_17 = vector.load %arg1[%get3A_14, %get3A_15, %get3A_16] : memref<4x1000x128xf32, #tpu.memory_space<vmem>>, vector<1x1000x128xf32>
    %get3A_18 = vector.shape_cast %get3A_17 : vector<1x1000x128xf32> to vector<1000x128xf32>
    %concatenate3A = tpu.concatenate %get3A_3, %get3A_8, %get3A_13, %get3A_18 in 1 : vector<1000x128xf32>, vector<1000x128xf32>, vector<1000x128xf32>, vector<1000x128xf32> -> vector<1000x512xf32>
    %get3A_19 = arith.constant 0 : index
    %get3A_20 = arith.constant 0 : index
    %get3A_21 = vector.load %arg3[%get3A_19, %get3A_20] : memref<1000x1xf32, #tpu.memory_space<vmem>>, vector<1000x1xf32>
    %mul3A = vector.broadcast %get3A_21 : vector<1000x1xf32> to vector<1000x512xf32>
    %mul3A_22 = arith.mulf %mul3A, %concatenate3A : vector<1000x512xf32>
    %get3A_23 = arith.constant 0 : index
    %get3A_24 = arith.constant 0 : index
    %get3A_25 = vector.load %arg4[%get3A_23, %get3A_24] : memref<1x512xf32, #tpu.memory_space<vmem>>, vector<1x512xf32>
    %add3A = vector.broadcast %get3A_25 : vector<1x512xf32> to vector<1000x512xf32>
    %add3A_26 = arith.addf %mul3A_22, %add3A : vector<1000x512xf32>
    %gt3A = arith.constant 0.000000e+00 : f32
    %gt3A_27 = vector.broadcast %gt3A : f32 to vector<1000x512xf32>
    %gt3A_28 = arith.cmpf ogt, %add3A_26, %gt3A_27 : vector<1000x512xf32>
    %get3A_29 = arith.constant 0 : index
    %get3A_30 = arith.constant 0 : index
    %get3A_31 = vector.load %arg5[%get3A_29, %get3A_30] : memref<1x512xf32, #tpu.memory_space<vmem>>, vector<1x512xf32>
    %mul3A_32 = vector.broadcast %get3A_31 : vector<1x512xf32> to vector<1000x512xf32>
    %mul3A_33 = arith.mulf %mul3A_32, %add3A_26 : vector<1000x512xf32>
    %select_n3A = arith.select %gt3A_28, %add3A_26, %mul3A_33 : vector<1000x512xi1>, vector<1000x512xf32>
    %get3A_34 = arith.constant 0 : index
    %get3A_35 = arith.constant 0 : index
    %get3A_36 = vector.load %arg2[%get3A_34, %get3A_35] : memref<512x512xf32, #tpu.memory_space<vmem>>, vector<512x512xf32>
    %dot_general3A = arith.constant dense<0.000000e+00> : vector<1000x512xf32>
    %dot_general3A_37 = tpu.matmul %select_n3A, %get3A_36, %dot_general3A {dimension_numbers = #tpu.dot_dimension_numbers<[1], [0], [0], [1], [0, 0, 1, 1], [], []>, transpose_lhs_hint = false} : vector<1000x512xf32>, vector<512x512xf32>, vector<1000x512xf32> -> vector<1000x512xf32>
    %mul3A_38 = vector.broadcast %get3A_21 : vector<1000x1xf32> to vector<1000x512xf32>
    %mul3A_39 = arith.mulf %mul3A_38, %dot_general3A_37 : vector<1000x512xf32>
    %slice3A = vector.extract_strided_slice %mul3A_39 {offsets = [0, 0], sizes = [1000, 128], strides = [1, 1]} : vector<1000x512xf32> to vector<1000x128xf32>
    %swap3A = arith.constant 0 : index
    %swap3A_40 = arith.constant 0 : index
    %swap3A_41 = arith.constant 0 : index
    %swap3A_42 = vector.load %arg6[%swap3A, %swap3A_40, %swap3A_41] : memref<4x1000x128xf32, #tpu.memory_space<vmem>>, vector<1x1000x128xf32>
    %swap3A_43 = vector.shape_cast %swap3A_42 : vector<1x1000x128xf32> to vector<1000x128xf32>
    %swap3A_44 = vector.shape_cast %slice3A : vector<1000x128xf32> to vector<1x1000x128xf32>
    tpu.vector_store %arg6[%swap3A, %swap3A_40, %swap3A_41], %swap3A_44 {strides = array<i32>} : memref<4x1000x128xf32, #tpu.memory_space<vmem>>, vector<1x1000x128xf32>,
    %slice3A_45 = vector.extract_strided_slice %mul3A_39 {offsets = [0, 128], sizes = [1000, 128], strides = [1, 1]} : vector<1000x512xf32> to vector<1000x128xf32>
    %swap3A_46 = arith.constant 1 : index
    %swap3A_47 = arith.constant 0 : index
    %swap3A_48 = arith.constant 0 : index
    %swap3A_49 = vector.load %arg6[%swap3A_46, %swap3A_47, %swap3A_48] : memref<4x1000x128xf32, #tpu.memory_space<vmem>>, vector<1x1000x128xf32>
    %swap3A_50 = vector.shape_cast %swap3A_49 : vector<1x1000x128xf32> to vector<1000x128xf32>
    %swap3A_51 = vector.shape_cast %slice3A_45 : vector<1000x128xf32> to vector<1x1000x128xf32>
    tpu.vector_store %arg6[%swap3A_46, %swap3A_47, %swap3A_48], %swap3A_51 {strides = array<i32>} : memref<4x1000x128xf32, #tpu.memory_space<vmem>>, vector<1x1000x128xf32>,
    %slice3A_52 = vector.extract_strided_slice %mul3A_39 {offsets = [0, 256], sizes = [1000, 128], strides = [1, 1]} : vector<1000x512xf32> to vector<1000x128xf32>
    %swap3A_53 = arith.constant 2 : index
    %swap3A_54 = arith.constant 0 : index
    %swap3A_55 = arith.constant 0 : index
    %swap3A_56 = vector.load %arg6[%swap3A_53, %swap3A_54, %swap3A_55] : memref<4x1000x128xf32, #tpu.memory_space<vmem>>, vector<1x1000x128xf32>
    %swap3A_57 = vector.shape_cast %swap3A_56 : vector<1x1000x128xf32> to vector<1000x128xf32>
    %swap3A_58 = vector.shape_cast %slice3A_52 : vector<1000x128xf32> to vector<1x1000x128xf32>
    tpu.vector_store %arg6[%swap3A_53, %swap3A_54, %swap3A_55], %swap3A_58 {strides = array<i32>} : memref<4x1000x128xf32, #tpu.memory_space<vmem>>, vector<1x1000x128xf32>,
    %slice3A_59 = vector.extract_strided_slice %mul3A_39 {offsets = [0, 384], sizes = [1000, 128], strides = [1, 1]} : vector<1000x512xf32> to vector<1000x128xf32>
    %swap3A_60 = arith.constant 3 : index
    %swap3A_61 = arith.constant 0 : index
    %swap3A_62 = arith.constant 0 : index
    %swap3A_63 = vector.load %arg6[%swap3A_60, %swap3A_61, %swap3A_62] : memref<4x1000x128xf32, #tpu.memory_space<vmem>>, vector<1x1000x128xf32>
    %swap3A_64 = vector.shape_cast %swap3A_63 : vector<1x1000x128xf32> to vector<1000x128xf32>
    %swap3A_65 = vector.shape_cast %slice3A_59 : vector<1000x128xf32> to vector<1x1000x128xf32>
    tpu.vector_store %arg6[%swap3A_60, %swap3A_61, %swap3A_62], %swap3A_65 {strides = array<i32>} : memref<4x1000x128xf32, #tpu.memory_space<vmem>>, vector<1x1000x128xf32>,
    return
  }
  func.func @transform_0(%arg0: i32) -> (i32, i32, i32) {
    %c0_i32 = arith.constant 0 : i32
    %c0_i32_0 = arith.constant 0 : i32
    %c0_i32_1 = arith.constant 0 : i32
    return %c0_i32, %arg0, %c0_i32_0 : i32, i32, i32
  }
  func.func @transform_1(%arg0: i32) -> (i32, i32) {
    %c0_i32 = arith.constant 0 : i32
    %c0_i32_0 = arith.constant 0 : i32
    %c0_i32_1 = arith.constant 0 : i32
    return %c0_i32, %c0_i32_0 : i32, i32
  }
  func.func @transform_2(%arg0: i32) -> (i32, i32) {
    %c0_i32 = arith.constant 0 : i32
    %c0_i32_0 = arith.constant 0 : i32
    return %arg0, %c0_i32 : i32, i32
  }
  func.func @transform_3(%arg0: i32) -> (i32, i32) {
    %c0_i32 = arith.constant 0 : i32
    %c0_i32_0 = arith.constant 0 : i32
    %c0_i32_1 = arith.constant 0 : i32
    return %c0_i32, %c0_i32_0 : i32, i32
  }
  func.func @transform_4(%arg0: i32) -> (i32, i32) {
    %c0_i32 = arith.constant 0 : i32
    %c0_i32_0 = arith.constant 0 : i32
    %c0_i32_1 = arith.constant 0 : i32
    return %c0_i32, %c0_i32_0 : i32, i32
  }
  func.func @transform_5(%arg0: i32) -> (i32, i32, i32) {
    %c0_i32 = arith.constant 0 : i32
    %c0_i32_0 = arith.constant 0 : i32
    %c0_i32_1 = arith.constant 0 : i32
    return %c0_i32, %arg0, %c0_i32_0 : i32, i32, i32
  }
}

module attributes {stable_mosaic.version = 14 : i64} {
  func.func @_fin_body(%arg0: i32, %arg1: memref<4x1000x128xf32, #tpu.memory_space<vmem>>, %arg2: memref<1000x1xf32, #tpu.memory_space<vmem>>, %arg3: memref<1x512xf32, #tpu.memory_space<vmem>>, %arg4: memref<1x512xf32, #tpu.memory_space<vmem>>, %arg5: memref<1000x512xf32, #tpu.memory_space<vmem>>) attributes {dimension_semantics = [#tpu.dimension_semantics<arbitrary>], iteration_bounds = array<i64: 10>, scalar_prefetch = 0 : i64, scratch_operands = 0 : i64, tpu.core_type = #tpu.core_type<tc>, window_params = [{transform_indices = @transform_0, window_bounds = array<i64: 4, 1000, 128>}, {transform_indices = @transform_1, window_bounds = array<i64: 1000, 1>}, {pipeline_mode = #tpu.pipeline_mode<synchronous>, transform_indices = @transform_2, window_bounds = array<i64: 1, 512>}, {pipeline_mode = #tpu.pipeline_mode<synchronous>, transform_indices = @transform_3, window_bounds = array<i64: 1, 512>}, {transform_indices = @transform_4, window_bounds = array<i64: 1000, 512>}]} {
    %get3A = arith.constant 0 : index
    %get3A_0 = arith.constant 0 : index
    %get3A_1 = arith.constant 0 : index
    %get3A_2 = vector.load %arg1[%get3A, %get3A_0, %get3A_1] : memref<4x1000x128xf32, #tpu.memory_space<vmem>>, vector<1x1000x128xf32>
    %get3A_3 = vector.shape_cast %get3A_2 : vector<1x1000x128xf32> to vector<1000x128xf32>
    %get3A_4 = arith.constant 1 : index
    %get3A_5 = arith.constant 0 : index
    %get3A_6 = arith.constant 0 : index
    %get3A_7 = vector.load %arg1[%get3A_4, %get3A_5, %get3A_6] : memref<4x1000x128xf32, #tpu.memory_space<vmem>>, vector<1x1000x128xf32>
    %get3A_8 = vector.shape_cast %get3A_7 : vector<1x1000x128xf32> to vector<1000x128xf32>
    %get3A_9 = arith.constant 2 : index
    %get3A_10 = arith.constant 0 : index
    %get3A_11 = arith.constant 0 : index
    %get3A_12 = vector.load %arg1[%get3A_9, %get3A_10, %get3A_11] : memref<4x1000x128xf32, #tpu.memory_space<vmem>>, vector<1x1000x128xf32>
    %get3A_13 = vector.shape_cast %get3A_12 : vector<1x1000x128xf32> to vector<1000x128xf32>
    %get3A_14 = arith.constant 3 : index
    %get3A_15 = arith.constant 0 : index
    %get3A_16 = arith.constant 0 : index
    %get3A_17 = vector.load %arg1[%get3A_14, %get3A_15, %get3A_16] : memref<4x1000x128xf32, #tpu.memory_space<vmem>>, vector<1x1000x128xf32>
    %get3A_18 = vector.shape_cast %get3A_17 : vector<1x1000x128xf32> to vector<1000x128xf32>
    %concatenate3A = tpu.concatenate %get3A_3, %get3A_8, %get3A_13, %get3A_18 in 1 : vector<1000x128xf32>, vector<1000x128xf32>, vector<1000x128xf32>, vector<1000x128xf32> -> vector<1000x512xf32>
    %get3A_19 = arith.constant 0 : index
    %get3A_20 = arith.constant 0 : index
    %get3A_21 = vector.load %arg2[%get3A_19, %get3A_20] : memref<1000x1xf32, #tpu.memory_space<vmem>>, vector<1000x1xf32>
    %mul3A = vector.broadcast %get3A_21 : vector<1000x1xf32> to vector<1000x512xf32>
    %mul3A_22 = arith.mulf %mul3A, %concatenate3A : vector<1000x512xf32>
    %get3A_23 = arith.constant 0 : index
    %get3A_24 = arith.constant 0 : index
    %get3A_25 = vector.load %arg3[%get3A_23, %get3A_24] : memref<1x512xf32, #tpu.memory_space<vmem>>, vector<1x512xf32>
    %add3A = vector.broadcast %get3A_25 : vector<1x512xf32> to vector<1000x512xf32>
    %add3A_26 = arith.addf %mul3A_22, %add3A : vector<1000x512xf32>
    %gt3A = arith.constant 0.000000e+00 : f32
    %gt3A_27 = vector.broadcast %gt3A : f32 to vector<1000x512xf32>
    %gt3A_28 = arith.cmpf ogt, %add3A_26, %gt3A_27 : vector<1000x512xf32>
    %get3A_29 = arith.constant 0 : index
    %get3A_30 = arith.constant 0 : index
    %get3A_31 = vector.load %arg4[%get3A_29, %get3A_30] : memref<1x512xf32, #tpu.memory_space<vmem>>, vector<1x512xf32>
    %mul3A_32 = vector.broadcast %get3A_31 : vector<1x512xf32> to vector<1000x512xf32>
    %mul3A_33 = arith.mulf %mul3A_32, %add3A_26 : vector<1000x512xf32>
    %select_n3A = arith.select %gt3A_28, %add3A_26, %mul3A_33 : vector<1000x512xi1>, vector<1000x512xf32>
    %swap3A = arith.constant 0 : index
    %swap3A_34 = arith.constant 0 : index
    %swap3A_35 = vector.load %arg5[%swap3A, %swap3A_34] : memref<1000x512xf32, #tpu.memory_space<vmem>>, vector<1000x512xf32>
    tpu.vector_store %arg5[%swap3A, %swap3A_34], %select_n3A {strides = array<i32>} : memref<1000x512xf32, #tpu.memory_space<vmem>>, vector<1000x512xf32>,
    return
  }
  func.func @transform_0(%arg0: i32) -> (i32, i32, i32) {
    %c0_i32 = arith.constant 0 : i32
    %c0_i32_0 = arith.constant 0 : i32
    %c0_i32_1 = arith.constant 0 : i32
    return %c0_i32, %arg0, %c0_i32_0 : i32, i32, i32
  }
  func.func @transform_1(%arg0: i32) -> (i32, i32) {
    %c0_i32 = arith.constant 0 : i32
    %c0_i32_0 = arith.constant 0 : i32
    return %arg0, %c0_i32 : i32, i32
  }
  func.func @transform_2(%arg0: i32) -> (i32, i32) {
    %c0_i32 = arith.constant 0 : i32
    %c0_i32_0 = arith.constant 0 : i32
    %c0_i32_1 = arith.constant 0 : i32
    return %c0_i32, %c0_i32_0 : i32, i32
  }
  func.func @transform_3(%arg0: i32) -> (i32, i32) {
    %c0_i32 = arith.constant 0 : i32
    %c0_i32_0 = arith.constant 0 : i32
    %c0_i32_1 = arith.constant 0 : i32
    return %c0_i32, %c0_i32_0 : i32, i32
  }
  func.func @transform_4(%arg0: i32) -> (i32, i32) {
    %c0_i32 = arith.constant 0 : i32
    %c0_i32_0 = arith.constant 0 : i32
    return %arg0, %c0_i32 : i32, i32
  }
}

</mosaic_0001>

<sc_bundles>
// kernel: kernel.12.cloned.1.call-start
scs
__scs_entry_jumppad:
0x0: {  	(pc) =	sbr.rel $0x88, $3  }
0x1: {  	(tag) =	ssettag $0x0;
	lr =	simm.s32 $0x1  }
0x2: {  	[smem:$0x3F99] =	sst lr;
	_ =	strace $0xD0000000  }
0x3: {  	_ = 	snop  }
0x4: {  	_ = 	snop  }
0x5: {  	_ = 	snop  }
0x6: {  	_ = 	snop  }
0x7: {  	_ = 	snop  }
__scs_overlays_trampoline_lowered:
0x8: {  	[smem:$0x3FA8] =	sst s0  }
0x9: {  	[smem:$0x3FA9] =	sst s1  }
0xa: {  	[smem:$0x3FAA] =	sst s2  }
0xb: {  	[smem:$0x3FAB] =	sst s3  }
0xc: {  	[smem:$0x3FAC] =	sst s4  }
0xd: {  	[smem:$0x3FAD] =	sst s5  }
0xe: {  	[smem:$0x3FAE] =	sst s6  }
0xf: {  	[smem:$0x3FAF] =	sst s7  }
0x10: {  	[smem:$0x3FB0] =	sst s8  }
0x11: {  	[smem:$0x3FB1] =	sst s9;
	s0 =	simm.s32 @!p0 $0x0  }
0x12: {  	s1 =	sld [smem:$0x3F97];
	s0 =	simm.s32 @p0 $0x1  }
0x13: {  	[smem:$0x3FB2] =	sst s0;
	s0 =	simm.s32 @!p1 $0x0  }
0x14: {  	s2 =	sld [smem:$0x3F96];
	s0 =	simm.s32 @p1 $0x1  }
0x15: {  	[smem:$0x3FB3] =	sst s0;
	s0 =	simm.s32 @!p2 $0x0  }
0x16: {  	s3 =	sld [smem:$0x3FDB];
	s0 =	simm.s32 @p2 $0x1  }
0x17: {  	s4 =	simm.s32 $0x1BF5;
	[smem:$0x3FB5] =	sst s0  }
0x18: {  	s0 =	sld [smem:$0x3F98];
	_ =	swait.ge [sflag:s4], $0x0  }
0x19: {  	s7 =	sld [smem:$0x3F99]  }
0x1a: {  	s8 =	sadd.s32 $0xFFFFE003, lr  }
0x1b: {  	s9 =	sadd.s32 $0xFFFFFEF7, lr;
	s5 =	simm.s32 $0xFFFFFFFF;
	p2 =	slt.u32 s8, $0xFFFFF086  }
0x1c: {  	p1 =	slt.u32 s9, $0xF7A;
	s5 =	simm.s32 @!p2 $0x0  }
0x1d: {  	s5 =	simm.s32 @p1 $0x1;
	p0 =	seq.s32 s7, s2  }
0x1e: {  	s7 =	smul.u32 @!p0 $0xF7A, s2;
	p2 =	seq.s32 @!p0 s5, $0x0  }
0x1f: {  	s9 =	smul.u32 $0xF7A, s1;
	s8 =	simm.s32 @!p0 $0x1BF5;
	p2 =	por !p2, p0  }
0x20: {  	[sflag:s8] =	ssyncset.s32 @!p0 $0xFFFFF086;
	s6 =	sadd.s32 @!p0 s3, s7;
	s7 =	simm.s32 @!p0 $0x108  }
0x21: {  	s3 =	sadd.s32 s3, s9;
	s6 =	sadd.s32 @!p0 $0x88, s6;
	s7 =	simm.s32 @p2 $0x1082  }
0x22: {  	[simem:s7], [sflag:s8] =	dma.local @!p0 [hbm:s6], $0xF7A  }
0x23: {  	s9 =	sor.u32 $0xD0000000, s2;
	s6 =	simm.s32 $0x108;
	_ =	swait.ge @!p0 [sflag:s8], $0x0  }
0x24: {  	s3 =	sadd.s32 $0x88, s3;
	s6 =	simm.s32 @!p1 $0x1082;
	[sflag:s4] =	ssyncset.s32 $0xFFFFF086  }
0x25: {  	[simem:s6], [sflag:s4] =	dma.local [hbm:s3], $0xF7A  }
0x26: {  	[smem:$0x3F99] =	sst s1;
	(tag) =	ssettag s2;
	_ =	strace s9  }
0x27: {  	s1 =	sld [smem:$0x3FA9]  }
0x28: {  	s2 =	sld [smem:$0x3FAA]  }
0x29: {  	s4 =	sld [smem:$0x3FAC]  }
0x2a: {  	p0 =	seq.s32 s5, $0x0;
	s5 =	sld [smem:$0x3FAD]  }
0x2b: {  	s6 =	sld [smem:$0x3FAE]  }
0x2c: {  	s7 =	sld [smem:$0x3FAF]  }
0x2d: {  	s3 =	simm.s32 $0x108;
	s8 =	sld [smem:$0x3FB0]  }
0x2e: {  	s3 =	simm.s32 @!p0 $0x1082;
	s9 =	sld [smem:$0x3FB1]  }
0x2f: {  	lr =	sadd.s32 s0, s3;
	s0 =	sld [smem:$0x3FA8]  }
0x30: {  	s3 =	sld [smem:$0x3FAB]  }
0x31: {  	[smem:$0x3FB4] =	sst s10  }
0x32: {  	s10 =	sld [smem:$0x3FB2];
	_ =	sdelay $0x3  }
0x33: {  	p0 =	seq.s32 s10, $0x1;
	s10 =	sld [smem:$0x3FB4];
	_ =	sdelay $0x3  }
0x34: {  	[smem:$0x3FB4] =	sst s10  }
0x35: {  	s10 =	sld [smem:$0x3FB3];
	_ =	sdelay $0x3  }
0x36: {  	p1 =	seq.s32 s10, $0x1;
	s10 =	sld [smem:$0x3FB4];
	_ =	sdelay $0x3  }
0x37: {  	[smem:$0x3FB4] =	sst s10  }
0x38: {  	s10 =	sld [smem:$0x3FB5]  }
0x39: {  	_ = 	snop;
	(pc) =	sbr.ind lr, $3  }
0x3a: {  	_ = 	snop  }
0x3b: {  	_ = 	snop  }
0x3c: {  	p2 =	seq.s32 s10, $0x1;
	s10 =	sld [smem:$0x3FB4]  }
0x3d: {  	_ =	shalt  }
0x3e: {  	_ =	shalt  }
0x3f: {  	_ =	shalt  }
0x40: {  	_ =	shalt  }
0x41: {  	_ =	shalt  }
0x42: {  	_ =	shalt  }
0x43: {  	_ =	shalt  }
0x44: {  	_ =	shalt  }
0x45: {  	_ =	shalt  }
0x46: {  	_ =	shalt  }
0x47: {  	_ =	shalt  }
0x48: {  	_ =	shalt  }
0x49: {  	_ =	shalt  }
0x4a: {  	_ =	shalt  }
0x4b: {  	_ =	shalt  }
0x4c: {  	_ =	shalt  }
0x4d: {  	_ =	shalt  }
0x4e: {  	_ =	shalt  }
0x4f: {  	_ =	shalt  }
0x50: {  	_ =	shalt  }
0x51: {  	_ =	shalt  }
0x52: {  	_ =	shalt  }
0x53: {  	_ =	shalt  }
0x54: {  	_ =	shalt  }
0x55: {  	_ =	shalt  }
0x56: {  	_ =	shalt  }
0x57: {  	_ =	shalt  }
0x58: {  	_ =	shalt  }
0x59: {  	_ =	shalt  }
0x5a: {  	_ =	shalt  }
0x5b: {  	_ =	shalt  }
0x5c: {  	_ =	shalt  }
0x5d: {  	_ =	shalt  }
0x5e: {  	_ =	shalt  }
0x5f: {  	_ =	shalt  }
0x60: {  	_ =	shalt  }
0x61: {  	_ =	shalt  }
0x62: {  	_ =	shalt  }
0x63: {  	_ =	shalt  }
0x64: {  	_ =	shalt  }
0x65: {  	_ =	shalt  }
0x66: {  	_ =	shalt  }
0x67: {  	_ =	shalt  }
0x68: {  	_ =	shalt  }
0x69: {  	_ =	shalt  }
0x6a: {  	_ =	shalt  }
0x6b: {  	_ =	shalt  }
0x6c: {  	_ =	shalt  }
0x6d: {  	_ =	shalt  }
0x6e: {  	_ =	shalt  }
0x6f: {  	_ =	shalt  }
0x70: {  	_ =	shalt  }
0x71: {  	_ =	shalt  }
0x72: {  	_ =	shalt  }
0x73: {  	_ =	shalt  }
0x74: {  	_ =	shalt  }
0x75: {  	_ =	shalt  }
0x76: {  	_ =	shalt  }
0x77: {  	_ =	shalt  }
0x78: {  	_ =	shalt  }
0x79: {  	_ =	shalt  }
0x7a: {  	_ =	shalt  }
0x7b: {  	_ =	shalt  }
0x7c: {  	_ =	shalt  }
0x7d: {  	_ =	shalt  }
0x7e: {  	_ =	shalt  }
0x7f: {  	_ =	shalt  }
0x80: {  	_ =	shalt  }
0x81: {  	_ =	shalt  }
0x82: {  	_ =	shalt  }
0x83: {  	_ =	shalt  }
0x84: {  	_ =	shalt  }
0x85: {  	_ =	shalt  }
0x86: {  	_ =	shalt  }
0x87: {  	_ =	shalt  }
.Lfunc_end0:
.L_simem_size_0:
called_computation.1_lowered:
.L_overlay_start_0:
0x88: {  	s2 =	sld [smem:$0x3FD9]  }
0x89: {  	s3 =	sld [smem:$0x3FFE];
	_ =	sdelay $0x1  }
0x8a: {  	s1 =	srdreg.scid  }
0x8b: {  	s0 =	sand.u32 $0x1, s1  }
0x8c: {  	s17 =	sshll.u32 s0, $0xA;
	s2 =	sadd.s32 s3, s2  }
0x8d: {  	s2 =	sadd.s32 s2, s17  }
0x8e: {  	[smem:$0x3FC0] =	sst s2  }
0x8f: {  	_ = 	snop  }
0x90: {  	s2 =	sld [smem:$0x3FD0];
	(tm) =	ssettm $0x1  }
0x91: {  	s18 =	sld [smem:$0x3FFB];
	_ =	sdelay $0x3  }
0x92: {  	_ =	strace s18  }
0x93: {  	s3 =	sld [smem:$0x3FFC];
	_ =	sdelay $0x3  }
0x94: {  	_ =	strace s3  }
0x95: {  	s3 =	sld [smem:$0x3FFD];
	_ =	sdelay $0x3  }
0x96: {  	_ =	strace s3  }
0x97: {  	_ =	strace $0x8FFFFFFF  }
0x98: {  	s19 =	sld [smem:$0x3FDB];
	_ =	sdelay $0x1  }
0x99: {  	s4 =	simm.s32 $_scs_section_size  }
0x9a: {  	s5 =	simm.s32 $_size__tile_overlayer_lowered;
	s6 =	simm.s32 $_tile_overlayer_lowered  }
0x9b: {  	s22 =	simm.s32 $0x1BFF;
	s21 =	sshll.u32 s6, $0x1;
	s3 =	sadd.s32 s4, s19  }
0x9c: {  	s7 =	simm.s32 $0x0;
	s20 =	sshll.u32 s5, $0x1;
	s5 =	sadd.s32 s21, s3  }
0x9d: {  	[timem:s7], [sflag:s22] =	dma.local [hbm:s5], s20  }
0x9e: {  	_ =	swait.ge [sflag:s22], s20  }
0x9f: {  	s4 =	ssub.s32 $0x0, s20;
	[sflag:s22] =	ssyncset.done $0x0  }
0xa0: {  	[sflag:s22] =	ssyncadd.s32 s4;
	_ =	sdelay $0x1  }
0xa1: {  	s23 =	simm.s32 $0x1B8B  }
0xa2: {  	_ =	swait.ge [sflag:s23], $0x1  }
0xa3: {  	[sflag:s23] =	ssyncset.done $0x0  }
0xa4: {  	s25 =	simm.s32 $0x1B8E;
	s24 =	sld [smem:$0x3FFE];
	[sflag:s23] =	ssyncadd.s32 $0xFFFFFFFF  }
0xa5: {  	s26 =	simm.s32 $execute0_lowered;
	[smem:$0x3FD2] =	sst s25  }
0xa6: {  	s5 =	sshll.u32 s26, $0x1;
	_ =	strace $0x80000049;
	[dreg:$0x1] =	wrdreg $0xFFFFFFFF  }
0xa7: {  	s28 =	simm.s32 $_size_execute0_lowered;
	s3 =	sadd.s32 s3, s5;
	[dreg:$0x0] =	wrdreg $0x0  }
0xa8: {  	s5 =	sshll.u32 s28, $0x1;
	[dreg:$0x2] =	wrdreg s3  }
0xa9: {  	[dreg:$0x3] =	wrdreg s5  }
0xaa: {  	[dreg:$0x4] =	wrdreg $0xC0  }
0xab: {  	_ =	task [dreg:s7], $0x5FFFF  }
0xac: {  	[dreg:$0x1] =	wrdreg $0xFFFFFFFF  }
0xad: {  	[dreg:$0x0] =	wrdreg $0x60  }
0xae: {  	[dreg:$0x2] =	wrdreg s2  }
0xaf: {  	[dreg:$0x3] =	wrdreg s24  }
0xb0: {  	[dreg:$0x4] =	wrdreg $0xBA000  }
0xb1: {  	[dreg:$0x5] =	wrdreg $0x9  }
0xb2: {  	_ =	task.clear_ibuf [dreg:s7], $0x6FFFF;
	_ =	strace $0x90000049  }
0xb3: {  	s29 =	simm.s32 $0x9;
	_ =	strace $0x8000004B  }
0xb4: {  	_ =	swait.ge [sflag:s29], $0x1  }
0xb5: {  	[sflag:s29] =	ssyncadd.s32 $0xFFFFFFFF  }
0xb6: {  	_ =	strace $0x9000004B  }
0xb7: {  	_ =	sfence  }
0xb8: {  	s30 =	sld [smem:$0x0];
	_ =	sdelay $0x2  }
0xb9: {  	s31 =	sshll.u32 s1, $0xD;
	s1 =	sshrl.u32 s1, $0x2  }
0xba: {  	s3 =	sand.u32 $0x4000, s31;
	s1 =	sadd.s32 s1, s30  }
0xbb: {  	s0 =	sor.u32 s3, s0;
	s1 =	sshll.u32 s1, $0x11  }
0xbc: {  	s0 =	sor.u32 s1, s0  }
0xbd: {  	s0 =	sadd.s32 $0x8F2B, s0  }
0xbe: {  	[sflag:s0] =	ssyncadd.remote.s32 $0x1  }
0xbf: {  	_ =	sfence.sel $0xFFFF  }
0xc0: {  	[dreg:$0x0] =	wrdreg $0xFFFFFFFF;
	(pc) =	sbr.abs _section_cstart, $3  }
0xc1: {  	[dreg:$0x1] =	wrdreg $0xFFFFFFFF  }
0xc2: {  	_ =	task.clear_ibuf [dreg:s7], $0x2FFFF;
	_ =	strace $0x9FFFFFFF  }
0xc3: {  	(tm) =	ssettm $0x7FFFFFFF  }
tec
execute0_lowered:
.L_overlay_start_1:
0x0: {  	(tag) =	ssettag $0x1  }
0x1: {  	s0 =	rddreg [dreg:$0x0]  }
0x2: {  	s2 =	rddreg [dreg:$0x1];
	s16 =	stileid.u32  }
0x3: {  	s1 =	rddreg [dreg:$0x2];
	s4 =	simm.s32 $0x0;
	s3 =	smul.u32 $0x540, s16  }
0x4: {  	s5 =	srdreg.scid;
	s28 =	simm.s32 $0x1;
	s17 =	smul.u32 $0x3000, s16  }
0x5: {  	s29 =	simm.s32 $0x3;
	s30 =	simm.s32 $0x2;
	s6 =	smul.u32 $0x4F000, s16  }
0x6: {  	s31 =	simm.s32 $0x4;
	[smem:$0x7FF] =	sst s4;
	s13 =	smul.u32 $0x13800, s16  }
0x7: {  	s18 =	sand.u32 $0x1, s5;
	s15 =	smul.u32 $0x4E000, s16;
	s23 =	sadd.s32 $0x138000, s1  }
0x8: {  	p0 =	sne.s32 s16, $0x0;
	_ =	strace $0x8000004A;
	s5 =	ssub.s32 $0x2, s18  }
0x9: {  	s12 =	smul.u32 $0x271000, s18;
	[dreg:$0x8] =	wrdreg s23;
	s23 =	simm.s32 $0x3A00  }
0xa: {  	s3 =	sadd.s32 s3, s2;
	s4 =	sshrl.u32 s17, $0x3;
	s6 =	sshrl.u32 s6, $0x2  }
0xb: {  	s7 =	sshrl.u32 s5, $0x1;
	s20 =	sshrl.u32 s15, $0x2;
	s17 =	simm.s32 $0x2980  }
0xc: {  	s11 =	sadd.s32 s4, s2;
	s2 =	sadd.s32 $0x16E00, s2;
	s4 =	sadd.s32 s6, s1  }
0xd: {  	s5 =	ssub.s32 s5, s7;
	s3 =	sadd.s32 $0x11A00, s3;
	s19 =	sadd.s32 s13, s12  }
0xe: {  	s14 =	sshrl.u32 s12, $0x3;
	s12 =	sadd.s32 $0x138800, s12;
	[dreg:$0x4] =	wrdreg s3  }
0xf: {  	s6 =	sadd.s32 $0x4000, s4;
	s7 =	sadd.s32 $0x8000, s4;
	s8 =	sadd.s32 $0xC000, s4  }
0x10: {  	s3 =	sshrl.u32 s19, $0x3;
	s9 =	sadd.s32 $0x10000, s4;
	s10 =	sadd.s32 s0, s14  }
0x11: {  	s14 =	sadd.s32 s2, s14;
	s22 =	sadd.s32 s13, s12;
	s12 =	sshrl.u32 s12, $0x3  }
0x12: {  	s26 =	smax.u32 s5, $0x1;
	s19 =	sadd.s32 $0xBA00, s11;
	s5 =	simm.s32 $0x0  }
0x13: {  	s3 =	sadd.s32 s2, s3;
	s21 =	sadd.s32 $0x27000, s14;
	[dreg:$0xb] =	wrdreg s26  }
0x14: {  	s15 =	sadd.s32 s0, s12;
	s25 =	sadd.s32 $0x4E100, s14;
	[dreg:$0x5] =	wrdreg s3  }
0x15: {  	s26 =	simm.s32 $0x7A00;
	s3 =	sadd.s32 s20, s1;
	[dreg:$0x7] =	wrdreg s21  }
0x16: {  	[dreg:$0xa] =	wrdreg s25;
	s20 =	sadd.s32 $0xBC00, s11;
	s21 =	sadd.s32 $0xBE00, s11  }
0x17: {  	s25 =	simm.s32 $0x2A00;
	[dreg:$0x6] =	wrdreg s3;
	s3 =	sshrl.u32 s22, $0x3  }
0x18: {  	s22 =	simm.s32 $0x5;
	s24 =	sadd.s32 s2, s3;
	s3 =	simm.s32 $0x3700  }
0x19: {  	v0 =	vimm.f32 $0.0e+00;
	s2 =	simm.s32 $0x3780;
	[dreg:$0x9] =	wrdreg s24;
	s24 =	simm.s32 $0x80  }
.LBB2_1:
0x1a: {  	s0 =	simm.s32 $0x0;
	s11 =	rddreg [dreg:$0x4]  }
0x1b: {  	[tilespmem:s0], [sflag:$0x5] =	stream.linear.gather [hbm4b:s11+s0], $0x2A00, $0x38;
	[tilespmem:$0x1F600] =	vst v63  }
0x1c: {  	_ =	swait.ge [sflag:s22], $0x2A00  }
0x1d: {  	[sflag:s22] =	ssyncset.done $0x0  }
0x1e: {  	s12 =	simm.s32 $0x200;
	s11 =	simm.s32 $0x0;
	[sflag:s22] =	ssyncadd.s32 $0xFFFFD600  }
.LBB2_2:
0x1f: {  	p1 =	sne.s32 s12, $0xFE00;
	[tilespmem:s11+$0x3A70] =	vst v0  }
0x20: {  	[tilespmem:s11+$0x3A00] =	vst v0  }
0x21: {  	[tilespmem:s11+$0x3A10] =	vst v0  }
.Ltmp0:
0x22: {  	[tilespmem:s11+$0x3A20] =	vst v0;
	(pc) =	sbr.rel @p1 .LBB2_2-.Ltmp0, $4  }
0x23: {  	[tilespmem:s11+$0x3A30] =	vst v0  }
0x24: {  	[tilespmem:s11+$0x3A40] =	vst v0  }
0x25: {  	[tilespmem:s11+$0x3A50] =	vst v0  }
0x26: {  	[tilespmem:s11+$0x3A60] =	vst v0;
	s11 =	sshra.s32 s12, $0x2;
	s12 =	sadd.s32 $0x200, s12  }
0x27: {  	[tilespmem:s11+$0x3A70] =	vst v0  }
0x28: {  	[tilespmem:s11+$0x3A00] =	vst v0  }
0x29: {  	[tilespmem:s11+$0x3A10] =	vst v0  }
0x2a: {  	[tilespmem:s11+$0x3A20] =	vst v0  }
0x2b: {  	[tilespmem:s11+$0x3A30] =	vst v0  }
0x2c: {  	[tilespmem:s11+$0x3A40] =	vst v0  }
0x2d: {  	[tilespmem:s11+$0x3A50] =	vst v0  }
0x2e: {  	[tilespmem:s11+$0x3A60] =	vst v0  }
0x2f: {  	[spmem:s4] =	stream.linear.scatter [tilespmem:s23], [sflag:$0x5], $0x4000, $0x38;
	[tilespmem:$0x1F600] =	vst v63  }
0x30: {  	_ =	swait.ge [sflag:s22], $0x4000  }
0x31: {  	[sflag:s22] =	ssyncset.done $0x0  }
0x32: {  	[sflag:s22] =	ssyncadd.s32 $0xFFFFC000  }
0x33: {  	[spmem:s6] =	stream.linear.scatter [tilespmem:s23], [sflag:$0x5], $0x4000, $0x38;
	[tilespmem:$0x1F600] =	vst v63  }
0x34: {  	_ =	swait.ge [sflag:s22], $0x4000  }
0x35: {  	[sflag:s22] =	ssyncset.done $0x0  }
0x36: {  	[sflag:s22] =	ssyncadd.s32 $0xFFFFC000  }
0x37: {  	[spmem:s7] =	stream.linear.scatter [tilespmem:s23], [sflag:$0x5], $0x4000, $0x38;
	[tilespmem:$0x1F600] =	vst v63  }
0x38: {  	_ =	swait.ge [sflag:s22], $0x4000  }
0x39: {  	[sflag:s22] =	ssyncset.done $0x0  }
0x3a: {  	[sflag:s22] =	ssyncadd.s32 $0xFFFFC000  }
0x3b: {  	[spmem:s8] =	stream.linear.scatter [tilespmem:s23], [sflag:$0x5], $0x4000, $0x38;
	[tilespmem:$0x1F600] =	vst v63  }
0x3c: {  	_ =	swait.ge [sflag:s22], $0x4000  }
0x3d: {  	[sflag:s22] =	ssyncset.done $0x0  }
0x3e: {  	[sflag:s22] =	ssyncadd.s32 $0xFFFFC000  }
0x3f: {  	[spmem:s9] =	stream.linear.scatter [tilespmem:s23], [sflag:$0x5], $0x3C00, $0x38;
	[tilespmem:$0x1F600] =	vst v63  }
0x40: {  	_ =	swait.ge [sflag:s22], $0x3C00  }
0x41: {  	[sflag:s22] =	ssyncset.done $0x0  }
0x42: {  	[sflag:s22] =	ssyncadd.s32 $0xFFFFC400  }
0x43: {  	s12 =	simm.s32 $0x0;
	[bflag:$0x0] =	sbarrier.arrive $0xFFFF  }
0x44: {  	[tilespmem:s23], [sflag:$0x1] =	stream.indirect.gather [hbm4b:s10+s24], $0x80, s12, s24, $0xb8;
	[tilespmem:$0x1F600] =	vst v63  }
0x45: {  	_ = 	snop  }
0x46: {  	[tilespmem:s25], [sflag:$0x5] =	stream.linear.gather [hbm4b:s19+s12], $0xE00, $0x38;
	[tilespmem:$0x1F600] =	vst v63  }
0x47: {  	_ =	swait.ge [sflag:s22], $0xE00  }
0x48: {  	[sflag:s22] =	ssyncset.done $0x0  }
0x49: {  	s13 =	simm.s32 $0x80;
	[sflag:s22] =	ssyncadd.s32 $0xFFFFF200  }
0x4a: {  	[tilespmem:s26], [sflag:$0x2] =	stream.indirect.gather [hbm4b:s10+s24], $0x80, s13, s24, $0xb8;
	[tilespmem:$0x1F600] =	vst v63  }
0x4b: {  	_ =	swait.ge [sflag:s28], $0x4000  }
0x4c: {  	[sflag:s28] =	ssyncset.done $0x0  }
0x4d: {  	s14 =	simm.s32 $0x2A00;
	[sflag:s28] =	ssyncadd.s32 $0xFFFFC000  }
0x4e: {  	[spmem:s1] =	stream.indirect.scatter.add.f32 [tilespmem:s23], [sflag:$0x3], $0x80, s14, s24, $0xb8;
	[tilespmem:$0x1F600] =	vst v63  }
0x4f: {  	_ =	swait.ge [sflag:s29], $0x4000  }
0x50: {  	[sflag:s29] =	ssyncset.done $0x0  }
0x51: {  	s16 =	simm.s32 $0x100;
	[sflag:s29] =	ssyncadd.s32 $0xFFFFC000  }
0x52: {  	[tilespmem:s23], [sflag:$0x1] =	stream.indirect.gather [hbm4b:s10+s24], $0x80, s16, s24, $0xb8;
	[tilespmem:$0x1F600] =	vst v63  }
0x53: {  	_ =	swait.ge [sflag:s30], $0x4000  }
0x54: {  	[sflag:s30] =	ssyncset.done $0x0  }
0x55: {  	s18 =	simm.s32 $0x2A80;
	[sflag:s30] =	ssyncadd.s32 $0xFFFFC000  }
0x56: {  	[spmem:s1] =	stream.indirect.scatter.add.f32 [tilespmem:s26], [sflag:$0x4], $0x80, s18, s24, $0xb8;
	[tilespmem:$0x1F600] =	vst v63  }
0x57: {  	_ =	swait.ge [sflag:s31], $0x4000  }
0x58: {  	s11 =	simm.s32 $0x100;
	s12 =	simm.s32 $0x800;
	[sflag:s31] =	ssyncset.done $0x0  }
.LBB2_4:
0x59: {  	s13 =	sadd.s32 $0x80, s11  }
0x5a: {  	[sflag:s31] =	ssyncadd.s32 $0xFFFFC000;
	s14 =	smov.u32 s12;
	s16 =	sadd.s32 $0x400, s12  }
0x5b: {  	[tilespmem:s26], [sflag:$0x2] =	stream.indirect.gather [hbm4b:s10+s24], $0x80, s13, s24, $0xb8;
	[tilespmem:$0x1F600] =	vst v63  }
0x5c: {  	p1 =	sne.s32 s12, $0x3400;
	_ =	swait.ge [sflag:s28], $0x4000  }
0x5d: {  	[sflag:s28] =	ssyncset.done $0x0  }
0x5e: {  	s12 =	sadd.s32 $0x2A00, s11;
	[sflag:s28] =	ssyncadd.s32 $0xFFFFC000  }
0x5f: {  	[spmem:s1] =	stream.indirect.scatter.add.f32 [tilespmem:s23], [sflag:$0x3], $0x80, s12, s24, $0xb8;
	[tilespmem:$0x1F600] =	vst v63  }
0x60: {  	_ =	swait.ge [sflag:s29], $0x4000  }
0x61: {  	[sflag:s29] =	ssyncset.done $0x0  }
0x62: {  	s12 =	sadd.s32 $0x100, s11;
	[sflag:s29] =	ssyncadd.s32 $0xFFFFC000  }
0x63: {  	[tilespmem:s23], [sflag:$0x1] =	stream.indirect.gather [hbm4b:s10+s24], $0x80, s12, s24, $0xb8;
	[tilespmem:$0x1F600] =	vst v63  }
0x64: {  	_ =	swait.ge [sflag:s30], $0x4000  }
.Ltmp1:
0x65: {  	[sflag:s30] =	ssyncset.done $0x0;
	(pc) =	sbr.rel @p1 .LBB2_4-.Ltmp1, $4  }
0x66: {  	s11 =	sadd.s32 $0x2A80, s11;
	[sflag:s30] =	ssyncadd.s32 $0xFFFFC000  }
0x67: {  	[spmem:s1] =	stream.indirect.scatter.add.f32 [tilespmem:s26], [sflag:$0x4], $0x80, s11, s24, $0xb8;
	[tilespmem:$0x1F600] =	vst v63  }
0x68: {  	_ =	swait.ge [sflag:s31], $0x4000  }
0x69: {  	s12 =	smov.u32 s16;
	s11 =	sshra.s32 s14, $0x2;
	[sflag:s31] =	ssyncset.done $0x0  }
0x6a: {  	s12 =	sadd.s32 $0x80, s11;
	[sflag:s31] =	ssyncadd.s32 $0xFFFFC000  }
0x6b: {  	[tilespmem:s26], [sflag:$0x2] =	stream.indirect.gather [hbm4b:s10+s24], $0x80, s12, s24, $0xb8;
	[tilespmem:$0x1F600] =	vst v63  }
0x6c: {  	_ =	swait.ge [sflag:s28], $0x4000  }
0x6d: {  	[sflag:s28] =	ssyncset.done $0x0  }
0x6e: {  	s16 =	sadd.s32 $0x2A00, s11;
	[sflag:s28] =	ssyncadd.s32 $0xFFFFC000  }
0x6f: {  	[spmem:s1] =	stream.indirect.scatter.add.f32 [tilespmem:s23], [sflag:$0x3], $0x80, s16, s24, $0xb8;
	[tilespmem:$0x1F600] =	vst v63  }
0x70: {  	_ =	swait.ge [sflag:s29], $0x4000  }
0x71: {  	[sflag:s29] =	ssyncset.done $0x0  }
0x72: {  	s18 =	sadd.s32 $0x100, s11;
	[sflag:s29] =	ssyncadd.s32 $0xFFFFC000  }
0x73: {  	[tilespmem:s23], [sflag:$0x1] =	stream.indirect.gather [hbm4b:s10+s24], $0x80, s18, s24, $0xb8;
	[tilespmem:$0x1F600] =	vst v63  }
0x74: {  	_ =	swait.ge [sflag:s30], $0x4000  }
0x75: {  	[sflag:s30] =	ssyncset.done $0x0  }
0x76: {  	s0 =	sadd.s32 $0x2A80, s11;
	[sflag:s30] =	ssyncadd.s32 $0xFFFFC000  }
0x77: {  	[spmem:s1] =	stream.indirect.scatter.add.f32 [tilespmem:s26], [sflag:$0x4], $0x80, s0, s24, $0xb8;
	[tilespmem:$0x1F600] =	vst v63  }
0x78: {  	_ =	swait.ge [sflag:s31], $0x4000  }
0x79: {  	[sflag:s31] =	ssyncset.done $0x0  }
0x7a: {  	s12 =	simm.s32 $0x0;
	[sflag:s31] =	ssyncadd.s32 $0xFFFFC000  }
0x7b: {  	[tilespmem:s25], [sflag:$0x5] =	stream.linear.gather [hbm4b:s20+s12], $0xE00, $0x38;
	[tilespmem:$0x1F600] =	vst v63  }
0x7c: {  	_ =	swait.ge [sflag:s22], $0xE00  }
0x7d: {  	[sflag:s22] =	ssyncset.done $0x0  }
0x7e: {  	s13 =	simm.s32 $0xE80;
	[sflag:s22] =	ssyncadd.s32 $0xFFFFF200  }
0x7f: {  	[tilespmem:s26], [sflag:$0x2] =	stream.indirect.gather [hbm4b:s10+s24], $0x80, s13, s24, $0xb8;
	[tilespmem:$0x1F600] =	vst v63  }
0x80: {  	_ =	swait.ge [sflag:s28], $0x4000  }
0x81: {  	[sflag:s28] =	ssyncset.done $0x0  }
0x82: {  	s14 =	simm.s32 $0x2A00;
	[sflag:s28] =	ssyncadd.s32 $0xFFFFC000  }
0x83: {  	[spmem:s1] =	stream.indirect.scatter.add.f32 [tilespmem:s23], [sflag:$0x3], $0x80, s14, s24, $0xb8;
	[tilespmem:$0x1F600] =	vst v63  }
0x84: {  	_ =	swait.ge [sflag:s29], $0x4000  }
0x85: {  	[sflag:s29] =	ssyncset.done $0x0  }
0x86: {  	s16 =	simm.s32 $0xF00;
	[sflag:s29] =	ssyncadd.s32 $0xFFFFC000  }
0x87: {  	[tilespmem:s23], [sflag:$0x1] =	stream.indirect.gather [hbm4b:s10+s24], $0x80, s16, s24, $0xb8;
	[tilespmem:$0x1F600] =	vst v63  }
0x88: {  	_ =	swait.ge [sflag:s30], $0x4000  }
0x89: {  	[sflag:s30] =	ssyncset.done $0x0  }
0x8a: {  	s18 =	simm.s32 $0x2A80;
	[sflag:s30] =	ssyncadd.s32 $0xFFFFC000  }
0x8b: {  	[spmem:s1] =	stream.indirect.scatter.add.f32 [tilespmem:s26], [sflag:$0x4], $0x80, s18, s24, $0xb8;
	[tilespmem:$0x1F600] =	vst v63  }
0x8c: {  	_ =	swait.ge [sflag:s31], $0x4000  }
0x8d: {  	s11 =	simm.s32 $0x100;
	s12 =	simm.s32 $0x800;
	[sflag:s31] =	ssyncset.done $0x0  }
.LBB2_6:
0x8e: {  	s13 =	sadd.s32 $0xE80, s11  }
0x8f: {  	[sflag:s31] =	ssyncadd.s32 $0xFFFFC000;
	s14 =	smov.u32 s12;
	s16 =	sadd.s32 $0x400, s12  }
0x90: {  	[tilespmem:s26], [sflag:$0x2] =	stream.indirect.gather [hbm4b:s10+s24], $0x80, s13, s24, $0xb8;
	[tilespmem:$0x1F600] =	vst v63  }
0x91: {  	p1 =	sne.s32 s12, $0x3400;
	_ =	swait.ge [sflag:s28], $0x4000  }
0x92: {  	[sflag:s28] =	ssyncset.done $0x0  }
0x93: {  	s12 =	sadd.s32 $0x2A00, s11;
	[sflag:s28] =	ssyncadd.s32 $0xFFFFC000  }
0x94: {  	[spmem:s1] =	stream.indirect.scatter.add.f32 [tilespmem:s23], [sflag:$0x3], $0x80, s12, s24, $0xb8;
	[tilespmem:$0x1F600] =	vst v63  }
0x95: {  	_ =	swait.ge [sflag:s29], $0x4000  }
0x96: {  	[sflag:s29] =	ssyncset.done $0x0  }
0x97: {  	s12 =	sadd.s32 $0xF00, s11;
	[sflag:s29] =	ssyncadd.s32 $0xFFFFC000  }
0x98: {  	[tilespmem:s23], [sflag:$0x1] =	stream.indirect.gather [hbm4b:s10+s24], $0x80, s12, s24, $0xb8;
	[tilespmem:$0x1F600] =	vst v63  }
0x99: {  	_ =	swait.ge [sflag:s30], $0x4000  }
.Ltmp2:
0x9a: {  	[sflag:s30] =	ssyncset.done $0x0;
	(pc) =	sbr.rel @p1 .LBB2_6-.Ltmp2, $4  }
0x9b: {  	s11 =	sadd.s32 $0x2A80, s11;
	[sflag:s30] =	ssyncadd.s32 $0xFFFFC000  }
0x9c: {  	[spmem:s1] =	stream.indirect.scatter.add.f32 [tilespmem:s26], [sflag:$0x4], $0x80, s11, s24, $0xb8;
	[tilespmem:$0x1F600] =	vst v63  }
0x9d: {  	_ =	swait.ge [sflag:s31], $0x4000  }
0x9e: {  	s12 =	smov.u32 s16;
	s11 =	sshra.s32 s14, $0x2;
	[sflag:s31] =	ssyncset.done $0x0  }
0x9f: {  	s12 =	sadd.s32 $0xE80, s11;
	[sflag:s31] =	ssyncadd.s32 $0xFFFFC000  }
0xa0: {  	[tilespmem:s26], [sflag:$0x2] =	stream.indirect.gather [hbm4b:s10+s24], $0x80, s12, s24, $0xb8;
	[tilespmem:$0x1F600] =	vst v63  }
0xa1: {  	_ =	swait.ge [sflag:s28], $0x4000  }
0xa2: {  	[sflag:s28] =	ssyncset.done $0x0  }
0xa3: {  	s16 =	sadd.s32 $0x2A00, s11;
	[sflag:s28] =	ssyncadd.s32 $0xFFFFC000  }
0xa4: {  	[spmem:s1] =	stream.indirect.scatter.add.f32 [tilespmem:s23], [sflag:$0x3], $0x80, s16, s24, $0xb8;
	[tilespmem:$0x1F600] =	vst v63  }
0xa5: {  	_ =	swait.ge [sflag:s29], $0x4000  }
0xa6: {  	[sflag:s29] =	ssyncset.done $0x0  }
0xa7: {  	s18 =	sadd.s32 $0xF00, s11;
	[sflag:s29] =	ssyncadd.s32 $0xFFFFC000  }
0xa8: {  	[tilespmem:s23], [sflag:$0x1] =	stream.indirect.gather [hbm4b:s10+s24], $0x80, s18, s24, $0xb8;
	[tilespmem:$0x1F600] =	vst v63  }
0xa9: {  	_ =	swait.ge [sflag:s30], $0x4000  }
0xaa: {  	[sflag:s30] =	ssyncset.done $0x0  }
0xab: {  	s0 =	sadd.s32 $0x2A80, s11;
	[sflag:s30] =	ssyncadd.s32 $0xFFFFC000  }
0xac: {  	[spmem:s1] =	stream.indirect.scatter.add.f32 [tilespmem:s26], [sflag:$0x4], $0x80, s0, s24, $0xb8;
	[tilespmem:$0x1F600] =	vst v63  }
0xad: {  	_ =	swait.ge [sflag:s31], $0x4000  }
0xae: {  	[sflag:s31] =	ssyncset.done $0x0  }
0xaf: {  	s12 =	simm.s32 $0x0;
	[sflag:s31] =	ssyncadd.s32 $0xFFFFC000  }
0xb0: {  	[tilespmem:s25], [sflag:$0x5] =	stream.linear.gather [hbm4b:s21+s12], $0xE00, $0x38;
	[tilespmem:$0x1F600] =	vst v63  }
0xb1: {  	_ =	swait.ge [sflag:s22], $0xE00  }
0xb2: {  	[sflag:s22] =	ssyncset.done $0x0  }
0xb3: {  	s13 =	simm.s32 $0x1C80;
	[sflag:s22] =	ssyncadd.s32 $0xFFFFF200  }
0xb4: {  	[tilespmem:s26], [sflag:$0x2] =	stream.indirect.gather [hbm4b:s10+s24], $0x80, s13, s24, $0xb8;
	[tilespmem:$0x1F600] =	vst v63  }
0xb5: {  	_ =	swait.ge [sflag:s28], $0x4000  }
0xb6: {  	[sflag:s28] =	ssyncset.done $0x0  }
0xb7: {  	s14 =	simm.s32 $0x2A00;
	[sflag:s28] =	ssyncadd.s32 $0xFFFFC000  }
0xb8: {  	[spmem:s1] =	stream.indirect.scatter.add.f32 [tilespmem:s23], [sflag:$0x3], $0x80, s14, s24, $0xb8;
	[tilespmem:$0x1F600] =	vst v63  }
0xb9: {  	_ =	swait.ge [sflag:s29], $0x4000  }
0xba: {  	[sflag:s29] =	ssyncset.done $0x0  }
0xbb: {  	s16 =	simm.s32 $0x1D00;
	[sflag:s29] =	ssyncadd.s32 $0xFFFFC000  }
0xbc: {  	[tilespmem:s23], [sflag:$0x1] =	stream.indirect.gather [hbm4b:s10+s24], $0x80, s16, s24, $0xb8;
	[tilespmem:$0x1F600] =	vst v63  }
0xbd: {  	_ =	swait.ge [sflag:s30], $0x4000  }
0xbe: {  	[sflag:s30] =	ssyncset.done $0x0  }
0xbf: {  	s18 =	simm.s32 $0x2A80;
	[sflag:s30] =	ssyncadd.s32 $0xFFFFC000  }
0xc0: {  	[spmem:s1] =	stream.indirect.scatter.add.f32 [tilespmem:s26], [sflag:$0x4], $0x80, s18, s24, $0xb8;
	[tilespmem:$0x1F600] =	vst v63  }
0xc1: {  	_ =	swait.ge [sflag:s31], $0x4000  }
0xc2: {  	s11 =	simm.s32 $0x100;
	s12 =	simm.s32 $0x800;
	[sflag:s31] =	ssyncset.done $0x0  }
.LBB2_8:
0xc3: {  	s13 =	sadd.s32 $0x1C80, s11  }
0xc4: {  	[sflag:s31] =	ssyncadd.s32 $0xFFFFC000;
	s14 =	smov.u32 s12;
	s16 =	sadd.s32 $0x400, s12  }
0xc5: {  	[tilespmem:s26], [sflag:$0x2] =	stream.indirect.gather [hbm4b:s10+s24], $0x80, s13, s24, $0xb8;
	[tilespmem:$0x1F600] =	vst v63  }
0xc6: {  	p1 =	sne.s32 s12, $0x3000;
	_ =	swait.ge [sflag:s28], $0x4000  }
0xc7: {  	[sflag:s28] =	ssyncset.done $0x0  }
0xc8: {  	s12 =	sadd.s32 $0x2A00, s11;
	[sflag:s28] =	ssyncadd.s32 $0xFFFFC000  }
0xc9: {  	[spmem:s1] =	stream.indirect.scatter.add.f32 [tilespmem:s23], [sflag:$0x3], $0x80, s12, s24, $0xb8;
	[tilespmem:$0x1F600] =	vst v63  }
0xca: {  	_ =	swait.ge [sflag:s29], $0x4000  }
0xcb: {  	[sflag:s29] =	ssyncset.done $0x0  }
0xcc: {  	s12 =	sadd.s32 $0x1D00, s11;
	[sflag:s29] =	ssyncadd.s32 $0xFFFFC000  }
0xcd: {  	[tilespmem:s23], [sflag:$0x1] =	stream.indirect.gather [hbm4b:s10+s24], $0x80, s12, s24, $0xb8;
	[tilespmem:$0x1F600] =	vst v63  }
0xce: {  	_ =	swait.ge [sflag:s30], $0x4000  }
.Ltmp3:
0xcf: {  	[sflag:s30] =	ssyncset.done $0x0;
	(pc) =	sbr.rel @p1 .LBB2_8-.Ltmp3, $4  }
0xd0: {  	s11 =	sadd.s32 $0x2A80, s11;
	[sflag:s30] =	ssyncadd.s32 $0xFFFFC000  }
0xd1: {  	[spmem:s1] =	stream.indirect.scatter.add.f32 [tilespmem:s26], [sflag:$0x4], $0x80, s11, s24, $0xb8;
	[tilespmem:$0x1F600] =	vst v63  }
0xd2: {  	_ =	swait.ge [sflag:s31], $0x4000  }
0xd3: {  	s12 =	smov.u32 s16;
	s11 =	sshra.s32 s14, $0x2;
	[sflag:s31] =	ssyncset.done $0x0  }
0xd4: {  	s12 =	sadd.s32 $0x1C80, s11;
	[sflag:s31] =	ssyncadd.s32 $0xFFFFC000  }
0xd5: {  	[tilespmem:s26], [sflag:$0x2] =	stream.indirect.gather [hbm4b:s10+s24], $0x80, s12, s24, $0xb8;
	[tilespmem:$0x1F600] =	vst v63  }
0xd6: {  	_ =	swait.ge [sflag:s28], $0x4000  }
0xd7: {  	[sflag:s28] =	ssyncset.done $0x0  }
0xd8: {  	s0 =	sadd.s32 $0x2A00, s11;
	[sflag:s28] =	ssyncadd.s32 $0xFFFFC000  }
0xd9: {  	[spmem:s1] =	stream.indirect.scatter.add.f32 [tilespmem:s23], [sflag:$0x3], $0x80, s0, s24, $0xb8;
	[tilespmem:$0x1F600] =	vst v63  }
0xda: {  	_ =	swait.ge [sflag:s29], $0x4000  }
0xdb: {  	[sflag:s29] =	ssyncset.done $0x0  }
0xdc: {  	s13 =	sadd.s32 $0x1D00, s11;
	[sflag:s29] =	ssyncadd.s32 $0xFFFFC000  }
0xdd: {  	[tilespmem:s23], [sflag:$0x1] =	stream.indirect.gather [hbm4b:s10+s24], $0x80, s13, s24, $0xb8;
	[tilespmem:$0x1F600] =	vst v63  }
0xde: {  	_ =	swait.ge [sflag:s30], $0x4000  }
0xdf: {  	[sflag:s30] =	ssyncset.done $0x0  }
0xe0: {  	s14 =	sadd.s32 $0x2A80, s11;
	[sflag:s30] =	ssyncadd.s32 $0xFFFFC000  }
0xe1: {  	[spmem:s1] =	stream.indirect.scatter.add.f32 [tilespmem:s26], [sflag:$0x4], $0x80, s14, s24, $0xb8;
	[tilespmem:$0x1F600] =	vst v63  }
0xe2: {  	_ =	swait.ge [sflag:s31], $0x4000  }
0xe3: {  	[sflag:s31] =	ssyncset.done $0x0  }
0xe4: {  	[sflag:s31] =	ssyncadd.s32 $0xFFFFC000  }
0xe5: {  	[tilespmem:s26], [sflag:$0x2] =	stream.indirect.gather [hbm4b:s10+s24], $0x80, s17, s24, $0xb8;
	[tilespmem:$0x1F600] =	vst v63  }
0xe6: {  	_ =	swait.ge [sflag:s28], $0x4000  }
0xe7: {  	[sflag:s28] =	ssyncset.done $0x0  }
0xe8: {  	[sflag:s28] =	ssyncadd.s32 $0xFFFFC000  }
0xe9: {  	[spmem:s1] =	stream.indirect.scatter.add.f32 [tilespmem:s23], [sflag:$0x3], $0x80, s3, s24, $0xb8;
	[tilespmem:$0x1F600] =	vst v63  }
0xea: {  	_ =	swait.ge [sflag:s29], $0x4000  }
0xeb: {  	[sflag:s29] =	ssyncset.done $0x0  }
0xec: {  	[sflag:s29] =	ssyncadd.s32 $0xFFFFC000  }
0xed: {  	_ =	swait.ge [sflag:s30], $0x4000  }
0xee: {  	[sflag:s30] =	ssyncset.done $0x0  }
0xef: {  	[sflag:s30] =	ssyncadd.s32 $0xFFFFC000  }
0xf0: {  	[spmem:s1] =	stream.indirect.scatter.add.f32 [tilespmem:s26], [sflag:$0x4], $0x80, s2, s24, $0xb8;
	[tilespmem:$0x1F600] =	vst v63  }
0xf1: {  	_ =	swait.ge [sflag:s31], $0x4000  }
0xf2: {  	[sflag:s31] =	ssyncset.done $0x0  }
0xf3: {  	[sflag:s31] =	ssyncadd.s32 $0xFFFFC000  }
0xf4: {  	s0 =	stileid.u32;
	[bflag:$0x0] =	sbarrier.arrive $0xFFFF  }
0xf5: {  	s16 =	sshll.u32 s0, $0x6;
	s17 =	rddreg [dreg:$0x6]  }
0xf6: {  	s11 =	sor.u32 $0x1C05, s16;
	s18 =	rddreg [dreg:$0x5];
	s12 =	sshrl.u32 s17, $0x3  }
0xf7: {  	[hbm:s18], [sflag:s11] =	dma.local [spmem:s12], $0x2700  }
0xf8: {  	_ =	swait.ge [sflag:s22], $0x2700  }
0xf9: {  	s14 =	simm.s32 @!p0 $0x5;
	[sflag:s22] =	ssyncset.done $0x0;
	s0 =	rddreg [dreg:$0x8]  }
0xfa: {  	[sflag:s22] =	ssyncadd.s32 $0xFFFFD900;
	s13 =	sshrl.u32 @!p0 s0, $0x3;
	s0 =	rddreg [dreg:$0x7]  }
0xfb: {  	[hbm:s0], [sflag:s11] =	dma.local @!p0 [spmem:s13], $0x100  }
0xfc: {  	_ =	swait.ge @!p0 [sflag:s14], $0x100  }
0xfd: {  	[sflag:s14] =	ssyncset.done @!p0 $0x0  }
0xfe: {  	[sflag:s14] =	ssyncadd.s32 @!p0 $0xFFFFFF00  }
0xff: {  	s16 =	simm.s32 $0x200;
	s14 =	simm.s32 $0x0;
	[bflag:$0x0] =	sbarrier.arrive $0xFFFF  }
.LBB2_10:
0x100: {  	p1 =	sne.s32 s16, $0xFE00;
	[tilespmem:s14+$0x3A70] =	vst v0  }
0x101: {  	[tilespmem:s14+$0x3A00] =	vst v0  }
0x102: {  	[tilespmem:s14+$0x3A10] =	vst v0  }
.Ltmp4:
0x103: {  	[tilespmem:s14+$0x3A20] =	vst v0;
	(pc) =	sbr.rel @p1 .LBB2_10-.Ltmp4, $4  }
0x104: {  	[tilespmem:s14+$0x3A30] =	vst v0  }
0x105: {  	[tilespmem:s14+$0x3A40] =	vst v0  }
0x106: {  	[tilespmem:s14+$0x3A50] =	vst v0  }
0x107: {  	[tilespmem:s14+$0x3A60] =	vst v0;
	s14 =	sshra.s32 s16, $0x2;
	s16 =	sadd.s32 $0x200, s16  }
0x108: {  	[tilespmem:s14+$0x3A70] =	vst v0  }
0x109: {  	[tilespmem:s14+$0x3A00] =	vst v0  }
0x10a: {  	[tilespmem:s14+$0x3A10] =	vst v0  }
0x10b: {  	[tilespmem:s14+$0x3A20] =	vst v0  }
0x10c: {  	[tilespmem:s14+$0x3A30] =	vst v0  }
0x10d: {  	[tilespmem:s14+$0x3A40] =	vst v0  }
0x10e: {  	[tilespmem:s14+$0x3A50] =	vst v0  }
0x10f: {  	[tilespmem:s14+$0x3A60] =	vst v0  }
0x110: {  	[spmem:s4] =	stream.linear.scatter [tilespmem:s23], [sflag:$0x5], $0x4000, $0x38;
	[tilespmem:$0x1F600] =	vst v63  }
0x111: {  	_ =	swait.ge [sflag:s22], $0x4000  }
0x112: {  	[sflag:s22] =	ssyncset.done $0x0  }
0x113: {  	[sflag:s22] =	ssyncadd.s32 $0xFFFFC000  }
0x114: {  	[spmem:s6] =	stream.linear.scatter [tilespmem:s23], [sflag:$0x5], $0x4000, $0x38;
	[tilespmem:$0x1F600] =	vst v63  }
0x115: {  	_ =	swait.ge [sflag:s22], $0x4000  }
0x116: {  	[sflag:s22] =	ssyncset.done $0x0  }
0x117: {  	[sflag:s22] =	ssyncadd.s32 $0xFFFFC000  }
0x118: {  	[spmem:s7] =	stream.linear.scatter [tilespmem:s23], [sflag:$0x5], $0x4000, $0x38;
	[tilespmem:$0x1F600] =	vst v63  }
0x119: {  	_ =	swait.ge [sflag:s22], $0x4000  }
0x11a: {  	[sflag:s22] =	ssyncset.done $0x0  }
0x11b: {  	[sflag:s22] =	ssyncadd.s32 $0xFFFFC000  }
0x11c: {  	[spmem:s8] =	stream.linear.scatter [tilespmem:s23], [sflag:$0x5], $0x4000, $0x38;
	[tilespmem:$0x1F600] =	vst v63  }
0x11d: {  	_ =	swait.ge [sflag:s22], $0x4000  }
0x11e: {  	[sflag:s22] =	ssyncset.done $0x0  }
0x11f: {  	[sflag:s22] =	ssyncadd.s32 $0xFFFFC000  }
0x120: {  	[spmem:s9] =	stream.linear.scatter [tilespmem:s23], [sflag:$0x5], $0x3C00, $0x38;
	[tilespmem:$0x1F600] =	vst v63  }
0x121: {  	_ =	swait.ge [sflag:s22], $0x3C00  }
0x122: {  	[sflag:s22] =	ssyncset.done $0x0  }
0x123: {  	[sflag:s22] =	ssyncadd.s32 $0xFFFFC400  }
0x124: {  	s18 =	simm.s32 $0x0;
	[bflag:$0x0] =	sbarrier.arrive $0xFFFF  }
0x125: {  	[tilespmem:s23], [sflag:$0x1] =	stream.indirect.gather [hbm4b:s15+s24], $0x80, s18, s24, $0xb8;
	[tilespmem:$0x1F600] =	vst v63  }
0x126: {  	_ = 	snop  }
0x127: {  	[tilespmem:s25], [sflag:$0x5] =	stream.linear.gather [hbm4b:s19+s18], $0xE00, $0x38;
	[tilespmem:$0x1F600] =	vst v63  }
0x128: {  	_ =	swait.ge [sflag:s22], $0xE00  }
0x129: {  	[sflag:s22] =	ssyncset.done $0x0  }
0x12a: {  	s0 =	simm.s32 $0x80;
	[sflag:s22] =	ssyncadd.s32 $0xFFFFF200  }
0x12b: {  	[tilespmem:s26], [sflag:$0x2] =	stream.indirect.gather [hbm4b:s15+s24], $0x80, s0, s24, $0xb8;
	[tilespmem:$0x1F600] =	vst v63  }
0x12c: {  	_ =	swait.ge [sflag:s28], $0x4000  }
0x12d: {  	[sflag:s28] =	ssyncset.done $0x0  }
0x12e: {  	s16 =	simm.s32 $0x2A00;
	[sflag:s28] =	ssyncadd.s32 $0xFFFFC000  }
0x12f: {  	[spmem:s1] =	stream.indirect.scatter.add.f32 [tilespmem:s23], [sflag:$0x3], $0x80, s16, s24, $0xb8;
	[tilespmem:$0x1F600] =	vst v63  }
0x130: {  	_ =	swait.ge [sflag:s29], $0x4000  }
0x131: {  	[sflag:s29] =	ssyncset.done $0x0  }
0x132: {  	s17 =	simm.s32 $0x100;
	[sflag:s29] =	ssyncadd.s32 $0xFFFFC000  }
0x133: {  	[tilespmem:s23], [sflag:$0x1] =	stream.indirect.gather [hbm4b:s15+s24], $0x80, s17, s24, $0xb8;
	[tilespmem:$0x1F600] =	vst v63  }
0x134: {  	_ =	swait.ge [sflag:s30], $0x4000  }
0x135: {  	[sflag:s30] =	ssyncset.done $0x0  }
0x136: {  	s18 =	simm.s32 $0x2A80;
	[sflag:s30] =	ssyncadd.s32 $0xFFFFC000  }
0x137: {  	[spmem:s1] =	stream.indirect.scatter.add.f32 [tilespmem:s26], [sflag:$0x4], $0x80, s18, s24, $0xb8;
	[tilespmem:$0x1F600] =	vst v63  }
0x138: {  	_ =	swait.ge [sflag:s31], $0x4000  }
0x139: {  	s14 =	simm.s32 $0x100;
	s16 =	simm.s32 $0x800;
	[sflag:s31] =	ssyncset.done $0x0  }
.LBB2_12:
0x13a: {  	s17 =	sadd.s32 $0x80, s14  }
0x13b: {  	[sflag:s31] =	ssyncadd.s32 $0xFFFFC000;
	s18 =	smov.u32 s16;
	s0 =	sadd.s32 $0x400, s16  }
0x13c: {  	[tilespmem:s26], [sflag:$0x2] =	stream.indirect.gather [hbm4b:s15+s24], $0x80, s17, s24, $0xb8;
	[tilespmem:$0x1F600] =	vst v63  }
0x13d: {  	p1 =	sne.s32 s16, $0x3400;
	_ =	swait.ge [sflag:s28], $0x4000  }
0x13e: {  	[sflag:s28] =	ssyncset.done $0x0  }
0x13f: {  	s16 =	sadd.s32 $0x2A00, s14;
	[sflag:s28] =	ssyncadd.s32 $0xFFFFC000  }
0x140: {  	[spmem:s1] =	stream.indirect.scatter.add.f32 [tilespmem:s23], [sflag:$0x3], $0x80, s16, s24, $0xb8;
	[tilespmem:$0x1F600] =	vst v63  }
0x141: {  	_ =	swait.ge [sflag:s29], $0x4000  }
0x142: {  	[sflag:s29] =	ssyncset.done $0x0  }
0x143: {  	s16 =	sadd.s32 $0x100, s14;
	[sflag:s29] =	ssyncadd.s32 $0xFFFFC000  }
0x144: {  	[tilespmem:s23], [sflag:$0x1] =	stream.indirect.gather [hbm4b:s15+s24], $0x80, s16, s24, $0xb8;
	[tilespmem:$0x1F600] =	vst v63  }
0x145: {  	_ =	swait.ge [sflag:s30], $0x4000  }
.Ltmp5:
0x146: {  	[sflag:s30] =	ssyncset.done $0x0;
	(pc) =	sbr.rel @p1 .LBB2_12-.Ltmp5, $4  }
0x147: {  	s14 =	sadd.s32 $0x2A80, s14;
	[sflag:s30] =	ssyncadd.s32 $0xFFFFC000  }
0x148: {  	[spmem:s1] =	stream.indirect.scatter.add.f32 [tilespmem:s26], [sflag:$0x4], $0x80, s14, s24, $0xb8;
	[tilespmem:$0x1F600] =	vst v63  }
0x149: {  	_ =	swait.ge [sflag:s31], $0x4000  }
0x14a: {  	s16 =	smov.u32 s0;
	s14 =	sshra.s32 s18, $0x2;
	[sflag:s31] =	ssyncset.done $0x0  }
0x14b: {  	s0 =	sadd.s32 $0x80, s14;
	[sflag:s31] =	ssyncadd.s32 $0xFFFFC000  }
0x14c: {  	[tilespmem:s26], [sflag:$0x2] =	stream.indirect.gather [hbm4b:s15+s24], $0x80, s0, s24, $0xb8;
	[tilespmem:$0x1F600] =	vst v63  }
0x14d: {  	_ =	swait.ge [sflag:s28], $0x4000  }
0x14e: {  	[sflag:s28] =	ssyncset.done $0x0  }
0x14f: {  	s18 =	sadd.s32 $0x2A00, s14;
	[sflag:s28] =	ssyncadd.s32 $0xFFFFC000  }
0x150: {  	[spmem:s1] =	stream.indirect.scatter.add.f32 [tilespmem:s23], [sflag:$0x3], $0x80, s18, s24, $0xb8;
	[tilespmem:$0x1F600] =	vst v63  }
0x151: {  	_ =	swait.ge [sflag:s29], $0x4000  }
0x152: {  	[sflag:s29] =	ssyncset.done $0x0  }
0x153: {  	s16 =	sadd.s32 $0x100, s14;
	[sflag:s29] =	ssyncadd.s32 $0xFFFFC000  }
0x154: {  	[tilespmem:s23], [sflag:$0x1] =	stream.indirect.gather [hbm4b:s15+s24], $0x80, s16, s24, $0xb8;
	[tilespmem:$0x1F600] =	vst v63  }
0x155: {  	_ =	swait.ge [sflag:s30], $0x4000  }
0x156: {  	[sflag:s30] =	ssyncset.done $0x0  }
0x157: {  	s17 =	sadd.s32 $0x2A80, s14;
	[sflag:s30] =	ssyncadd.s32 $0xFFFFC000  }
0x158: {  	[spmem:s1] =	stream.indirect.scatter.add.f32 [tilespmem:s26], [sflag:$0x4], $0x80, s17, s24, $0xb8;
	[tilespmem:$0x1F600] =	vst v63  }
0x159: {  	_ =	swait.ge [sflag:s31], $0x4000  }
0x15a: {  	[sflag:s31] =	ssyncset.done $0x0  }
0x15b: {  	s18 =	simm.s32 $0x0;
	[sflag:s31] =	ssyncadd.s32 $0xFFFFC000  }
0x15c: {  	[tilespmem:s25], [sflag:$0x5] =	stream.linear.gather [hbm4b:s20+s18], $0xE00, $0x38;
	[tilespmem:$0x1F600] =	vst v63  }
0x15d: {  	_ =	swait.ge [sflag:s22], $0xE00  }
0x15e: {  	[sflag:s22] =	ssyncset.done $0x0  }
0x15f: {  	s14 =	simm.s32 $0xE80;
	[sflag:s22] =	ssyncadd.s32 $0xFFFFF200  }
0x160: {  	[tilespmem:s26], [sflag:$0x2] =	stream.indirect.gather [hbm4b:s15+s24], $0x80, s14, s24, $0xb8;
	[tilespmem:$0x1F600] =	vst v63  }
0x161: {  	_ =	swait.ge [sflag:s28], $0x4000  }
0x162: {  	[sflag:s28] =	ssyncset.done $0x0  }
0x163: {  	s16 =	simm.s32 $0x2A00;
	[sflag:s28] =	ssyncadd.s32 $0xFFFFC000  }
0x164: {  	[spmem:s1] =	stream.indirect.scatter.add.f32 [tilespmem:s23], [sflag:$0x3], $0x80, s16, s24, $0xb8;
	[tilespmem:$0x1F600] =	vst v63  }
0x165: {  	_ =	swait.ge [sflag:s29], $0x4000  }
0x166: {  	[sflag:s29] =	ssyncset.done $0x0  }
0x167: {  	s17 =	simm.s32 $0xF00;
	[sflag:s29] =	ssyncadd.s32 $0xFFFFC000  }
0x168: {  	[tilespmem:s23], [sflag:$0x1] =	stream.indirect.gather [hbm4b:s15+s24], $0x80, s17, s24, $0xb8;
	[tilespmem:$0x1F600] =	vst v63  }
0x169: {  	_ =	swait.ge [sflag:s30], $0x4000  }
0x16a: {  	[sflag:s30] =	ssyncset.done $0x0  }
0x16b: {  	s18 =	simm.s32 $0x2A80;
	[sflag:s30] =	ssyncadd.s32 $0xFFFFC000  }
0x16c: {  	[spmem:s1] =	stream.indirect.scatter.add.f32 [tilespmem:s26], [sflag:$0x4], $0x80, s18, s24, $0xb8;
	[tilespmem:$0x1F600] =	vst v63  }
0x16d: {  	_ =	swait.ge [sflag:s31], $0x4000  }
0x16e: {  	s14 =	simm.s32 $0x100;
	s16 =	simm.s32 $0x800;
	[sflag:s31] =	ssyncset.done $0x0  }
.LBB2_14:
0x16f: {  	s0 =	sadd.s32 $0xE80, s14  }
0x170: {  	[sflag:s31] =	ssyncadd.s32 $0xFFFFC000;
	s17 =	smov.u32 s16;
	s18 =	sadd.s32 $0x400, s16  }
0x171: {  	[tilespmem:s26], [sflag:$0x2] =	stream.indirect.gather [hbm4b:s15+s24], $0x80, s0, s24, $0xb8;
	[tilespmem:$0x1F600] =	vst v63  }
0x172: {  	p1 =	sne.s32 s16, $0x3400;
	_ =	swait.ge [sflag:s28], $0x4000  }
0x173: {  	[sflag:s28] =	ssyncset.done $0x0  }
0x174: {  	s0 =	sadd.s32 $0x2A00, s14;
	[sflag:s28] =	ssyncadd.s32 $0xFFFFC000  }
0x175: {  	[spmem:s1] =	stream.indirect.scatter.add.f32 [tilespmem:s23], [sflag:$0x3], $0x80, s0, s24, $0xb8;
	[tilespmem:$0x1F600] =	vst v63  }
0x176: {  	_ =	swait.ge [sflag:s29], $0x4000  }
0x177: {  	[sflag:s29] =	ssyncset.done $0x0  }
0x178: {  	s0 =	sadd.s32 $0xF00, s14;
	[sflag:s29] =	ssyncadd.s32 $0xFFFFC000  }
0x179: {  	[tilespmem:s23], [sflag:$0x1] =	stream.indirect.gather [hbm4b:s15+s24], $0x80, s0, s24, $0xb8;
	[tilespmem:$0x1F600] =	vst v63  }
0x17a: {  	_ =	swait.ge [sflag:s30], $0x4000  }
.Ltmp6:
0x17b: {  	[sflag:s30] =	ssyncset.done $0x0;
	(pc) =	sbr.rel @p1 .LBB2_14-.Ltmp6, $4  }
0x17c: {  	s0 =	sadd.s32 $0x2A80, s14;
	[sflag:s30] =	ssyncadd.s32 $0xFFFFC000  }
0x17d: {  	[spmem:s1] =	stream.indirect.scatter.add.f32 [tilespmem:s26], [sflag:$0x4], $0x80, s0, s24, $0xb8;
	[tilespmem:$0x1F600] =	vst v63  }
0x17e: {  	_ =	swait.ge [sflag:s31], $0x4000  }
0x17f: {  	s16 =	smov.u32 s18;
	s14 =	sshra.s32 s17, $0x2;
	[sflag:s31] =	ssyncset.done $0x0  }
0x180: {  	s0 =	sadd.s32 $0xE80, s14;
	[sflag:s31] =	ssyncadd.s32 $0xFFFFC000  }
0x181: {  	[tilespmem:s26], [sflag:$0x2] =	stream.indirect.gather [hbm4b:s15+s24], $0x80, s0, s24, $0xb8;
	[tilespmem:$0x1F600] =	vst v63  }
0x182: {  	_ =	swait.ge [sflag:s28], $0x4000  }
0x183: {  	[sflag:s28] =	ssyncset.done $0x0  }
0x184: {  	s18 =	sadd.s32 $0x2A00, s14;
	[sflag:s28] =	ssyncadd.s32 $0xFFFFC000  }
0x185: {  	[spmem:s1] =	stream.indirect.scatter.add.f32 [tilespmem:s23], [sflag:$0x3], $0x80, s18, s24, $0xb8;
	[tilespmem:$0x1F600] =	vst v63  }
0x186: {  	_ =	swait.ge [sflag:s29], $0x4000  }
0x187: {  	[sflag:s29] =	ssyncset.done $0x0  }
0x188: {  	s16 =	sadd.s32 $0xF00, s14;
	[sflag:s29] =	ssyncadd.s32 $0xFFFFC000  }
0x189: {  	[tilespmem:s23], [sflag:$0x1] =	stream.indirect.gather [hbm4b:s15+s24], $0x80, s16, s24, $0xb8;
	[tilespmem:$0x1F600] =	vst v63  }
0x18a: {  	_ =	swait.ge [sflag:s30], $0x4000  }
0x18b: {  	[sflag:s30] =	ssyncset.done $0x0  }
0x18c: {  	s17 =	sadd.s32 $0x2A80, s14;
	[sflag:s30] =	ssyncadd.s32 $0xFFFFC000  }
0x18d: {  	[spmem:s1] =	stream.indirect.scatter.add.f32 [tilespmem:s26], [sflag:$0x4], $0x80, s17, s24, $0xb8;
	[tilespmem:$0x1F600] =	vst v63  }
0x18e: {  	_ =	swait.ge [sflag:s31], $0x4000  }
0x18f: {  	[sflag:s31] =	ssyncset.done $0x0  }
0x190: {  	s18 =	simm.s32 $0x0;
	[sflag:s31] =	ssyncadd.s32 $0xFFFFC000  }
0x191: {  	[tilespmem:s25], [sflag:$0x5] =	stream.linear.gather [hbm4b:s21+s18], $0xE00, $0x38;
	[tilespmem:$0x1F600] =	vst v63  }
0x192: {  	_ =	swait.ge [sflag:s22], $0xE00  }
0x193: {  	[sflag:s22] =	ssyncset.done $0x0  }
0x194: {  	s14 =	simm.s32 $0x1C80;
	[sflag:s22] =	ssyncadd.s32 $0xFFFFF200  }
0x195: {  	[tilespmem:s26], [sflag:$0x2] =	stream.indirect.gather [hbm4b:s15+s24], $0x80, s14, s24, $0xb8;
	[tilespmem:$0x1F600] =	vst v63  }
0x196: {  	_ =	swait.ge [sflag:s28], $0x4000  }
0x197: {  	[sflag:s28] =	ssyncset.done $0x0  }
0x198: {  	s16 =	simm.s32 $0x2A00;
	[sflag:s28] =	ssyncadd.s32 $0xFFFFC000  }
0x199: {  	[spmem:s1] =	stream.indirect.scatter.add.f32 [tilespmem:s23], [sflag:$0x3], $0x80, s16, s24, $0xb8;
	[tilespmem:$0x1F600] =	vst v63  }
0x19a: {  	_ =	swait.ge [sflag:s29], $0x4000  }
0x19b: {  	[sflag:s29] =	ssyncset.done $0x0  }
0x19c: {  	s17 =	simm.s32 $0x1D00;
	[sflag:s29] =	ssyncadd.s32 $0xFFFFC000  }
0x19d: {  	[tilespmem:s23], [sflag:$0x1] =	stream.indirect.gather [hbm4b:s15+s24], $0x80, s17, s24, $0xb8;
	[tilespmem:$0x1F600] =	vst v63  }
0x19e: {  	_ =	swait.ge [sflag:s30], $0x4000  }
0x19f: {  	[sflag:s30] =	ssyncset.done $0x0  }
0x1a0: {  	s18 =	simm.s32 $0x2A80;
	[sflag:s30] =	ssyncadd.s32 $0xFFFFC000  }
0x1a1: {  	[spmem:s1] =	stream.indirect.scatter.add.f32 [tilespmem:s26], [sflag:$0x4], $0x80, s18, s24, $0xb8;
	[tilespmem:$0x1F600] =	vst v63  }
0x1a2: {  	_ =	swait.ge [sflag:s31], $0x4000  }
0x1a3: {  	s14 =	simm.s32 $0x100;
	s16 =	simm.s32 $0x800;
	[sflag:s31] =	ssyncset.done $0x0  }
.LBB2_16:
0x1a4: {  	s0 =	sadd.s32 $0x1C80, s14  }
0x1a5: {  	[sflag:s31] =	ssyncadd.s32 $0xFFFFC000;
	s17 =	smov.u32 s16;
	s18 =	sadd.s32 $0x400, s16  }
0x1a6: {  	[tilespmem:s26], [sflag:$0x2] =	stream.indirect.gather [hbm4b:s15+s24], $0x80, s0, s24, $0xb8;
	[tilespmem:$0x1F600] =	vst v63  }
0x1a7: {  	p1 =	sne.s32 s16, $0x3000;
	_ =	swait.ge [sflag:s28], $0x4000  }
0x1a8: {  	[sflag:s28] =	ssyncset.done $0x0  }
0x1a9: {  	s0 =	sadd.s32 $0x2A00, s14;
	[sflag:s28] =	ssyncadd.s32 $0xFFFFC000  }
0x1aa: {  	[spmem:s1] =	stream.indirect.scatter.add.f32 [tilespmem:s23], [sflag:$0x3], $0x80, s0, s24, $0xb8;
	[tilespmem:$0x1F600] =	vst v63  }
0x1ab: {  	_ =	swait.ge [sflag:s29], $0x4000  }
0x1ac: {  	[sflag:s29] =	ssyncset.done $0x0  }
0x1ad: {  	s0 =	sadd.s32 $0x1D00, s14;
	[sflag:s29] =	ssyncadd.s32 $0xFFFFC000  }
0x1ae: {  	[tilespmem:s23], [sflag:$0x1] =	stream.indirect.gather [hbm4b:s15+s24], $0x80, s0, s24, $0xb8;
	[tilespmem:$0x1F600] =	vst v63  }
0x1af: {  	_ =	swait.ge [sflag:s30], $0x4000  }
.Ltmp7:
0x1b0: {  	[sflag:s30] =	ssyncset.done $0x0;
	(pc) =	sbr.rel @p1 .LBB2_16-.Ltmp7, $4  }
0x1b1: {  	s0 =	sadd.s32 $0x2A80, s14;
	[sflag:s30] =	ssyncadd.s32 $0xFFFFC000  }
0x1b2: {  	[spmem:s1] =	stream.indirect.scatter.add.f32 [tilespmem:s26], [sflag:$0x4], $0x80, s0, s24, $0xb8;
	[tilespmem:$0x1F600] =	vst v63  }
0x1b3: {  	_ =	swait.ge [sflag:s31], $0x4000  }
0x1b4: {  	s16 =	smov.u32 s18;
	s14 =	sshra.s32 s17, $0x2;
	[sflag:s31] =	ssyncset.done $0x0  }
0x1b5: {  	s0 =	sadd.s32 $0x1C80, s14;
	[sflag:s31] =	ssyncadd.s32 $0xFFFFC000  }
0x1b6: {  	[tilespmem:s26], [sflag:$0x2] =	stream.indirect.gather [hbm4b:s15+s24], $0x80, s0, s24, $0xb8;
	[tilespmem:$0x1F600] =	vst v63  }
0x1b7: {  	_ =	swait.ge [sflag:s28], $0x4000  }
0x1b8: {  	[sflag:s28] =	ssyncset.done $0x0  }
0x1b9: {  	s17 =	sadd.s32 $0x2A00, s14;
	[sflag:s28] =	ssyncadd.s32 $0xFFFFC000  }
0x1ba: {  	[spmem:s1] =	stream.indirect.scatter.add.f32 [tilespmem:s23], [sflag:$0x3], $0x80, s17, s24, $0xb8;
	[tilespmem:$0x1F600] =	vst v63  }
0x1bb: {  	_ =	swait.ge [sflag:s29], $0x4000  }
0x1bc: {  	[sflag:s29] =	ssyncset.done $0x0  }
0x1bd: {  	s18 =	sadd.s32 $0x1D00, s14;
	[sflag:s29] =	ssyncadd.s32 $0xFFFFC000  }
0x1be: {  	[tilespmem:s23], [sflag:$0x1] =	stream.indirect.gather [hbm4b:s15+s24], $0x80, s18, s24, $0xb8;
	[tilespmem:$0x1F600] =	vst v63  }
0x1bf: {  	_ =	swait.ge [sflag:s30], $0x4000  }
0x1c0: {  	[sflag:s30] =	ssyncset.done $0x0  }
0x1c1: {  	s14 =	sadd.s32 $0x2A80, s14;
	[sflag:s30] =	ssyncadd.s32 $0xFFFFC000  }
0x1c2: {  	[spmem:s1] =	stream.indirect.scatter.add.f32 [tilespmem:s26], [sflag:$0x4], $0x80, s14, s24, $0xb8;
	[tilespmem:$0x1F600] =	vst v63  }
0x1c3: {  	_ =	swait.ge [sflag:s31], $0x4000  }
0x1c4: {  	[sflag:s31] =	ssyncset.done $0x0  }
0x1c5: {  	s17 =	simm.s32 $0x2980;
	[sflag:s31] =	ssyncadd.s32 $0xFFFFC000  }
0x1c6: {  	[tilespmem:s26], [sflag:$0x2] =	stream.indirect.gather [hbm4b:s15+s24], $0x80, s17, s24, $0xb8;
	[tilespmem:$0x1F600] =	vst v63  }
0x1c7: {  	_ =	swait.ge [sflag:s28], $0x4000  }
0x1c8: {  	[sflag:s28] =	ssyncset.done $0x0  }
0x1c9: {  	[sflag:s28] =	ssyncadd.s32 $0xFFFFC000  }
0x1ca: {  	[spmem:s1] =	stream.indirect.scatter.add.f32 [tilespmem:s23], [sflag:$0x3], $0x80, s3, s24, $0xb8;
	[tilespmem:$0x1F600] =	vst v63  }
0x1cb: {  	_ =	swait.ge [sflag:s29], $0x4000  }
0x1cc: {  	[sflag:s29] =	ssyncset.done $0x0  }
0x1cd: {  	[sflag:s29] =	ssyncadd.s32 $0xFFFFC000  }
0x1ce: {  	_ =	swait.ge [sflag:s30], $0x4000  }
0x1cf: {  	[sflag:s30] =	ssyncset.done $0x0  }
0x1d0: {  	[sflag:s30] =	ssyncadd.s32 $0xFFFFC000  }
0x1d1: {  	[spmem:s1] =	stream.indirect.scatter.add.f32 [tilespmem:s26], [sflag:$0x4], $0x80, s2, s24, $0xb8;
	[tilespmem:$0x1F600] =	vst v63  }
0x1d2: {  	_ =	swait.ge [sflag:s31], $0x4000  }
0x1d3: {  	[sflag:s31] =	ssyncset.done $0x0  }
0x1d4: {  	[sflag:s31] =	ssyncadd.s32 $0xFFFFC000  }
0x1d5: {  	[bflag:$0x0] =	sbarrier.arrive $0xFFFF  }
0x1d6: {  	s16 =	rddreg [dreg:$0x9]  }
0x1d7: {  	[hbm:s16], [sflag:s11] =	dma.local [spmem:s12], $0x2700  }
0x1d8: {  	_ =	swait.ge [sflag:s22], $0x2700  }
0x1d9: {  	[sflag:s22] =	ssyncset.done $0x0  }
0x1da: {  	s0 =	rddreg [dreg:$0xa];
	[sflag:s22] =	ssyncadd.s32 $0xFFFFD900  }
0x1db: {  	[hbm:s0], [sflag:s11] =	dma.local @!p0 [spmem:s13], $0x100  }
0x1dc: {  	s0 =	simm.s32 @!p0 $0x5  }
0x1dd: {  	_ =	swait.ge @!p0 [sflag:s0], $0x100  }
0x1de: {  	s5 =	sadd.s32 $0x1, s5;
	s18 =	rddreg [dreg:$0xb]  }
0x1df: {  	p1 =	sne.s32 s5, s18  }
.Ltmp8:
0x1e0: {  	_ = 	snop;
	(pc) =	sbr.rel @p1 .LBB2_1-.Ltmp8, $3  }
0x1e1: {  	[sflag:s0] =	ssyncset.done @!p0 $0x0  }
0x1e2: {  	[sflag:s0] =	ssyncadd.s32 @!p0 $0xFFFFFF00  }
0x1e3: {  	[bflag:$0x0] =	sbarrier.arrive $0xFFFF;
	_ =	sdelay $0x1  }
0x1e4: {  	_ =	sfence.sel $0x180000  }
0x1e5: {  	[bflag:$0x0] =	sbarrier.arrive $0xFFFF  }
0x1e6: {  	_ =	strace $0x9000004A  }
0x1e7: {  	[bflag:$0x2] =	sbarrier.arrive $0xFFFF  }
0x1e8: {  	s0 =	rddreg [dreg:$0x3]  }
0x1e9: {  	s0 =	sadd.s32 @!p0 $0x100000, s0  }
0x1ea: {  	[sflag:s0] =	ssyncadd.tile.s32 @!p0 $0x1;
	_ =	shalt  }
.Lfunc_end2:
_tile_overlayer_lowered:
.L_overlay_start_2:
0x1eb: {  	(tag) =	ssettag $0x2  }
0x1ec: {  	s0 =	rddreg [dreg:$0x0];
	s2 =	stileid.u32  }
0x1ed: {  	s1 =	rddreg [dreg:$0x1];
	p0 =	sne.s32 s2, $0x0  }
0x1ee: {  	s3 =	rddreg [dreg:$0x2];
	[bflag:$0x3] =	sbarrier.arrive $0xFFFF;
	s2 =	simm.s32 @!p0 $0x1C06  }
0x1ef: {  	[timem:s3], [sflag:s2] =	dma.local @!p0 [hbm:s0], s1  }
0x1f0: {  	s0 =	simm.s32 @!p0 $0x6  }
0x1f1: {  	_ =	swait.ge @!p0 [sflag:s0], s1  }
0x1f2: {  	s1 =	ssub.s32 @!p0 $0x0, s1;
	[sflag:s0] =	ssyncset.done @!p0 $0x0  }
0x1f3: {  	[sflag:s0] =	ssyncadd.s32 @!p0 s1  }
0x1f4: {  	[bflag:$0x3] =	sbarrier.arrive $0xFFFF  }
0x1f5: {  	_ =	shalt  }

// kernel: kernel.15.cloned.1.call-start
scs
__scs_entry_jumppad:
0x0: {  	(pc) =	sbr.rel $0x88, $3  }
0x1: {  	(tag) =	ssettag $0x0;
	lr =	simm.s32 $0x1  }
0x2: {  	[smem:$0x3F99] =	sst lr;
	_ =	strace $0xD0000000  }
0x3: {  	_ = 	snop  }
0x4: {  	_ = 	snop  }
0x5: {  	_ = 	snop  }
0x6: {  	_ = 	snop  }
0x7: {  	_ = 	snop  }
__scs_overlays_trampoline_lowered:
0x8: {  	[smem:$0x3FA8] =	sst s0  }
0x9: {  	[smem:$0x3FA9] =	sst s1  }
0xa: {  	[smem:$0x3FAA] =	sst s2  }
0xb: {  	[smem:$0x3FAB] =	sst s3  }
0xc: {  	[smem:$0x3FAC] =	sst s4  }
0xd: {  	[smem:$0x3FAD] =	sst s5  }
0xe: {  	[smem:$0x3FAE] =	sst s6  }
0xf: {  	[smem:$0x3FAF] =	sst s7  }
0x10: {  	[smem:$0x3FB0] =	sst s8  }
0x11: {  	[smem:$0x3FB1] =	sst s9;
	s0 =	simm.s32 @!p0 $0x0  }
0x12: {  	s1 =	sld [smem:$0x3F97];
	s0 =	simm.s32 @p0 $0x1  }
0x13: {  	[smem:$0x3FB2] =	sst s0;
	s0 =	simm.s32 @!p1 $0x0  }
0x14: {  	s2 =	sld [smem:$0x3F96];
	s0 =	simm.s32 @p1 $0x1  }
0x15: {  	[smem:$0x3FB3] =	sst s0;
	s0 =	simm.s32 @!p2 $0x0  }
0x16: {  	s3 =	sld [smem:$0x3FDB];
	s0 =	simm.s32 @p2 $0x1  }
0x17: {  	s4 =	simm.s32 $0x1BF5;
	[smem:$0x3FB5] =	sst s0  }
0x18: {  	s0 =	sld [smem:$0x3F98];
	_ =	swait.ge [sflag:s4], $0x0  }
0x19: {  	s7 =	sld [smem:$0x3F99]  }
0x1a: {  	s8 =	sadd.s32 $0xFFFFE003, lr  }
0x1b: {  	s9 =	sadd.s32 $0xFFFFFEF7, lr;
	s5 =	simm.s32 $0xFFFFFFFF;
	p2 =	slt.u32 s8, $0xFFFFF086  }
0x1c: {  	p1 =	slt.u32 s9, $0xF7A;
	s5 =	simm.s32 @!p2 $0x0  }
0x1d: {  	s5 =	simm.s32 @p1 $0x1;
	p0 =	seq.s32 s7, s2  }
0x1e: {  	s7 =	smul.u32 @!p0 $0xF7A, s2;
	p2 =	seq.s32 @!p0 s5, $0x0  }
0x1f: {  	s9 =	smul.u32 $0xF7A, s1;
	s8 =	simm.s32 @!p0 $0x1BF5;
	p2 =	por !p2, p0  }
0x20: {  	[sflag:s8] =	ssyncset.s32 @!p0 $0xFFFFF086;
	s6 =	sadd.s32 @!p0 s3, s7;
	s7 =	simm.s32 @!p0 $0x108  }
0x21: {  	s3 =	sadd.s32 s3, s9;
	s6 =	sadd.s32 @!p0 $0x88, s6;
	s7 =	simm.s32 @p2 $0x1082  }
0x22: {  	[simem:s7], [sflag:s8] =	dma.local @!p0 [hbm:s6], $0xF7A  }
0x23: {  	s9 =	sor.u32 $0xD0000000, s2;
	s6 =	simm.s32 $0x108;
	_ =	swait.ge @!p0 [sflag:s8], $0x0  }
0x24: {  	s3 =	sadd.s32 $0x88, s3;
	s6 =	simm.s32 @!p1 $0x1082;
	[sflag:s4] =	ssyncset.s32 $0xFFFFF086  }
0x25: {  	[simem:s6], [sflag:s4] =	dma.local [hbm:s3], $0xF7A  }
0x26: {  	[smem:$0x3F99] =	sst s1;
	(tag) =	ssettag s2;
	_ =	strace s9  }
0x27: {  	s1 =	sld [smem:$0x3FA9]  }
0x28: {  	s2 =	sld [smem:$0x3FAA]  }
0x29: {  	s4 =	sld [smem:$0x3FAC]  }
0x2a: {  	p0 =	seq.s32 s5, $0x0;
	s5 =	sld [smem:$0x3FAD]  }
0x2b: {  	s6 =	sld [smem:$0x3FAE]  }
0x2c: {  	s7 =	sld [smem:$0x3FAF]  }
0x2d: {  	s3 =	simm.s32 $0x108;
	s8 =	sld [smem:$0x3FB0]  }
0x2e: {  	s3 =	simm.s32 @!p0 $0x1082;
	s9 =	sld [smem:$0x3FB1]  }
0x2f: {  	lr =	sadd.s32 s0, s3;
	s0 =	sld [smem:$0x3FA8]  }
0x30: {  	s3 =	sld [smem:$0x3FAB]  }
0x31: {  	[smem:$0x3FB4] =	sst s10  }
0x32: {  	s10 =	sld [smem:$0x3FB2];
	_ =	sdelay $0x3  }
0x33: {  	p0 =	seq.s32 s10, $0x1;
	s10 =	sld [smem:$0x3FB4];
	_ =	sdelay $0x3  }
0x34: {  	[smem:$0x3FB4] =	sst s10  }
0x35: {  	s10 =	sld [smem:$0x3FB3];
	_ =	sdelay $0x3  }
0x36: {  	p1 =	seq.s32 s10, $0x1;
	s10 =	sld [smem:$0x3FB4];
	_ =	sdelay $0x3  }
0x37: {  	[smem:$0x3FB4] =	sst s10  }
0x38: {  	s10 =	sld [smem:$0x3FB5]  }
0x39: {  	_ = 	snop;
	(pc) =	sbr.ind lr, $3  }
0x3a: {  	_ = 	snop  }
0x3b: {  	_ = 	snop  }
0x3c: {  	p2 =	seq.s32 s10, $0x1;
	s10 =	sld [smem:$0x3FB4]  }
0x3d: {  	_ =	shalt  }
0x3e: {  	_ =	shalt  }
0x3f: {  	_ =	shalt  }
0x40: {  	_ =	shalt  }
0x41: {  	_ =	shalt  }
0x42: {  	_ =	shalt  }
0x43: {  	_ =	shalt  }
0x44: {  	_ =	shalt  }
0x45: {  	_ =	shalt  }
0x46: {  	_ =	shalt  }
0x47: {  	_ =	shalt  }
0x48: {  	_ =	shalt  }
0x49: {  	_ =	shalt  }
0x4a: {  	_ =	shalt  }
0x4b: {  	_ =	shalt  }
0x4c: {  	_ =	shalt  }
0x4d: {  	_ =	shalt  }
0x4e: {  	_ =	shalt  }
0x4f: {  	_ =	shalt  }
0x50: {  	_ =	shalt  }
0x51: {  	_ =	shalt  }
0x52: {  	_ =	shalt  }
0x53: {  	_ =	shalt  }
0x54: {  	_ =	shalt  }
0x55: {  	_ =	shalt  }
0x56: {  	_ =	shalt  }
0x57: {  	_ =	shalt  }
0x58: {  	_ =	shalt  }
0x59: {  	_ =	shalt  }
0x5a: {  	_ =	shalt  }
0x5b: {  	_ =	shalt  }
0x5c: {  	_ =	shalt  }
0x5d: {  	_ =	shalt  }
0x5e: {  	_ =	shalt  }
0x5f: {  	_ =	shalt  }
0x60: {  	_ =	shalt  }
0x61: {  	_ =	shalt  }
0x62: {  	_ =	shalt  }
0x63: {  	_ =	shalt  }
0x64: {  	_ =	shalt  }
0x65: {  	_ =	shalt  }
0x66: {  	_ =	shalt  }
0x67: {  	_ =	shalt  }
0x68: {  	_ =	shalt  }
0x69: {  	_ =	shalt  }
0x6a: {  	_ =	shalt  }
0x6b: {  	_ =	shalt  }
0x6c: {  	_ =	shalt  }
0x6d: {  	_ =	shalt  }
0x6e: {  	_ =	shalt  }
0x6f: {  	_ =	shalt  }
0x70: {  	_ =	shalt  }
0x71: {  	_ =	shalt  }
0x72: {  	_ =	shalt  }
0x73: {  	_ =	shalt  }
0x74: {  	_ =	shalt  }
0x75: {  	_ =	shalt  }
0x76: {  	_ =	shalt  }
0x77: {  	_ =	shalt  }
0x78: {  	_ =	shalt  }
0x79: {  	_ =	shalt  }
0x7a: {  	_ =	shalt  }
0x7b: {  	_ =	shalt  }
0x7c: {  	_ =	shalt  }
0x7d: {  	_ =	shalt  }
0x7e: {  	_ =	shalt  }
0x7f: {  	_ =	shalt  }
0x80: {  	_ =	shalt  }
0x81: {  	_ =	shalt  }
0x82: {  	_ =	shalt  }
0x83: {  	_ =	shalt  }
0x84: {  	_ =	shalt  }
0x85: {  	_ =	shalt  }
0x86: {  	_ =	shalt  }
0x87: {  	_ =	shalt  }
.Lfunc_end0:
.L_simem_size_0:
called_computation.2_lowered:
.L_overlay_start_0:
0x88: {  	s2 =	sld [smem:$0x3FD9]  }
0x89: {  	s3 =	sld [smem:$0x3FFE];
	_ =	sdelay $0x1  }
0x8a: {  	s1 =	srdreg.scid  }
0x8b: {  	s0 =	sand.u32 $0x1, s1  }
0x8c: {  	s17 =	sshll.u32 s0, $0xA;
	s2 =	sadd.s32 s3, s2  }
0x8d: {  	s2 =	sadd.s32 s2, s17  }
0x8e: {  	[smem:$0x3FC0] =	sst s2  }
0x8f: {  	_ = 	snop  }
0x90: {  	s2 =	sld [smem:$0x3FD0];
	(tm) =	ssettm $0x1  }
0x91: {  	s18 =	sld [smem:$0x3FFB];
	_ =	sdelay $0x3  }
0x92: {  	_ =	strace s18  }
0x93: {  	s3 =	sld [smem:$0x3FFC];
	_ =	sdelay $0x3  }
0x94: {  	_ =	strace s3  }
0x95: {  	s3 =	sld [smem:$0x3FFD];
	_ =	sdelay $0x3  }
0x96: {  	_ =	strace s3  }
0x97: {  	_ =	strace $0x8FFFFFFF  }
0x98: {  	s19 =	sld [smem:$0x3FDB];
	_ =	sdelay $0x1  }
0x99: {  	s4 =	simm.s32 $_scs_section_size  }
0x9a: {  	s5 =	simm.s32 $_size__tile_overlayer_lowered;
	s6 =	simm.s32 $_tile_overlayer_lowered  }
0x9b: {  	s22 =	simm.s32 $0x1BFF;
	s21 =	sshll.u32 s6, $0x1;
	s3 =	sadd.s32 s4, s19  }
0x9c: {  	s7 =	simm.s32 $0x0;
	s20 =	sshll.u32 s5, $0x1;
	s5 =	sadd.s32 s21, s3  }
0x9d: {  	[timem:s7], [sflag:s22] =	dma.local [hbm:s5], s20  }
0x9e: {  	_ =	swait.ge [sflag:s22], s20  }
0x9f: {  	s4 =	ssub.s32 $0x0, s20;
	[sflag:s22] =	ssyncset.done $0x0  }
0xa0: {  	[sflag:s22] =	ssyncadd.s32 s4;
	_ =	sdelay $0x1  }
0xa1: {  	s23 =	simm.s32 $0x1B8B  }
0xa2: {  	_ =	swait.ge [sflag:s23], $0x1  }
0xa3: {  	[sflag:s23] =	ssyncset.done $0x0  }
0xa4: {  	s25 =	simm.s32 $0x1B8E;
	s24 =	sld [smem:$0x3FFE];
	[sflag:s23] =	ssyncadd.s32 $0xFFFFFFFF  }
0xa5: {  	s26 =	simm.s32 $execute0_lowered;
	[smem:$0x3FD2] =	sst s25  }
0xa6: {  	s5 =	sshll.u32 s26, $0x1;
	_ =	strace $0x8000004C;
	[dreg:$0x1] =	wrdreg $0xFFFFFFFF  }
0xa7: {  	s28 =	simm.s32 $_size_execute0_lowered;
	s3 =	sadd.s32 s3, s5;
	[dreg:$0x0] =	wrdreg $0x0  }
0xa8: {  	s5 =	sshll.u32 s28, $0x1;
	[dreg:$0x2] =	wrdreg s3  }
0xa9: {  	[dreg:$0x3] =	wrdreg s5  }
0xaa: {  	[dreg:$0x4] =	wrdreg $0xC0  }
0xab: {  	_ =	task [dreg:s7], $0x5FFFF  }
0xac: {  	[dreg:$0x1] =	wrdreg $0xFFFFFFFF  }
0xad: {  	[dreg:$0x0] =	wrdreg $0x60  }
0xae: {  	[dreg:$0x2] =	wrdreg s2  }
0xaf: {  	[dreg:$0x3] =	wrdreg s24  }
0xb0: {  	[dreg:$0x4] =	wrdreg $0xBA000  }
0xb1: {  	[dreg:$0x5] =	wrdreg $0x9  }
0xb2: {  	_ =	task.clear_ibuf [dreg:s7], $0x6FFFF;
	_ =	strace $0x9000004C  }
0xb3: {  	s29 =	simm.s32 $0x9;
	_ =	strace $0x8000004E  }
0xb4: {  	_ =	swait.ge [sflag:s29], $0x1  }
0xb5: {  	[sflag:s29] =	ssyncadd.s32 $0xFFFFFFFF  }
0xb6: {  	_ =	strace $0x9000004E  }
0xb7: {  	_ =	sfence  }
0xb8: {  	s30 =	sld [smem:$0x0];
	_ =	sdelay $0x2  }
0xb9: {  	s31 =	sshll.u32 s1, $0xD;
	s1 =	sshrl.u32 s1, $0x2  }
0xba: {  	s3 =	sand.u32 $0x4000, s31;
	s1 =	sadd.s32 s1, s30  }
0xbb: {  	s0 =	sor.u32 s3, s0;
	s1 =	sshll.u32 s1, $0x11  }
0xbc: {  	s0 =	sor.u32 s1, s0  }
0xbd: {  	s0 =	sadd.s32 $0x8F2B, s0  }
0xbe: {  	[sflag:s0] =	ssyncadd.remote.s32 $0x1  }
0xbf: {  	_ =	sfence.sel $0xFFFF  }
0xc0: {  	[dreg:$0x0] =	wrdreg $0xFFFFFFFF;
	(pc) =	sbr.abs _section_cstart, $3  }
0xc1: {  	[dreg:$0x1] =	wrdreg $0xFFFFFFFF  }
0xc2: {  	_ =	task.clear_ibuf [dreg:s7], $0x2FFFF;
	_ =	strace $0x9FFFFFFF  }
0xc3: {  	(tm) =	ssettm $0x7FFFFFFF  }
tec
execute0_lowered:
.L_overlay_start_1:
0x0: {  	(tag) =	ssettag $0x1  }
0x1: {  	s0 =	rddreg [dreg:$0x0]  }
0x2: {  	s2 =	rddreg [dreg:$0x1];
	s16 =	stileid.u32  }
0x3: {  	s1 =	rddreg [dreg:$0x2];
	s4 =	simm.s32 $0x0;
	s3 =	smul.u32 $0x540, s16  }
0x4: {  	s5 =	srdreg.scid;
	s28 =	simm.s32 $0x1;
	s17 =	smul.u32 $0x3000, s16  }
0x5: {  	s29 =	simm.s32 $0x3;
	s30 =	simm.s32 $0x2;
	s6 =	smul.u32 $0x4F000, s16  }
0x6: {  	s31 =	simm.s32 $0x4;
	[smem:$0x7FF] =	sst s4;
	s13 =	smul.u32 $0x13800, s16  }
0x7: {  	s18 =	sand.u32 $0x1, s5;
	s15 =	smul.u32 $0x4E000, s16;
	s23 =	sadd.s32 $0x138000, s1  }
0x8: {  	p0 =	sne.s32 s16, $0x0;
	_ =	strace $0x8000004D;
	s5 =	ssub.s32 $0x2, s18  }
0x9: {  	s12 =	smul.u32 $0x271000, s18;
	[dreg:$0x8] =	wrdreg s23;
	s23 =	simm.s32 $0x3A00  }
0xa: {  	s3 =	sadd.s32 s3, s2;
	s4 =	sshrl.u32 s17, $0x3;
	s6 =	sshrl.u32 s6, $0x2  }
0xb: {  	s7 =	sshrl.u32 s5, $0x1;
	s20 =	sshrl.u32 s15, $0x2;
	s17 =	simm.s32 $0x2980  }
0xc: {  	s11 =	sadd.s32 s4, s2;
	s2 =	sadd.s32 $0x16E00, s2;
	s4 =	sadd.s32 s6, s1  }
0xd: {  	s5 =	ssub.s32 s5, s7;
	s3 =	sadd.s32 $0x11A00, s3;
	s19 =	sadd.s32 s13, s12  }
0xe: {  	s14 =	sshrl.u32 s12, $0x3;
	s12 =	sadd.s32 $0x138800, s12;
	[dreg:$0x4] =	wrdreg s3  }
0xf: {  	s6 =	sadd.s32 $0x4000, s4;
	s7 =	sadd.s32 $0x8000, s4;
	s8 =	sadd.s32 $0xC000, s4  }
0x10: {  	s3 =	sshrl.u32 s19, $0x3;
	s9 =	sadd.s32 $0x10000, s4;
	s10 =	sadd.s32 s0, s14  }
0x11: {  	s14 =	sadd.s32 s2, s14;
	s22 =	sadd.s32 s13, s12;
	s12 =	sshrl.u32 s12, $0x3  }
0x12: {  	s26 =	smax.u32 s5, $0x1;
	s19 =	sadd.s32 $0xBA00, s11;
	s5 =	simm.s32 $0x0  }
0x13: {  	s3 =	sadd.s32 s2, s3;
	s21 =	sadd.s32 $0x27000, s14;
	[dreg:$0xb] =	wrdreg s26  }
0x14: {  	s15 =	sadd.s32 s0, s12;
	s25 =	sadd.s32 $0x4E100, s14;
	[dreg:$0x5] =	wrdreg s3  }
0x15: {  	s26 =	simm.s32 $0x7A00;
	s3 =	sadd.s32 s20, s1;
	[dreg:$0x7] =	wrdreg s21  }
0x16: {  	[dreg:$0xa] =	wrdreg s25;
	s20 =	sadd.s32 $0xBC00, s11;
	s21 =	sadd.s32 $0xBE00, s11  }
0x17: {  	s25 =	simm.s32 $0x2A00;
	[dreg:$0x6] =	wrdreg s3;
	s3 =	sshrl.u32 s22, $0x3  }
0x18: {  	s22 =	simm.s32 $0x5;
	s24 =	sadd.s32 s2, s3;
	s3 =	simm.s32 $0x3700  }
0x19: {  	v0 =	vimm.f32 $0.0e+00;
	s2 =	simm.s32 $0x3780;
	[dreg:$0x9] =	wrdreg s24;
	s24 =	simm.s32 $0x80  }
.LBB2_1:
0x1a: {  	s0 =	simm.s32 $0x0;
	s11 =	rddreg [dreg:$0x4]  }
0x1b: {  	[tilespmem:s0], [sflag:$0x5] =	stream.linear.gather [hbm4b:s11+s0], $0x2A00, $0x38;
	[tilespmem:$0x1F600] =	vst v63  }
0x1c: {  	_ =	swait.ge [sflag:s22], $0x2A00  }
0x1d: {  	[sflag:s22] =	ssyncset.done $0x0  }
0x1e: {  	s12 =	simm.s32 $0x200;
	s11 =	simm.s32 $0x0;
	[sflag:s22] =	ssyncadd.s32 $0xFFFFD600  }
.LBB2_2:
0x1f: {  	p1 =	sne.s32 s12, $0xFE00;
	[tilespmem:s11+$0x3A70] =	vst v0  }
0x20: {  	[tilespmem:s11+$0x3A00] =	vst v0  }
0x21: {  	[tilespmem:s11+$0x3A10] =	vst v0  }
.Ltmp0:
0x22: {  	[tilespmem:s11+$0x3A20] =	vst v0;
	(pc) =	sbr.rel @p1 .LBB2_2-.Ltmp0, $4  }
0x23: {  	[tilespmem:s11+$0x3A30] =	vst v0  }
0x24: {  	[tilespmem:s11+$0x3A40] =	vst v0  }
0x25: {  	[tilespmem:s11+$0x3A50] =	vst v0  }
0x26: {  	[tilespmem:s11+$0x3A60] =	vst v0;
	s11 =	sshra.s32 s12, $0x2;
	s12 =	sadd.s32 $0x200, s12  }
0x27: {  	[tilespmem:s11+$0x3A70] =	vst v0  }
0x28: {  	[tilespmem:s11+$0x3A00] =	vst v0  }
0x29: {  	[tilespmem:s11+$0x3A10] =	vst v0  }
0x2a: {  	[tilespmem:s11+$0x3A20] =	vst v0  }
0x2b: {  	[tilespmem:s11+$0x3A30] =	vst v0  }
0x2c: {  	[tilespmem:s11+$0x3A40] =	vst v0  }
0x2d: {  	[tilespmem:s11+$0x3A50] =	vst v0  }
0x2e: {  	[tilespmem:s11+$0x3A60] =	vst v0  }
0x2f: {  	[spmem:s4] =	stream.linear.scatter [tilespmem:s23], [sflag:$0x5], $0x4000, $0x38;
	[tilespmem:$0x1F600] =	vst v63  }
0x30: {  	_ =	swait.ge [sflag:s22], $0x4000  }
0x31: {  	[sflag:s22] =	ssyncset.done $0x0  }
0x32: {  	[sflag:s22] =	ssyncadd.s32 $0xFFFFC000  }
0x33: {  	[spmem:s6] =	stream.linear.scatter [tilespmem:s23], [sflag:$0x5], $0x4000, $0x38;
	[tilespmem:$0x1F600] =	vst v63  }
0x34: {  	_ =	swait.ge [sflag:s22], $0x4000  }
0x35: {  	[sflag:s22] =	ssyncset.done $0x0  }
0x36: {  	[sflag:s22] =	ssyncadd.s32 $0xFFFFC000  }
0x37: {  	[spmem:s7] =	stream.linear.scatter [tilespmem:s23], [sflag:$0x5], $0x4000, $0x38;
	[tilespmem:$0x1F600] =	vst v63  }
0x38: {  	_ =	swait.ge [sflag:s22], $0x4000  }
0x39: {  	[sflag:s22] =	ssyncset.done $0x0  }
0x3a: {  	[sflag:s22] =	ssyncadd.s32 $0xFFFFC000  }
0x3b: {  	[spmem:s8] =	stream.linear.scatter [tilespmem:s23], [sflag:$0x5], $0x4000, $0x38;
	[tilespmem:$0x1F600] =	vst v63  }
0x3c: {  	_ =	swait.ge [sflag:s22], $0x4000  }
0x3d: {  	[sflag:s22] =	ssyncset.done $0x0  }
0x3e: {  	[sflag:s22] =	ssyncadd.s32 $0xFFFFC000  }
0x3f: {  	[spmem:s9] =	stream.linear.scatter [tilespmem:s23], [sflag:$0x5], $0x3C00, $0x38;
	[tilespmem:$0x1F600] =	vst v63  }
0x40: {  	_ =	swait.ge [sflag:s22], $0x3C00  }
0x41: {  	[sflag:s22] =	ssyncset.done $0x0  }
0x42: {  	[sflag:s22] =	ssyncadd.s32 $0xFFFFC400  }
0x43: {  	s12 =	simm.s32 $0x0;
	[bflag:$0x0] =	sbarrier.arrive $0xFFFF  }
0x44: {  	[tilespmem:s23], [sflag:$0x1] =	stream.indirect.gather [hbm4b:s10+s24], $0x80, s12, s24, $0xb8;
	[tilespmem:$0x1F600] =	vst v63  }
0x45: {  	_ = 	snop  }
0x46: {  	[tilespmem:s25], [sflag:$0x5] =	stream.linear.gather [hbm4b:s19+s12], $0xE00, $0x38;
	[tilespmem:$0x1F600] =	vst v63  }
0x47: {  	_ =	swait.ge [sflag:s22], $0xE00  }
0x48: {  	[sflag:s22] =	ssyncset.done $0x0  }
0x49: {  	s13 =	simm.s32 $0x80;
	[sflag:s22] =	ssyncadd.s32 $0xFFFFF200  }
0x4a: {  	[tilespmem:s26], [sflag:$0x2] =	stream.indirect.gather [hbm4b:s10+s24], $0x80, s13, s24, $0xb8;
	[tilespmem:$0x1F600] =	vst v63  }
0x4b: {  	_ =	swait.ge [sflag:s28], $0x4000  }
0x4c: {  	[sflag:s28] =	ssyncset.done $0x0  }
0x4d: {  	s14 =	simm.s32 $0x2A00;
	[sflag:s28] =	ssyncadd.s32 $0xFFFFC000  }
0x4e: {  	[spmem:s1] =	stream.indirect.scatter.add.f32 [tilespmem:s23], [sflag:$0x3], $0x80, s14, s24, $0xb8;
	[tilespmem:$0x1F600] =	vst v63  }
0x4f: {  	_ =	swait.ge [sflag:s29], $0x4000  }
0x50: {  	[sflag:s29] =	ssyncset.done $0x0  }
0x51: {  	s16 =	simm.s32 $0x100;
	[sflag:s29] =	ssyncadd.s32 $0xFFFFC000  }
0x52: {  	[tilespmem:s23], [sflag:$0x1] =	stream.indirect.gather [hbm4b:s10+s24], $0x80, s16, s24, $0xb8;
	[tilespmem:$0x1F600] =	vst v63  }
0x53: {  	_ =	swait.ge [sflag:s30], $0x4000  }
0x54: {  	[sflag:s30] =	ssyncset.done $0x0  }
0x55: {  	s18 =	simm.s32 $0x2A80;
	[sflag:s30] =	ssyncadd.s32 $0xFFFFC000  }
0x56: {  	[spmem:s1] =	stream.indirect.scatter.add.f32 [tilespmem:s26], [sflag:$0x4], $0x80, s18, s24, $0xb8;
	[tilespmem:$0x1F600] =	vst v63  }
0x57: {  	_ =	swait.ge [sflag:s31], $0x4000  }
0x58: {  	s11 =	simm.s32 $0x100;
	s12 =	simm.s32 $0x800;
	[sflag:s31] =	ssyncset.done $0x0  }
.LBB2_4:
0x59: {  	s13 =	sadd.s32 $0x80, s11  }
0x5a: {  	[sflag:s31] =	ssyncadd.s32 $0xFFFFC000;
	s14 =	smov.u32 s12;
	s16 =	sadd.s32 $0x400, s12  }
0x5b: {  	[tilespmem:s26], [sflag:$0x2] =	stream.indirect.gather [hbm4b:s10+s24], $0x80, s13, s24, $0xb8;
	[tilespmem:$0x1F600] =	vst v63  }
0x5c: {  	p1 =	sne.s32 s12, $0x3400;
	_ =	swait.ge [sflag:s28], $0x4000  }
0x5d: {  	[sflag:s28] =	ssyncset.done $0x0  }
0x5e: {  	s12 =	sadd.s32 $0x2A00, s11;
	[sflag:s28] =	ssyncadd.s32 $0xFFFFC000  }
0x5f: {  	[spmem:s1] =	stream.indirect.scatter.add.f32 [tilespmem:s23], [sflag:$0x3], $0x80, s12, s24, $0xb8;
	[tilespmem:$0x1F600] =	vst v63  }
0x60: {  	_ =	swait.ge [sflag:s29], $0x4000  }
0x61: {  	[sflag:s29] =	ssyncset.done $0x0  }
0x62: {  	s12 =	sadd.s32 $0x100, s11;
	[sflag:s29] =	ssyncadd.s32 $0xFFFFC000  }
0x63: {  	[tilespmem:s23], [sflag:$0x1] =	stream.indirect.gather [hbm4b:s10+s24], $0x80, s12, s24, $0xb8;
	[tilespmem:$0x1F600] =	vst v63  }
0x64: {  	_ =	swait.ge [sflag:s30], $0x4000  }
.Ltmp1:
0x65: {  	[sflag:s30] =	ssyncset.done $0x0;
	(pc) =	sbr.rel @p1 .LBB2_4-.Ltmp1, $4  }
0x66: {  	s11 =	sadd.s32 $0x2A80, s11;
	[sflag:s30] =	ssyncadd.s32 $0xFFFFC000  }
0x67: {  	[spmem:s1] =	stream.indirect.scatter.add.f32 [tilespmem:s26], [sflag:$0x4], $0x80, s11, s24, $0xb8;
	[tilespmem:$0x1F600] =	vst v63  }
0x68: {  	_ =	swait.ge [sflag:s31], $0x4000  }
0x69: {  	s12 =	smov.u32 s16;
	s11 =	sshra.s32 s14, $0x2;
	[sflag:s31] =	ssyncset.done $0x0  }
0x6a: {  	s12 =	sadd.s32 $0x80, s11;
	[sflag:s31] =	ssyncadd.s32 $0xFFFFC000  }
0x6b: {  	[tilespmem:s26], [sflag:$0x2] =	stream.indirect.gather [hbm4b:s10+s24], $0x80, s12, s24, $0xb8;
	[tilespmem:$0x1F600] =	vst v63  }
0x6c: {  	_ =	swait.ge [sflag:s28], $0x4000  }
0x6d: {  	[sflag:s28] =	ssyncset.done $0x0  }
0x6e: {  	s16 =	sadd.s32 $0x2A00, s11;
	[sflag:s28] =	ssyncadd.s32 $0xFFFFC000  }
0x6f: {  	[spmem:s1] =	stream.indirect.scatter.add.f32 [tilespmem:s23], [sflag:$0x3], $0x80, s16, s24, $0xb8;
	[tilespmem:$0x1F600] =	vst v63  }
0x70: {  	_ =	swait.ge [sflag:s29], $0x4000  }
0x71: {  	[sflag:s29] =	ssyncset.done $0x0  }
0x72: {  	s18 =	sadd.s32 $0x100, s11;
	[sflag:s29] =	ssyncadd.s32 $0xFFFFC000  }
0x73: {  	[tilespmem:s23], [sflag:$0x1] =	stream.indirect.gather [hbm4b:s10+s24], $0x80, s18, s24, $0xb8;
	[tilespmem:$0x1F600] =	vst v63  }
0x74: {  	_ =	swait.ge [sflag:s30], $0x4000  }
0x75: {  	[sflag:s30] =	ssyncset.done $0x0  }
0x76: {  	s0 =	sadd.s32 $0x2A80, s11;
	[sflag:s30] =	ssyncadd.s32 $0xFFFFC000  }
0x77: {  	[spmem:s1] =	stream.indirect.scatter.add.f32 [tilespmem:s26], [sflag:$0x4], $0x80, s0, s24, $0xb8;
	[tilespmem:$0x1F600] =	vst v63  }
0x78: {  	_ =	swait.ge [sflag:s31], $0x4000  }
0x79: {  	[sflag:s31] =	ssyncset.done $0x0  }
0x7a: {  	s12 =	simm.s32 $0x0;
	[sflag:s31] =	ssyncadd.s32 $0xFFFFC000  }
0x7b: {  	[tilespmem:s25], [sflag:$0x5] =	stream.linear.gather [hbm4b:s20+s12], $0xE00, $0x38;
	[tilespmem:$0x1F600] =	vst v63  }
0x7c: {  	_ =	swait.ge [sflag:s22], $0xE00  }
0x7d: {  	[sflag:s22] =	ssyncset.done $0x0  }
0x7e: {  	s13 =	simm.s32 $0xE80;
	[sflag:s22] =	ssyncadd.s32 $0xFFFFF200  }
0x7f: {  	[tilespmem:s26], [sflag:$0x2] =	stream.indirect.gather [hbm4b:s10+s24], $0x80, s13, s24, $0xb8;
	[tilespmem:$0x1F600] =	vst v63  }
0x80: {  	_ =	swait.ge [sflag:s28], $0x4000  }
0x81: {  	[sflag:s28] =	ssyncset.done $0x0  }
0x82: {  	s14 =	simm.s32 $0x2A00;
	[sflag:s28] =	ssyncadd.s32 $0xFFFFC000  }
0x83: {  	[spmem:s1] =	stream.indirect.scatter.add.f32 [tilespmem:s23], [sflag:$0x3], $0x80, s14, s24, $0xb8;
	[tilespmem:$0x1F600] =	vst v63  }
0x84: {  	_ =	swait.ge [sflag:s29], $0x4000  }
0x85: {  	[sflag:s29] =	ssyncset.done $0x0  }
0x86: {  	s16 =	simm.s32 $0xF00;
	[sflag:s29] =	ssyncadd.s32 $0xFFFFC000  }
0x87: {  	[tilespmem:s23], [sflag:$0x1] =	stream.indirect.gather [hbm4b:s10+s24], $0x80, s16, s24, $0xb8;
	[tilespmem:$0x1F600] =	vst v63  }
0x88: {  	_ =	swait.ge [sflag:s30], $0x4000  }
0x89: {  	[sflag:s30] =	ssyncset.done $0x0  }
0x8a: {  	s18 =	simm.s32 $0x2A80;
	[sflag:s30] =	ssyncadd.s32 $0xFFFFC000  }
0x8b: {  	[spmem:s1] =	stream.indirect.scatter.add.f32 [tilespmem:s26], [sflag:$0x4], $0x80, s18, s24, $0xb8;
	[tilespmem:$0x1F600] =	vst v63  }
0x8c: {  	_ =	swait.ge [sflag:s31], $0x4000  }
0x8d: {  	s11 =	simm.s32 $0x100;
	s12 =	simm.s32 $0x800;
	[sflag:s31] =	ssyncset.done $0x0  }
.LBB2_6:
0x8e: {  	s13 =	sadd.s32 $0xE80, s11  }
0x8f: {  	[sflag:s31] =	ssyncadd.s32 $0xFFFFC000;
	s14 =	smov.u32 s12;
	s16 =	sadd.s32 $0x400, s12  }
0x90: {  	[tilespmem:s26], [sflag:$0x2] =	stream.indirect.gather [hbm4b:s10+s24], $0x80, s13, s24, $0xb8;
	[tilespmem:$0x1F600] =	vst v63  }
0x91: {  	p1 =	sne.s32 s12, $0x3400;
	_ =	swait.ge [sflag:s28], $0x4000  }
0x92: {  	[sflag:s28] =	ssyncset.done $0x0  }
0x93: {  	s12 =	sadd.s32 $0x2A00, s11;
	[sflag:s28] =	ssyncadd.s32 $0xFFFFC000  }
0x94: {  	[spmem:s1] =	stream.indirect.scatter.add.f32 [tilespmem:s23], [sflag:$0x3], $0x80, s12, s24, $0xb8;
	[tilespmem:$0x1F600] =	vst v63  }
0x95: {  	_ =	swait.ge [sflag:s29], $0x4000  }
0x96: {  	[sflag:s29] =	ssyncset.done $0x0  }
0x97: {  	s12 =	sadd.s32 $0xF00, s11;
	[sflag:s29] =	ssyncadd.s32 $0xFFFFC000  }
0x98: {  	[tilespmem:s23], [sflag:$0x1] =	stream.indirect.gather [hbm4b:s10+s24], $0x80, s12, s24, $0xb8;
	[tilespmem:$0x1F600] =	vst v63  }
0x99: {  	_ =	swait.ge [sflag:s30], $0x4000  }
.Ltmp2:
0x9a: {  	[sflag:s30] =	ssyncset.done $0x0;
	(pc) =	sbr.rel @p1 .LBB2_6-.Ltmp2, $4  }
0x9b: {  	s11 =	sadd.s32 $0x2A80, s11;
	[sflag:s30] =	ssyncadd.s32 $0xFFFFC000  }
0x9c: {  	[spmem:s1] =	stream.indirect.scatter.add.f32 [tilespmem:s26], [sflag:$0x4], $0x80, s11, s24, $0xb8;
	[tilespmem:$0x1F600] =	vst v63  }
0x9d: {  	_ =	swait.ge [sflag:s31], $0x4000  }
0x9e: {  	s12 =	smov.u32 s16;
	s11 =	sshra.s32 s14, $0x2;
	[sflag:s31] =	ssyncset.done $0x0  }
0x9f: {  	s12 =	sadd.s32 $0xE80, s11;
	[sflag:s31] =	ssyncadd.s32 $0xFFFFC000  }
0xa0: {  	[tilespmem:s26], [sflag:$0x2] =	stream.indirect.gather [hbm4b:s10+s24], $0x80, s12, s24, $0xb8;
	[tilespmem:$0x1F600] =	vst v63  }
0xa1: {  	_ =	swait.ge [sflag:s28], $0x4000  }
0xa2: {  	[sflag:s28] =	ssyncset.done $0x0  }
0xa3: {  	s16 =	sadd.s32 $0x2A00, s11;
	[sflag:s28] =	ssyncadd.s32 $0xFFFFC000  }
0xa4: {  	[spmem:s1] =	stream.indirect.scatter.add.f32 [tilespmem:s23], [sflag:$0x3], $0x80, s16, s24, $0xb8;
	[tilespmem:$0x1F600] =	vst v63  }
0xa5: {  	_ =	swait.ge [sflag:s29], $0x4000  }
0xa6: {  	[sflag:s29] =	ssyncset.done $0x0  }
0xa7: {  	s18 =	sadd.s32 $0xF00, s11;
	[sflag:s29] =	ssyncadd.s32 $0xFFFFC000  }
0xa8: {  	[tilespmem:s23], [sflag:$0x1] =	stream.indirect.gather [hbm4b:s10+s24], $0x80, s18, s24, $0xb8;
	[tilespmem:$0x1F600] =	vst v63  }
0xa9: {  	_ =	swait.ge [sflag:s30], $0x4000  }
0xaa: {  	[sflag:s30] =	ssyncset.done $0x0  }
0xab: {  	s0 =	sadd.s32 $0x2A80, s11;
	[sflag:s30] =	ssyncadd.s32 $0xFFFFC000  }
0xac: {  	[spmem:s1] =	stream.indirect.scatter.add.f32 [tilespmem:s26], [sflag:$0x4], $0x80, s0, s24, $0xb8;
	[tilespmem:$0x1F600] =	vst v63  }
0xad: {  	_ =	swait.ge [sflag:s31], $0x4000  }
0xae: {  	[sflag:s31] =	ssyncset.done $0x0  }
0xaf: {  	s12 =	simm.s32 $0x0;
	[sflag:s31] =	ssyncadd.s32 $0xFFFFC000  }
0xb0: {  	[tilespmem:s25], [sflag:$0x5] =	stream.linear.gather [hbm4b:s21+s12], $0xE00, $0x38;
	[tilespmem:$0x1F600] =	vst v63  }
0xb1: {  	_ =	swait.ge [sflag:s22], $0xE00  }
0xb2: {  	[sflag:s22] =	ssyncset.done $0x0  }
0xb3: {  	s13 =	simm.s32 $0x1C80;
	[sflag:s22] =	ssyncadd.s32 $0xFFFFF200  }
0xb4: {  	[tilespmem:s26], [sflag:$0x2] =	stream.indirect.gather [hbm4b:s10+s24], $0x80, s13, s24, $0xb8;
	[tilespmem:$0x1F600] =	vst v63  }
0xb5: {  	_ =	swait.ge [sflag:s28], $0x4000  }
0xb6: {  	[sflag:s28] =	ssyncset.done $0x0  }
0xb7: {  	s14 =	simm.s32 $0x2A00;
	[sflag:s28] =	ssyncadd.s32 $0xFFFFC000  }
0xb8: {  	[spmem:s1] =	stream.indirect.scatter.add.f32 [tilespmem:s23], [sflag:$0x3], $0x80, s14, s24, $0xb8;
	[tilespmem:$0x1F600] =	vst v63  }
0xb9: {  	_ =	swait.ge [sflag:s29], $0x4000  }
0xba: {  	[sflag:s29] =	ssyncset.done $0x0  }
0xbb: {  	s16 =	simm.s32 $0x1D00;
	[sflag:s29] =	ssyncadd.s32 $0xFFFFC000  }
0xbc: {  	[tilespmem:s23], [sflag:$0x1] =	stream.indirect.gather [hbm4b:s10+s24], $0x80, s16, s24, $0xb8;
	[tilespmem:$0x1F600] =	vst v63  }
0xbd: {  	_ =	swait.ge [sflag:s30], $0x4000  }
0xbe: {  	[sflag:s30] =	ssyncset.done $0x0  }
0xbf: {  	s18 =	simm.s32 $0x2A80;
	[sflag:s30] =	ssyncadd.s32 $0xFFFFC000  }
0xc0: {  	[spmem:s1] =	stream.indirect.scatter.add.f32 [tilespmem:s26], [sflag:$0x4], $0x80, s18, s24, $0xb8;
	[tilespmem:$0x1F600] =	vst v63  }
0xc1: {  	_ =	swait.ge [sflag:s31], $0x4000  }
0xc2: {  	s11 =	simm.s32 $0x100;
	s12 =	simm.s32 $0x800;
	[sflag:s31] =	ssyncset.done $0x0  }
.LBB2_8:
0xc3: {  	s13 =	sadd.s32 $0x1C80, s11  }
0xc4: {  	[sflag:s31] =	ssyncadd.s32 $0xFFFFC000;
	s14 =	smov.u32 s12;
	s16 =	sadd.s32 $0x400, s12  }
0xc5: {  	[tilespmem:s26], [sflag:$0x2] =	stream.indirect.gather [hbm4b:s10+s24], $0x80, s13, s24, $0xb8;
	[tilespmem:$0x1F600] =	vst v63  }
0xc6: {  	p1 =	sne.s32 s12, $0x3000;
	_ =	swait.ge [sflag:s28], $0x4000  }
0xc7: {  	[sflag:s28] =	ssyncset.done $0x0  }
0xc8: {  	s12 =	sadd.s32 $0x2A00, s11;
	[sflag:s28] =	ssyncadd.s32 $0xFFFFC000  }
0xc9: {  	[spmem:s1] =	stream.indirect.scatter.add.f32 [tilespmem:s23], [sflag:$0x3], $0x80, s12, s24, $0xb8;
	[tilespmem:$0x1F600] =	vst v63  }
0xca: {  	_ =	swait.ge [sflag:s29], $0x4000  }
0xcb: {  	[sflag:s29] =	ssyncset.done $0x0  }
0xcc: {  	s12 =	sadd.s32 $0x1D00, s11;
	[sflag:s29] =	ssyncadd.s32 $0xFFFFC000  }
0xcd: {  	[tilespmem:s23], [sflag:$0x1] =	stream.indirect.gather [hbm4b:s10+s24], $0x80, s12, s24, $0xb8;
	[tilespmem:$0x1F600] =	vst v63  }
0xce: {  	_ =	swait.ge [sflag:s30], $0x4000  }
.Ltmp3:
0xcf: {  	[sflag:s30] =	ssyncset.done $0x0;
	(pc) =	sbr.rel @p1 .LBB2_8-.Ltmp3, $4  }
0xd0: {  	s11 =	sadd.s32 $0x2A80, s11;
	[sflag:s30] =	ssyncadd.s32 $0xFFFFC000  }
0xd1: {  	[spmem:s1] =	stream.indirect.scatter.add.f32 [tilespmem:s26], [sflag:$0x4], $0x80, s11, s24, $0xb8;
	[tilespmem:$0x1F600] =	vst v63  }
0xd2: {  	_ =	swait.ge [sflag:s31], $0x4000  }
0xd3: {  	s12 =	smov.u32 s16;
	s11 =	sshra.s32 s14, $0x2;
	[sflag:s31] =	ssyncset.done $0x0  }
0xd4: {  	s12 =	sadd.s32 $0x1C80, s11;
	[sflag:s31] =	ssyncadd.s32 $0xFFFFC000  }
0xd5: {  	[tilespmem:s26], [sflag:$0x2] =	stream.indirect.gather [hbm4b:s10+s24], $0x80, s12, s24, $0xb8;
	[tilespmem:$0x1F600] =	vst v63  }
0xd6: {  	_ =	swait.ge [sflag:s28], $0x4000  }
0xd7: {  	[sflag:s28] =	ssyncset.done $0x0  }
0xd8: {  	s0 =	sadd.s32 $0x2A00, s11;
	[sflag:s28] =	ssyncadd.s32 $0xFFFFC000  }
0xd9: {  	[spmem:s1] =	stream.indirect.scatter.add.f32 [tilespmem:s23], [sflag:$0x3], $0x80, s0, s24, $0xb8;
	[tilespmem:$0x1F600] =	vst v63  }
0xda: {  	_ =	swait.ge [sflag:s29], $0x4000  }
0xdb: {  	[sflag:s29] =	ssyncset.done $0x0  }
0xdc: {  	s13 =	sadd.s32 $0x1D00, s11;
	[sflag:s29] =	ssyncadd.s32 $0xFFFFC000  }
0xdd: {  	[tilespmem:s23], [sflag:$0x1] =	stream.indirect.gather [hbm4b:s10+s24], $0x80, s13, s24, $0xb8;
	[tilespmem:$0x1F600] =	vst v63  }
0xde: {  	_ =	swait.ge [sflag:s30], $0x4000  }
0xdf: {  	[sflag:s30] =	ssyncset.done $0x0  }
0xe0: {  	s14 =	sadd.s32 $0x2A80, s11;
	[sflag:s30] =	ssyncadd.s32 $0xFFFFC000  }
0xe1: {  	[spmem:s1] =	stream.indirect.scatter.add.f32 [tilespmem:s26], [sflag:$0x4], $0x80, s14, s24, $0xb8;
	[tilespmem:$0x1F600] =	vst v63  }
0xe2: {  	_ =	swait.ge [sflag:s31], $0x4000  }
0xe3: {  	[sflag:s31] =	ssyncset.done $0x0  }
0xe4: {  	[sflag:s31] =	ssyncadd.s32 $0xFFFFC000  }
0xe5: {  	[tilespmem:s26], [sflag:$0x2] =	stream.indirect.gather [hbm4b:s10+s24], $0x80, s17, s24, $0xb8;
	[tilespmem:$0x1F600] =	vst v63  }
0xe6: {  	_ =	swait.ge [sflag:s28], $0x4000  }
0xe7: {  	[sflag:s28] =	ssyncset.done $0x0  }
0xe8: {  	[sflag:s28] =	ssyncadd.s32 $0xFFFFC000  }
0xe9: {  	[spmem:s1] =	stream.indirect.scatter.add.f32 [tilespmem:s23], [sflag:$0x3], $0x80, s3, s24, $0xb8;
	[tilespmem:$0x1F600] =	vst v63  }
0xea: {  	_ =	swait.ge [sflag:s29], $0x4000  }
0xeb: {  	[sflag:s29] =	ssyncset.done $0x0  }
0xec: {  	[sflag:s29] =	ssyncadd.s32 $0xFFFFC000  }
0xed: {  	_ =	swait.ge [sflag:s30], $0x4000  }
0xee: {  	[sflag:s30] =	ssyncset.done $0x0  }
0xef: {  	[sflag:s30] =	ssyncadd.s32 $0xFFFFC000  }
0xf0: {  	[spmem:s1] =	stream.indirect.scatter.add.f32 [tilespmem:s26], [sflag:$0x4], $0x80, s2, s24, $0xb8;
	[tilespmem:$0x1F600] =	vst v63  }
0xf1: {  	_ =	swait.ge [sflag:s31], $0x4000  }
0xf2: {  	[sflag:s31] =	ssyncset.done $0x0  }
0xf3: {  	[sflag:s31] =	ssyncadd.s32 $0xFFFFC000  }
0xf4: {  	s0 =	stileid.u32;
	[bflag:$0x0] =	sbarrier.arrive $0xFFFF  }
0xf5: {  	s16 =	sshll.u32 s0, $0x6;
	s17 =	rddreg [dreg:$0x6]  }
0xf6: {  	s11 =	sor.u32 $0x1C05, s16;
	s18 =	rddreg [dreg:$0x5];
	s12 =	sshrl.u32 s17, $0x3  }
0xf7: {  	[hbm:s18], [sflag:s11] =	dma.local [spmem:s12], $0x2700  }
0xf8: {  	_ =	swait.ge [sflag:s22], $0x2700  }
0xf9: {  	s14 =	simm.s32 @!p0 $0x5;
	[sflag:s22] =	ssyncset.done $0x0;
	s0 =	rddreg [dreg:$0x8]  }
0xfa: {  	[sflag:s22] =	ssyncadd.s32 $0xFFFFD900;
	s13 =	sshrl.u32 @!p0 s0, $0x3;
	s0 =	rddreg [dreg:$0x7]  }
0xfb: {  	[hbm:s0], [sflag:s11] =	dma.local @!p0 [spmem:s13], $0x100  }
0xfc: {  	_ =	swait.ge @!p0 [sflag:s14], $0x100  }
0xfd: {  	[sflag:s14] =	ssyncset.done @!p0 $0x0  }
0xfe: {  	[sflag:s14] =	ssyncadd.s32 @!p0 $0xFFFFFF00  }
0xff: {  	s16 =	simm.s32 $0x200;
	s14 =	simm.s32 $0x0;
	[bflag:$0x0] =	sbarrier.arrive $0xFFFF  }
.LBB2_10:
0x100: {  	p1 =	sne.s32 s16, $0xFE00;
	[tilespmem:s14+$0x3A70] =	vst v0  }
0x101: {  	[tilespmem:s14+$0x3A00] =	vst v0  }
0x102: {  	[tilespmem:s14+$0x3A10] =	vst v0  }
.Ltmp4:
0x103: {  	[tilespmem:s14+$0x3A20] =	vst v0;
	(pc) =	sbr.rel @p1 .LBB2_10-.Ltmp4, $4  }
0x104: {  	[tilespmem:s14+$0x3A30] =	vst v0  }
0x105: {  	[tilespmem:s14+$0x3A40] =	vst v0  }
0x106: {  	[tilespmem:s14+$0x3A50] =	vst v0  }
0x107: {  	[tilespmem:s14+$0x3A60] =	vst v0;
	s14 =	sshra.s32 s16, $0x2;
	s16 =	sadd.s32 $0x200, s16  }
0x108: {  	[tilespmem:s14+$0x3A70] =	vst v0  }
0x109: {  	[tilespmem:s14+$0x3A00] =	vst v0  }
0x10a: {  	[tilespmem:s14+$0x3A10] =	vst v0  }
0x10b: {  	[tilespmem:s14+$0x3A20] =	vst v0  }
0x10c: {  	[tilespmem:s14+$0x3A30] =	vst v0  }
0x10d: {  	[tilespmem:s14+$0x3A40] =	vst v0  }
0x10e: {  	[tilespmem:s14+$0x3A50] =	vst v0  }
0x10f: {  	[tilespmem:s14+$0x3A60] =	vst v0  }
0x110: {  	[spmem:s4] =	stream.linear.scatter [tilespmem:s23], [sflag:$0x5], $0x4000, $0x38;
	[tilespmem:$0x1F600] =	vst v63  }
0x111: {  	_ =	swait.ge [sflag:s22], $0x4000  }
0x112: {  	[sflag:s22] =	ssyncset.done $0x0  }
0x113: {  	[sflag:s22] =	ssyncadd.s32 $0xFFFFC000  }
0x114: {  	[spmem:s6] =	stream.linear.scatter [tilespmem:s23], [sflag:$0x5], $0x4000, $0x38;
	[tilespmem:$0x1F600] =	vst v63  }
0x115: {  	_ =	swait.ge [sflag:s22], $0x4000  }
0x116: {  	[sflag:s22] =	ssyncset.done $0x0  }
0x117: {  	[sflag:s22] =	ssyncadd.s32 $0xFFFFC000  }
0x118: {  	[spmem:s7] =	stream.linear.scatter [tilespmem:s23], [sflag:$0x5], $0x4000, $0x38;
	[tilespmem:$0x1F600] =	vst v63  }
0x119: {  	_ =	swait.ge [sflag:s22], $0x4000  }
0x11a: {  	[sflag:s22] =	ssyncset.done $0x0  }
0x11b: {  	[sflag:s22] =	ssyncadd.s32 $0xFFFFC000  }
0x11c: {  	[spmem:s8] =	stream.linear.scatter [tilespmem:s23], [sflag:$0x5], $0x4000, $0x38;
	[tilespmem:$0x1F600] =	vst v63  }
0x11d: {  	_ =	swait.ge [sflag:s22], $0x4000  }
0x11e: {  	[sflag:s22] =	ssyncset.done $0x0  }
0x11f: {  	[sflag:s22] =	ssyncadd.s32 $0xFFFFC000  }
0x120: {  	[spmem:s9] =	stream.linear.scatter [tilespmem:s23], [sflag:$0x5], $0x3C00, $0x38;
	[tilespmem:$0x1F600] =	vst v63  }
0x121: {  	_ =	swait.ge [sflag:s22], $0x3C00  }
0x122: {  	[sflag:s22] =	ssyncset.done $0x0  }
0x123: {  	[sflag:s22] =	ssyncadd.s32 $0xFFFFC400  }
0x124: {  	s18 =	simm.s32 $0x0;
	[bflag:$0x0] =	sbarrier.arrive $0xFFFF  }
0x125: {  	[tilespmem:s23], [sflag:$0x1] =	stream.indirect.gather [hbm4b:s15+s24], $0x80, s18, s24, $0xb8;
	[tilespmem:$0x1F600] =	vst v63  }
0x126: {  	_ = 	snop  }
0x127: {  	[tilespmem:s25], [sflag:$0x5] =	stream.linear.gather [hbm4b:s19+s18], $0xE00, $0x38;
	[tilespmem:$0x1F600] =	vst v63  }
0x128: {  	_ =	swait.ge [sflag:s22], $0xE00  }
0x129: {  	[sflag:s22] =	ssyncset.done $0x0  }
0x12a: {  	s0 =	simm.s32 $0x80;
	[sflag:s22] =	ssyncadd.s32 $0xFFFFF200  }
0x12b: {  	[tilespmem:s26], [sflag:$0x2] =	stream.indirect.gather [hbm4b:s15+s24], $0x80, s0, s24, $0xb8;
	[tilespmem:$0x1F600] =	vst v63  }
0x12c: {  	_ =	swait.ge [sflag:s28], $0x4000  }
0x12d: {  	[sflag:s28] =	ssyncset.done $0x0  }
0x12e: {  	s16 =	simm.s32 $0x2A00;
	[sflag:s28] =	ssyncadd.s32 $0xFFFFC000  }
0x12f: {  	[spmem:s1] =	stream.indirect.scatter.add.f32 [tilespmem:s23], [sflag:$0x3], $0x80, s16, s24, $0xb8;
	[tilespmem:$0x1F600] =	vst v63  }
0x130: {  	_ =	swait.ge [sflag:s29], $0x4000  }
0x131: {  	[sflag:s29] =	ssyncset.done $0x0  }
0x132: {  	s17 =	simm.s32 $0x100;
	[sflag:s29] =	ssyncadd.s32 $0xFFFFC000  }
0x133: {  	[tilespmem:s23], [sflag:$0x1] =	stream.indirect.gather [hbm4b:s15+s24], $0x80, s17, s24, $0xb8;
	[tilespmem:$0x1F600] =	vst v63  }
0x134: {  	_ =	swait.ge [sflag:s30], $0x4000  }
0x135: {  	[sflag:s30] =	ssyncset.done $0x0  }
0x136: {  	s18 =	simm.s32 $0x2A80;
	[sflag:s30] =	ssyncadd.s32 $0xFFFFC000  }
0x137: {  	[spmem:s1] =	stream.indirect.scatter.add.f32 [tilespmem:s26], [sflag:$0x4], $0x80, s18, s24, $0xb8;
	[tilespmem:$0x1F600] =	vst v63  }
0x138: {  	_ =	swait.ge [sflag:s31], $0x4000  }
0x139: {  	s14 =	simm.s32 $0x100;
	s16 =	simm.s32 $0x800;
	[sflag:s31] =	ssyncset.done $0x0  }
.LBB2_12:
0x13a: {  	s17 =	sadd.s32 $0x80, s14  }
0x13b: {  	[sflag:s31] =	ssyncadd.s32 $0xFFFFC000;
	s18 =	smov.u32 s16;
	s0 =	sadd.s32 $0x400, s16  }
0x13c: {  	[tilespmem:s26], [sflag:$0x2] =	stream.indirect.gather [hbm4b:s15+s24], $0x80, s17, s24, $0xb8;
	[tilespmem:$0x1F600] =	vst v63  }
0x13d: {  	p1 =	sne.s32 s16, $0x3400;
	_ =	swait.ge [sflag:s28], $0x4000  }
0x13e: {  	[sflag:s28] =	ssyncset.done $0x0  }
0x13f: {  	s16 =	sadd.s32 $0x2A00, s14;
	[sflag:s28] =	ssyncadd.s32 $0xFFFFC000  }
0x140: {  	[spmem:s1] =	stream.indirect.scatter.add.f32 [tilespmem:s23], [sflag:$0x3], $0x80, s16, s24, $0xb8;
	[tilespmem:$0x1F600] =	vst v63  }
0x141: {  	_ =	swait.ge [sflag:s29], $0x4000  }
0x142: {  	[sflag:s29] =	ssyncset.done $0x0  }
0x143: {  	s16 =	sadd.s32 $0x100, s14;
	[sflag:s29] =	ssyncadd.s32 $0xFFFFC000  }
0x144: {  	[tilespmem:s23], [sflag:$0x1] =	stream.indirect.gather [hbm4b:s15+s24], $0x80, s16, s24, $0xb8;
	[tilespmem:$0x1F600] =	vst v63  }
0x145: {  	_ =	swait.ge [sflag:s30], $0x4000  }
.Ltmp5:
0x146: {  	[sflag:s30] =	ssyncset.done $0x0;
	(pc) =	sbr.rel @p1 .LBB2_12-.Ltmp5, $4  }
0x147: {  	s14 =	sadd.s32 $0x2A80, s14;
	[sflag:s30] =	ssyncadd.s32 $0xFFFFC000  }
0x148: {  	[spmem:s1] =	stream.indirect.scatter.add.f32 [tilespmem:s26], [sflag:$0x4], $0x80, s14, s24, $0xb8;
	[tilespmem:$0x1F600] =	vst v63  }
0x149: {  	_ =	swait.ge [sflag:s31], $0x4000  }
0x14a: {  	s16 =	smov.u32 s0;
	s14 =	sshra.s32 s18, $0x2;
	[sflag:s31] =	ssyncset.done $0x0  }
0x14b: {  	s0 =	sadd.s32 $0x80, s14;
	[sflag:s31] =	ssyncadd.s32 $0xFFFFC000  }
0x14c: {  	[tilespmem:s26], [sflag:$0x2] =	stream.indirect.gather [hbm4b:s15+s24], $0x80, s0, s24, $0xb8;
	[tilespmem:$0x1F600] =	vst v63  }
0x14d: {  	_ =	swait.ge [sflag:s28], $0x4000  }
0x14e: {  	[sflag:s28] =	ssyncset.done $0x0  }
0x14f: {  	s18 =	sadd.s32 $0x2A00, s14;
	[sflag:s28] =	ssyncadd.s32 $0xFFFFC000  }
0x150: {  	[spmem:s1] =	stream.indirect.scatter.add.f32 [tilespmem:s23], [sflag:$0x3], $0x80, s18, s24, $0xb8;
	[tilespmem:$0x1F600] =	vst v63  }
0x151: {  	_ =	swait.ge [sflag:s29], $0x4000  }
0x152: {  	[sflag:s29] =	ssyncset.done $0x0  }
0x153: {  	s16 =	sadd.s32 $0x100, s14;
	[sflag:s29] =	ssyncadd.s32 $0xFFFFC000  }
0x154: {  	[tilespmem:s23], [sflag:$0x1] =	stream.indirect.gather [hbm4b:s15+s24], $0x80, s16, s24, $0xb8;
	[tilespmem:$0x1F600] =	vst v63  }
0x155: {  	_ =	swait.ge [sflag:s30], $0x4000  }
0x156: {  	[sflag:s30] =	ssyncset.done $0x0  }
0x157: {  	s17 =	sadd.s32 $0x2A80, s14;
	[sflag:s30] =	ssyncadd.s32 $0xFFFFC000  }
0x158: {  	[spmem:s1] =	stream.indirect.scatter.add.f32 [tilespmem:s26], [sflag:$0x4], $0x80, s17, s24, $0xb8;
	[tilespmem:$0x1F600] =	vst v63  }
0x159: {  	_ =	swait.ge [sflag:s31], $0x4000  }
0x15a: {  	[sflag:s31] =	ssyncset.done $0x0  }
0x15b: {  	s18 =	simm.s32 $0x0;
	[sflag:s31] =	ssyncadd.s32 $0xFFFFC000  }
0x15c: {  	[tilespmem:s25], [sflag:$0x5] =	stream.linear.gather [hbm4b:s20+s18], $0xE00, $0x38;
	[tilespmem:$0x1F600] =	vst v63  }
0x15d: {  	_ =	swait.ge [sflag:s22], $0xE00  }
0x15e: {  	[sflag:s22] =	ssyncset.done $0x0  }
0x15f: {  	s14 =	simm.s32 $0xE80;
	[sflag:s22] =	ssyncadd.s32 $0xFFFFF200  }
0x160: {  	[tilespmem:s26], [sflag:$0x2] =	stream.indirect.gather [hbm4b:s15+s24], $0x80, s14, s24, $0xb8;
	[tilespmem:$0x1F600] =	vst v63  }
0x161: {  	_ =	swait.ge [sflag:s28], $0x4000  }
0x162: {  	[sflag:s28] =	ssyncset.done $0x0  }
0x163: {  	s16 =	simm.s32 $0x2A00;
	[sflag:s28] =	ssyncadd.s32 $0xFFFFC000  }
0x164: {  	[spmem:s1] =	stream.indirect.scatter.add.f32 [tilespmem:s23], [sflag:$0x3], $0x80, s16, s24, $0xb8;
	[tilespmem:$0x1F600] =	vst v63  }
0x165: {  	_ =	swait.ge [sflag:s29], $0x4000  }
0x166: {  	[sflag:s29] =	ssyncset.done $0x0  }
0x167: {  	s17 =	simm.s32 $0xF00;
	[sflag:s29] =	ssyncadd.s32 $0xFFFFC000  }
0x168: {  	[tilespmem:s23], [sflag:$0x1] =	stream.indirect.gather [hbm4b:s15+s24], $0x80, s17, s24, $0xb8;
	[tilespmem:$0x1F600] =	vst v63  }
0x169: {  	_ =	swait.ge [sflag:s30], $0x4000  }
0x16a: {  	[sflag:s30] =	ssyncset.done $0x0  }
0x16b: {  	s18 =	simm.s32 $0x2A80;
	[sflag:s30] =	ssyncadd.s32 $0xFFFFC000  }
0x16c: {  	[spmem:s1] =	stream.indirect.scatter.add.f32 [tilespmem:s26], [sflag:$0x4], $0x80, s18, s24, $0xb8;
	[tilespmem:$0x1F600] =	vst v63  }
0x16d: {  	_ =	swait.ge [sflag:s31], $0x4000  }
0x16e: {  	s14 =	simm.s32 $0x100;
	s16 =	simm.s32 $0x800;
	[sflag:s31] =	ssyncset.done $0x0  }
.LBB2_14:
0x16f: {  	s0 =	sadd.s32 $0xE80, s14  }
0x170: {  	[sflag:s31] =	ssyncadd.s32 $0xFFFFC000;
	s17 =	smov.u32 s16;
	s18 =	sadd.s32 $0x400, s16  }
0x171: {  	[tilespmem:s26], [sflag:$0x2] =	stream.indirect.gather [hbm4b:s15+s24], $0x80, s0, s24, $0xb8;
	[tilespmem:$0x1F600] =	vst v63  }
0x172: {  	p1 =	sne.s32 s16, $0x3400;
	_ =	swait.ge [sflag:s28], $0x4000  }
0x173: {  	[sflag:s28] =	ssyncset.done $0x0  }
0x174: {  	s0 =	sadd.s32 $0x2A00, s14;
	[sflag:s28] =	ssyncadd.s32 $0xFFFFC000  }
0x175: {  	[spmem:s1] =	stream.indirect.scatter.add.f32 [tilespmem:s23], [sflag:$0x3], $0x80, s0, s24, $0xb8;
	[tilespmem:$0x1F600] =	vst v63  }
0x176: {  	_ =	swait.ge [sflag:s29], $0x4000  }
0x177: {  	[sflag:s29] =	ssyncset.done $0x0  }
0x178: {  	s0 =	sadd.s32 $0xF00, s14;
	[sflag:s29] =	ssyncadd.s32 $0xFFFFC000  }
0x179: {  	[tilespmem:s23], [sflag:$0x1] =	stream.indirect.gather [hbm4b:s15+s24], $0x80, s0, s24, $0xb8;
	[tilespmem:$0x1F600] =	vst v63  }
0x17a: {  	_ =	swait.ge [sflag:s30], $0x4000  }
.Ltmp6:
0x17b: {  	[sflag:s30] =	ssyncset.done $0x0;
	(pc) =	sbr.rel @p1 .LBB2_14-.Ltmp6, $4  }
0x17c: {  	s0 =	sadd.s32 $0x2A80, s14;
	[sflag:s30] =	ssyncadd.s32 $0xFFFFC000  }
0x17d: {  	[spmem:s1] =	stream.indirect.scatter.add.f32 [tilespmem:s26], [sflag:$0x4], $0x80, s0, s24, $0xb8;
	[tilespmem:$0x1F600] =	vst v63  }
0x17e: {  	_ =	swait.ge [sflag:s31], $0x4000  }
0x17f: {  	s16 =	smov.u32 s18;
	s14 =	sshra.s32 s17, $0x2;
	[sflag:s31] =	ssyncset.done $0x0  }
0x180: {  	s0 =	sadd.s32 $0xE80, s14;
	[sflag:s31] =	ssyncadd.s32 $0xFFFFC000  }
0x181: {  	[tilespmem:s26], [sflag:$0x2] =	stream.indirect.gather [hbm4b:s15+s24], $0x80, s0, s24, $0xb8;
	[tilespmem:$0x1F600] =	vst v63  }
0x182: {  	_ =	swait.ge [sflag:s28], $0x4000  }
0x183: {  	[sflag:s28] =	ssyncset.done $0x0  }
0x184: {  	s18 =	sadd.s32 $0x2A00, s14;
	[sflag:s28] =	ssyncadd.s32 $0xFFFFC000  }
0x185: {  	[spmem:s1] =	stream.indirect.scatter.add.f32 [tilespmem:s23], [sflag:$0x3], $0x80, s18, s24, $0xb8;
	[tilespmem:$0x1F600] =	vst v63  }
0x186: {  	_ =	swait.ge [sflag:s29], $0x4000  }
0x187: {  	[sflag:s29] =	ssyncset.done $0x0  }
0x188: {  	s16 =	sadd.s32 $0xF00, s14;
	[sflag:s29] =	ssyncadd.s32 $0xFFFFC000  }
0x189: {  	[tilespmem:s23], [sflag:$0x1] =	stream.indirect.gather [hbm4b:s15+s24], $0x80, s16, s24, $0xb8;
	[tilespmem:$0x1F600] =	vst v63  }
0x18a: {  	_ =	swait.ge [sflag:s30], $0x4000  }
0x18b: {  	[sflag:s30] =	ssyncset.done $0x0  }
0x18c: {  	s17 =	sadd.s32 $0x2A80, s14;
	[sflag:s30] =	ssyncadd.s32 $0xFFFFC000  }
0x18d: {  	[spmem:s1] =	stream.indirect.scatter.add.f32 [tilespmem:s26], [sflag:$0x4], $0x80, s17, s24, $0xb8;
	[tilespmem:$0x1F600] =	vst v63  }
0x18e: {  	_ =	swait.ge [sflag:s31], $0x4000  }
0x18f: {  	[sflag:s31] =	ssyncset.done $0x0  }
0x190: {  	s18 =	simm.s32 $0x0;
	[sflag:s31] =	ssyncadd.s32 $0xFFFFC000  }
0x191: {  	[tilespmem:s25], [sflag:$0x5] =	stream.linear.gather [hbm4b:s21+s18], $0xE00, $0x38;
	[tilespmem:$0x1F600] =	vst v63  }
0x192: {  	_ =	swait.ge [sflag:s22], $0xE00  }
0x193: {  	[sflag:s22] =	ssyncset.done $0x0  }
0x194: {  	s14 =	simm.s32 $0x1C80;
	[sflag:s22] =	ssyncadd.s32 $0xFFFFF200  }
0x195: {  	[tilespmem:s26], [sflag:$0x2] =	stream.indirect.gather [hbm4b:s15+s24], $0x80, s14, s24, $0xb8;
	[tilespmem:$0x1F600] =	vst v63  }
0x196: {  	_ =	swait.ge [sflag:s28], $0x4000  }
0x197: {  	[sflag:s28] =	ssyncset.done $0x0  }
0x198: {  	s16 =	simm.s32 $0x2A00;
	[sflag:s28] =	ssyncadd.s32 $0xFFFFC000  }
0x199: {  	[spmem:s1] =	stream.indirect.scatter.add.f32 [tilespmem:s23], [sflag:$0x3], $0x80, s16, s24, $0xb8;
	[tilespmem:$0x1F600] =	vst v63  }
0x19a: {  	_ =	swait.ge [sflag:s29], $0x4000  }
0x19b: {  	[sflag:s29] =	ssyncset.done $0x0  }
0x19c: {  	s17 =	simm.s32 $0x1D00;
	[sflag:s29] =	ssyncadd.s32 $0xFFFFC000  }
0x19d: {  	[tilespmem:s23], [sflag:$0x1] =	stream.indirect.gather [hbm4b:s15+s24], $0x80, s17, s24, $0xb8;
	[tilespmem:$0x1F600] =	vst v63  }
0x19e: {  	_ =	swait.ge [sflag:s30], $0x4000  }
0x19f: {  	[sflag:s30] =	ssyncset.done $0x0  }
0x1a0: {  	s18 =	simm.s32 $0x2A80;
	[sflag:s30] =	ssyncadd.s32 $0xFFFFC000  }
0x1a1: {  	[spmem:s1] =	stream.indirect.scatter.add.f32 [tilespmem:s26], [sflag:$0x4], $0x80, s18, s24, $0xb8;
	[tilespmem:$0x1F600] =	vst v63  }
0x1a2: {  	_ =	swait.ge [sflag:s31], $0x4000  }
0x1a3: {  	s14 =	simm.s32 $0x100;
	s16 =	simm.s32 $0x800;
	[sflag:s31] =	ssyncset.done $0x0  }
.LBB2_16:
0x1a4: {  	s0 =	sadd.s32 $0x1C80, s14  }
0x1a5: {  	[sflag:s31] =	ssyncadd.s32 $0xFFFFC000;
	s17 =	smov.u32 s16;
	s18 =	sadd.s32 $0x400, s16  }
0x1a6: {  	[tilespmem:s26], [sflag:$0x2] =	stream.indirect.gather [hbm4b:s15+s24], $0x80, s0, s24, $0xb8;
	[tilespmem:$0x1F600] =	vst v63  }
0x1a7: {  	p1 =	sne.s32 s16, $0x3000;
	_ =	swait.ge [sflag:s28], $0x4000  }
0x1a8: {  	[sflag:s28] =	ssyncset.done $0x0  }
0x1a9: {  	s0 =	sadd.s32 $0x2A00, s14;
	[sflag:s28] =	ssyncadd.s32 $0xFFFFC000  }
0x1aa: {  	[spmem:s1] =	stream.indirect.scatter.add.f32 [tilespmem:s23], [sflag:$0x3], $0x80, s0, s24, $0xb8;
	[tilespmem:$0x1F600] =	vst v63  }
0x1ab: {  	_ =	swait.ge [sflag:s29], $0x4000  }
0x1ac: {  	[sflag:s29] =	ssyncset.done $0x0  }
0x1ad: {  	s0 =	sadd.s32 $0x1D00, s14;
	[sflag:s29] =	ssyncadd.s32 $0xFFFFC000  }
0x1ae: {  	[tilespmem:s23], [sflag:$0x1] =	stream.indirect.gather [hbm4b:s15+s24], $0x80, s0, s24, $0xb8;
	[tilespmem:$0x1F600] =	vst v63  }
0x1af: {  	_ =	swait.ge [sflag:s30], $0x4000  }
.Ltmp7:
0x1b0: {  	[sflag:s30] =	ssyncset.done $0x0;
	(pc) =	sbr.rel @p1 .LBB2_16-.Ltmp7, $4  }
0x1b1: {  	s0 =	sadd.s32 $0x2A80, s14;
	[sflag:s30] =	ssyncadd.s32 $0xFFFFC000  }
0x1b2: {  	[spmem:s1] =	stream.indirect.scatter.add.f32 [tilespmem:s26], [sflag:$0x4], $0x80, s0, s24, $0xb8;
	[tilespmem:$0x1F600] =	vst v63  }
0x1b3: {  	_ =	swait.ge [sflag:s31], $0x4000  }
0x1b4: {  	s16 =	smov.u32 s18;
	s14 =	sshra.s32 s17, $0x2;
	[sflag:s31] =	ssyncset.done $0x0  }
0x1b5: {  	s0 =	sadd.s32 $0x1C80, s14;
	[sflag:s31] =	ssyncadd.s32 $0xFFFFC000  }
0x1b6: {  	[tilespmem:s26], [sflag:$0x2] =	stream.indirect.gather [hbm4b:s15+s24], $0x80, s0, s24, $0xb8;
	[tilespmem:$0x1F600] =	vst v63  }
0x1b7: {  	_ =	swait.ge [sflag:s28], $0x4000  }
0x1b8: {  	[sflag:s28] =	ssyncset.done $0x0  }
0x1b9: {  	s17 =	sadd.s32 $0x2A00, s14;
	[sflag:s28] =	ssyncadd.s32 $0xFFFFC000  }
0x1ba: {  	[spmem:s1] =	stream.indirect.scatter.add.f32 [tilespmem:s23], [sflag:$0x3], $0x80, s17, s24, $0xb8;
	[tilespmem:$0x1F600] =	vst v63  }
0x1bb: {  	_ =	swait.ge [sflag:s29], $0x4000  }
0x1bc: {  	[sflag:s29] =	ssyncset.done $0x0  }
0x1bd: {  	s18 =	sadd.s32 $0x1D00, s14;
	[sflag:s29] =	ssyncadd.s32 $0xFFFFC000  }
0x1be: {  	[tilespmem:s23], [sflag:$0x1] =	stream.indirect.gather [hbm4b:s15+s24], $0x80, s18, s24, $0xb8;
	[tilespmem:$0x1F600] =	vst v63  }
0x1bf: {  	_ =	swait.ge [sflag:s30], $0x4000  }
0x1c0: {  	[sflag:s30] =	ssyncset.done $0x0  }
0x1c1: {  	s14 =	sadd.s32 $0x2A80, s14;
	[sflag:s30] =	ssyncadd.s32 $0xFFFFC000  }
0x1c2: {  	[spmem:s1] =	stream.indirect.scatter.add.f32 [tilespmem:s26], [sflag:$0x4], $0x80, s14, s24, $0xb8;
	[tilespmem:$0x1F600] =	vst v63  }
0x1c3: {  	_ =	swait.ge [sflag:s31], $0x4000  }
0x1c4: {  	[sflag:s31] =	ssyncset.done $0x0  }
0x1c5: {  	s17 =	simm.s32 $0x2980;
	[sflag:s31] =	ssyncadd.s32 $0xFFFFC000  }
0x1c6: {  	[tilespmem:s26], [sflag:$0x2] =	stream.indirect.gather [hbm4b:s15+s24], $0x80, s17, s24, $0xb8;
	[tilespmem:$0x1F600] =	vst v63  }
0x1c7: {  	_ =	swait.ge [sflag:s28], $0x4000  }
0x1c8: {  	[sflag:s28] =	ssyncset.done $0x0  }
0x1c9: {  	[sflag:s28] =	ssyncadd.s32 $0xFFFFC000  }
0x1ca: {  	[spmem:s1] =	stream.indirect.scatter.add.f32 [tilespmem:s23], [sflag:$0x3], $0x80, s3, s24, $0xb8;
	[tilespmem:$0x1F600] =	vst v63  }
0x1cb: {  	_ =	swait.ge [sflag:s29], $0x4000  }
0x1cc: {  	[sflag:s29] =	ssyncset.done $0x0  }
0x1cd: {  	[sflag:s29] =	ssyncadd.s32 $0xFFFFC000  }
0x1ce: {  	_ =	swait.ge [sflag:s30], $0x4000  }
0x1cf: {  	[sflag:s30] =	ssyncset.done $0x0  }
0x1d0: {  	[sflag:s30] =	ssyncadd.s32 $0xFFFFC000  }
0x1d1: {  	[spmem:s1] =	stream.indirect.scatter.add.f32 [tilespmem:s26], [sflag:$0x4], $0x80, s2, s24, $0xb8;
	[tilespmem:$0x1F600] =	vst v63  }
0x1d2: {  	_ =	swait.ge [sflag:s31], $0x4000  }
0x1d3: {  	[sflag:s31] =	ssyncset.done $0x0  }
0x1d4: {  	[sflag:s31] =	ssyncadd.s32 $0xFFFFC000  }
0x1d5: {  	[bflag:$0x0] =	sbarrier.arrive $0xFFFF  }
0x1d6: {  	s16 =	rddreg [dreg:$0x9]  }
0x1d7: {  	[hbm:s16], [sflag:s11] =	dma.local [spmem:s12], $0x2700  }
0x1d8: {  	_ =	swait.ge [sflag:s22], $0x2700  }
0x1d9: {  	[sflag:s22] =	ssyncset.done $0x0  }
0x1da: {  	s0 =	rddreg [dreg:$0xa];
	[sflag:s22] =	ssyncadd.s32 $0xFFFFD900  }
0x1db: {  	[hbm:s0], [sflag:s11] =	dma.local @!p0 [spmem:s13], $0x100  }
0x1dc: {  	s0 =	simm.s32 @!p0 $0x5  }
0x1dd: {  	_ =	swait.ge @!p0 [sflag:s0], $0x100  }
0x1de: {  	s5 =	sadd.s32 $0x1, s5;
	s18 =	rddreg [dreg:$0xb]  }
0x1df: {  	p1 =	sne.s32 s5, s18  }
.Ltmp8:
0x1e0: {  	_ = 	snop;
	(pc) =	sbr.rel @p1 .LBB2_1-.Ltmp8, $3  }
0x1e1: {  	[sflag:s0] =	ssyncset.done @!p0 $0x0  }
0x1e2: {  	[sflag:s0] =	ssyncadd.s32 @!p0 $0xFFFFFF00  }
0x1e3: {  	[bflag:$0x0] =	sbarrier.arrive $0xFFFF;
	_ =	sdelay $0x1  }
0x1e4: {  	_ =	sfence.sel $0x180000  }
0x1e5: {  	[bflag:$0x0] =	sbarrier.arrive $0xFFFF  }
0x1e6: {  	_ =	strace $0x9000004D  }
0x1e7: {  	[bflag:$0x2] =	sbarrier.arrive $0xFFFF  }
0x1e8: {  	s0 =	rddreg [dreg:$0x3]  }
0x1e9: {  	s0 =	sadd.s32 @!p0 $0x100000, s0  }
0x1ea: {  	[sflag:s0] =	ssyncadd.tile.s32 @!p0 $0x1;
	_ =	shalt  }
.Lfunc_end2:
_tile_overlayer_lowered:
.L_overlay_start_2:
0x1eb: {  	(tag) =	ssettag $0x2  }
0x1ec: {  	s0 =	rddreg [dreg:$0x0];
	s2 =	stileid.u32  }
0x1ed: {  	s1 =	rddreg [dreg:$0x1];
	p0 =	sne.s32 s2, $0x0  }
0x1ee: {  	s3 =	rddreg [dreg:$0x2];
	[bflag:$0x3] =	sbarrier.arrive $0xFFFF;
	s2 =	simm.s32 @!p0 $0x1C06  }
0x1ef: {  	[timem:s3], [sflag:s2] =	dma.local @!p0 [hbm:s0], s1  }
0x1f0: {  	s0 =	simm.s32 @!p0 $0x6  }
0x1f1: {  	_ =	swait.ge @!p0 [sflag:s0], s1  }
0x1f2: {  	s1 =	ssub.s32 @!p0 $0x0, s1;
	[sflag:s0] =	ssyncset.done @!p0 $0x0  }
0x1f3: {  	[sflag:s0] =	ssyncadd.s32 @!p0 s1  }
0x1f4: {  	[bflag:$0x3] =	sbarrier.arrive $0xFFFF  }
0x1f5: {  	_ =	shalt  }

// kernel: kernel.9.cloned.1.call-start
scs
__scs_entry_jumppad:
0x0: {  	(pc) =	sbr.rel $0x88, $3  }
0x1: {  	(tag) =	ssettag $0x0;
	lr =	simm.s32 $0x1  }
0x2: {  	[smem:$0x3F99] =	sst lr;
	_ =	strace $0xD0000000  }
0x3: {  	_ = 	snop  }
0x4: {  	_ = 	snop  }
0x5: {  	_ = 	snop  }
0x6: {  	_ = 	snop  }
0x7: {  	_ = 	snop  }
__scs_overlays_trampoline_lowered:
0x8: {  	[smem:$0x3FA8] =	sst s0  }
0x9: {  	[smem:$0x3FA9] =	sst s1  }
0xa: {  	[smem:$0x3FAA] =	sst s2  }
0xb: {  	[smem:$0x3FAB] =	sst s3  }
0xc: {  	[smem:$0x3FAC] =	sst s4  }
0xd: {  	[smem:$0x3FAD] =	sst s5  }
0xe: {  	[smem:$0x3FAE] =	sst s6  }
0xf: {  	[smem:$0x3FAF] =	sst s7  }
0x10: {  	[smem:$0x3FB0] =	sst s8  }
0x11: {  	[smem:$0x3FB1] =	sst s9;
	s0 =	simm.s32 @!p0 $0x0  }
0x12: {  	s1 =	sld [smem:$0x3F97];
	s0 =	simm.s32 @p0 $0x1  }
0x13: {  	[smem:$0x3FB2] =	sst s0;
	s0 =	simm.s32 @!p1 $0x0  }
0x14: {  	s2 =	sld [smem:$0x3F96];
	s0 =	simm.s32 @p1 $0x1  }
0x15: {  	[smem:$0x3FB3] =	sst s0;
	s0 =	simm.s32 @!p2 $0x0  }
0x16: {  	s3 =	sld [smem:$0x3FDB];
	s0 =	simm.s32 @p2 $0x1  }
0x17: {  	s4 =	simm.s32 $0x1BF5;
	[smem:$0x3FB5] =	sst s0  }
0x18: {  	s0 =	sld [smem:$0x3F98];
	_ =	swait.ge [sflag:s4], $0x0  }
0x19: {  	s7 =	sld [smem:$0x3F99]  }
0x1a: {  	s8 =	sadd.s32 $0xFFFFE003, lr  }
0x1b: {  	s9 =	sadd.s32 $0xFFFFFEF7, lr;
	s5 =	simm.s32 $0xFFFFFFFF;
	p2 =	slt.u32 s8, $0xFFFFF086  }
0x1c: {  	p1 =	slt.u32 s9, $0xF7A;
	s5 =	simm.s32 @!p2 $0x0  }
0x1d: {  	s5 =	simm.s32 @p1 $0x1;
	p0 =	seq.s32 s7, s2  }
0x1e: {  	s7 =	smul.u32 @!p0 $0xF7A, s2;
	p2 =	seq.s32 @!p0 s5, $0x0  }
0x1f: {  	s9 =	smul.u32 $0xF7A, s1;
	s8 =	simm.s32 @!p0 $0x1BF5;
	p2 =	por !p2, p0  }
0x20: {  	[sflag:s8] =	ssyncset.s32 @!p0 $0xFFFFF086;
	s6 =	sadd.s32 @!p0 s3, s7;
	s7 =	simm.s32 @!p0 $0x108  }
0x21: {  	s3 =	sadd.s32 s3, s9;
	s6 =	sadd.s32 @!p0 $0x88, s6;
	s7 =	simm.s32 @p2 $0x1082  }
0x22: {  	[simem:s7], [sflag:s8] =	dma.local @!p0 [hbm:s6], $0xF7A  }
0x23: {  	s9 =	sor.u32 $0xD0000000, s2;
	s6 =	simm.s32 $0x108;
	_ =	swait.ge @!p0 [sflag:s8], $0x0  }
0x24: {  	s3 =	sadd.s32 $0x88, s3;
	s6 =	simm.s32 @!p1 $0x1082;
	[sflag:s4] =	ssyncset.s32 $0xFFFFF086  }
0x25: {  	[simem:s6], [sflag:s4] =	dma.local [hbm:s3], $0xF7A  }
0x26: {  	[smem:$0x3F99] =	sst s1;
	(tag) =	ssettag s2;
	_ =	strace s9  }
0x27: {  	s1 =	sld [smem:$0x3FA9]  }
0x28: {  	s2 =	sld [smem:$0x3FAA]  }
0x29: {  	s4 =	sld [smem:$0x3FAC]  }
0x2a: {  	p0 =	seq.s32 s5, $0x0;
	s5 =	sld [smem:$0x3FAD]  }
0x2b: {  	s6 =	sld [smem:$0x3FAE]  }
0x2c: {  	s7 =	sld [smem:$0x3FAF]  }
0x2d: {  	s3 =	simm.s32 $0x108;
	s8 =	sld [smem:$0x3FB0]  }
0x2e: {  	s3 =	simm.s32 @!p0 $0x1082;
	s9 =	sld [smem:$0x3FB1]  }
0x2f: {  	lr =	sadd.s32 s0, s3;
	s0 =	sld [smem:$0x3FA8]  }
0x30: {  	s3 =	sld [smem:$0x3FAB]  }
0x31: {  	[smem:$0x3FB4] =	sst s10  }
0x32: {  	s10 =	sld [smem:$0x3FB2];
	_ =	sdelay $0x3  }
0x33: {  	p0 =	seq.s32 s10, $0x1;
	s10 =	sld [smem:$0x3FB4];
	_ =	sdelay $0x3  }
0x34: {  	[smem:$0x3FB4] =	sst s10  }
0x35: {  	s10 =	sld [smem:$0x3FB3];
	_ =	sdelay $0x3  }
0x36: {  	p1 =	seq.s32 s10, $0x1;
	s10 =	sld [smem:$0x3FB4];
	_ =	sdelay $0x3  }
0x37: {  	[smem:$0x3FB4] =	sst s10  }
0x38: {  	s10 =	sld [smem:$0x3FB5]  }
0x39: {  	_ = 	snop;
	(pc) =	sbr.ind lr, $3  }
0x3a: {  	_ = 	snop  }
0x3b: {  	_ = 	snop  }
0x3c: {  	p2 =	seq.s32 s10, $0x1;
	s10 =	sld [smem:$0x3FB4]  }
0x3d: {  	_ =	shalt  }
0x3e: {  	_ =	shalt  }
0x3f: {  	_ =	shalt  }
0x40: {  	_ =	shalt  }
0x41: {  	_ =	shalt  }
0x42: {  	_ =	shalt  }
0x43: {  	_ =	shalt  }
0x44: {  	_ =	shalt  }
0x45: {  	_ =	shalt  }
0x46: {  	_ =	shalt  }
0x47: {  	_ =	shalt  }
0x48: {  	_ =	shalt  }
0x49: {  	_ =	shalt  }
0x4a: {  	_ =	shalt  }
0x4b: {  	_ =	shalt  }
0x4c: {  	_ =	shalt  }
0x4d: {  	_ =	shalt  }
0x4e: {  	_ =	shalt  }
0x4f: {  	_ =	shalt  }
0x50: {  	_ =	shalt  }
0x51: {  	_ =	shalt  }
0x52: {  	_ =	shalt  }
0x53: {  	_ =	shalt  }
0x54: {  	_ =	shalt  }
0x55: {  	_ =	shalt  }
0x56: {  	_ =	shalt  }
0x57: {  	_ =	shalt  }
0x58: {  	_ =	shalt  }
0x59: {  	_ =	shalt  }
0x5a: {  	_ =	shalt  }
0x5b: {  	_ =	shalt  }
0x5c: {  	_ =	shalt  }
0x5d: {  	_ =	shalt  }
0x5e: {  	_ =	shalt  }
0x5f: {  	_ =	shalt  }
0x60: {  	_ =	shalt  }
0x61: {  	_ =	shalt  }
0x62: {  	_ =	shalt  }
0x63: {  	_ =	shalt  }
0x64: {  	_ =	shalt  }
0x65: {  	_ =	shalt  }
0x66: {  	_ =	shalt  }
0x67: {  	_ =	shalt  }
0x68: {  	_ =	shalt  }
0x69: {  	_ =	shalt  }
0x6a: {  	_ =	shalt  }
0x6b: {  	_ =	shalt  }
0x6c: {  	_ =	shalt  }
0x6d: {  	_ =	shalt  }
0x6e: {  	_ =	shalt  }
0x6f: {  	_ =	shalt  }
0x70: {  	_ =	shalt  }
0x71: {  	_ =	shalt  }
0x72: {  	_ =	shalt  }
0x73: {  	_ =	shalt  }
0x74: {  	_ =	shalt  }
0x75: {  	_ =	shalt  }
0x76: {  	_ =	shalt  }
0x77: {  	_ =	shalt  }
0x78: {  	_ =	shalt  }
0x79: {  	_ =	shalt  }
0x7a: {  	_ =	shalt  }
0x7b: {  	_ =	shalt  }
0x7c: {  	_ =	shalt  }
0x7d: {  	_ =	shalt  }
0x7e: {  	_ =	shalt  }
0x7f: {  	_ =	shalt  }
0x80: {  	_ =	shalt  }
0x81: {  	_ =	shalt  }
0x82: {  	_ =	shalt  }
0x83: {  	_ =	shalt  }
0x84: {  	_ =	shalt  }
0x85: {  	_ =	shalt  }
0x86: {  	_ =	shalt  }
0x87: {  	_ =	shalt  }
.Lfunc_end0:
.L_simem_size_0:
called_computation_lowered:
.L_overlay_start_0:
0x88: {  	s2 =	sld [smem:$0x3FD9]  }
0x89: {  	s3 =	sld [smem:$0x3FFE];
	_ =	sdelay $0x1  }
0x8a: {  	s1 =	srdreg.scid  }
0x8b: {  	s0 =	sand.u32 $0x1, s1  }
0x8c: {  	s17 =	sshll.u32 s0, $0xA;
	s2 =	sadd.s32 s3, s2  }
0x8d: {  	s2 =	sadd.s32 s2, s17  }
0x8e: {  	[smem:$0x3FC0] =	sst s2  }
0x8f: {  	_ = 	snop  }
0x90: {  	s2 =	sld [smem:$0x3FD0];
	(tm) =	ssettm $0x1  }
0x91: {  	s18 =	sld [smem:$0x3FFB];
	_ =	sdelay $0x3  }
0x92: {  	_ =	strace s18  }
0x93: {  	s3 =	sld [smem:$0x3FFC];
	_ =	sdelay $0x3  }
0x94: {  	_ =	strace s3  }
0x95: {  	s3 =	sld [smem:$0x3FFD];
	_ =	sdelay $0x3  }
0x96: {  	_ =	strace s3  }
0x97: {  	_ =	strace $0x8FFFFFFF  }
0x98: {  	s19 =	sld [smem:$0x3FDB];
	_ =	sdelay $0x1  }
0x99: {  	s4 =	simm.s32 $_scs_section_size  }
0x9a: {  	s5 =	simm.s32 $_size__tile_overlayer_lowered;
	s6 =	simm.s32 $_tile_overlayer_lowered  }
0x9b: {  	s22 =	simm.s32 $0x1BFF;
	s21 =	sshll.u32 s6, $0x1;
	s3 =	sadd.s32 s4, s19  }
0x9c: {  	s7 =	simm.s32 $0x0;
	s20 =	sshll.u32 s5, $0x1;
	s5 =	sadd.s32 s21, s3  }
0x9d: {  	[timem:s7], [sflag:s22] =	dma.local [hbm:s5], s20  }
0x9e: {  	_ =	swait.ge [sflag:s22], s20  }
0x9f: {  	s4 =	ssub.s32 $0x0, s20;
	[sflag:s22] =	ssyncset.done $0x0  }
0xa0: {  	[sflag:s22] =	ssyncadd.s32 s4;
	_ =	sdelay $0x1  }
0xa1: {  	s23 =	simm.s32 $0x1B8B  }
0xa2: {  	_ =	swait.ge [sflag:s23], $0x1  }
0xa3: {  	[sflag:s23] =	ssyncset.done $0x0  }
0xa4: {  	s25 =	simm.s32 $0x1B8E;
	s24 =	sld [smem:$0x3FFE];
	[sflag:s23] =	ssyncadd.s32 $0xFFFFFFFF  }
0xa5: {  	s26 =	simm.s32 $execute0_lowered;
	[smem:$0x3FD2] =	sst s25  }
0xa6: {  	s5 =	sshll.u32 s26, $0x1;
	_ =	strace $0x80000046;
	[dreg:$0x1] =	wrdreg $0xFFFFFFFF  }
0xa7: {  	s28 =	simm.s32 $_size_execute0_lowered;
	s3 =	sadd.s32 s3, s5;
	[dreg:$0x0] =	wrdreg $0x0  }
0xa8: {  	s5 =	sshll.u32 s28, $0x1;
	[dreg:$0x2] =	wrdreg s3  }
0xa9: {  	[dreg:$0x3] =	wrdreg s5  }
0xaa: {  	[dreg:$0x4] =	wrdreg $0xC0  }
0xab: {  	_ =	task [dreg:s7], $0x5FFFF  }
0xac: {  	[dreg:$0x1] =	wrdreg $0xFFFFFFFF  }
0xad: {  	[dreg:$0x0] =	wrdreg $0x60  }
0xae: {  	[dreg:$0x2] =	wrdreg s2  }
0xaf: {  	[dreg:$0x3] =	wrdreg s24  }
0xb0: {  	[dreg:$0x4] =	wrdreg $0x9  }
0xb1: {  	_ =	task.clear_ibuf [dreg:s7], $0x5FFFF;
	_ =	strace $0x90000046  }
0xb2: {  	s29 =	simm.s32 $0x9;
	_ =	strace $0x80000048  }
0xb3: {  	_ =	swait.ge [sflag:s29], $0x1  }
0xb4: {  	[sflag:s29] =	ssyncadd.s32 $0xFFFFFFFF  }
0xb5: {  	_ =	strace $0x90000048  }
0xb6: {  	_ =	sfence  }
0xb7: {  	s30 =	sld [smem:$0x0];
	_ =	sdelay $0x2  }
0xb8: {  	s31 =	sshll.u32 s1, $0xD;
	s1 =	sshrl.u32 s1, $0x2  }
0xb9: {  	s3 =	sand.u32 $0x4000, s31;
	s1 =	sadd.s32 s1, s30  }
0xba: {  	s0 =	sor.u32 s3, s0;
	s1 =	sshll.u32 s1, $0x11  }
0xbb: {  	s0 =	sor.u32 s1, s0  }
0xbc: {  	s0 =	sadd.s32 $0x8F2B, s0  }
0xbd: {  	[sflag:s0] =	ssyncadd.remote.s32 $0x1  }
0xbe: {  	_ =	sfence.sel $0xFFFF  }
0xbf: {  	[dreg:$0x0] =	wrdreg $0xFFFFFFFF;
	(pc) =	sbr.abs _section_cstart, $3  }
0xc0: {  	[dreg:$0x1] =	wrdreg $0xFFFFFFFF  }
0xc1: {  	_ =	task.clear_ibuf [dreg:s7], $0x2FFFF;
	_ =	strace $0x9FFFFFFF  }
0xc2: {  	(tm) =	ssettm $0x7FFFFFFF  }
0xc3: {  	_ =	shalt  }
tec
execute0_lowered:
.L_overlay_start_1:
0x0: {  	(tag) =	ssettag $0x1  }
0x1: {  	s3 =	rddreg [dreg:$0x0]  }
0x2: {  	s1 =	srdreg.scid;
	s0 =	stileid.u32  }
0x3: {  	s4 =	rddreg [dreg:$0x1];
	s5 =	sand.u32 $0x1, s1;
	s2 =	sshll.u32 s0, $0x1  }
0x4: {  	s1 =	rddreg [dreg:$0x2];
	s6 =	sor.u32 s5, s2  }
0x5: {  	s2 =	simm.s32 $0x0;
	s5 =	ssub.s32 $0x2, s5;
	s7 =	smul.u32 $0x4F0, s6  }
0x6: {  	[smem:$0x7FF] =	sst s2;
	s8 =	sshrl.u32 s5, $0x1;
	s6 =	smul.u32 $0x1500, s6  }
0x7: {  	_ =	strace $0x80000047;
	s5 =	ssub.s32 s5, s8;
	s8 =	simm.s32 $0x0  }
0x8: {  	s4 =	sadd.s32 s7, s4;
	s3 =	sadd.s32 s3, s6;
	s5 =	smax.u32 s5, $0x1  }
0x9: {  	v0 =	vimm.f32 $0.0e+00;
	v1 =	vimm.f32 $1.000000000e+00;
	s6 =	simm.s32 $0x1;
	s7 =	simm.s32 $0xA800;
	s4 =	sadd.s32 $0x1C00, s4  }
.LBB2_1:
0xa: {  	[tilespmem:s2], [sflag:$0x1] =	stream.linear.gather [hbm4b:s3+s2], $0xA800, $0x38;
	[tilespmem:$0xCF80] =	vst v63  }
0xb: {  	_ =	swait.ge [sflag:s6], $0xA800  }
0xc: {  	[sflag:s6] =	ssyncset.done $0x0  }
0xd: {  	s9 =	simm.s32 $0x0;
	[sflag:s6] =	ssyncadd.s32 $0xFFFF5800  }
.LBB2_2:
0xe: {  	p0 =	sne.s32 s9, $0x9DC0  }
.Ltmp0:
0xf: {  	_ = 	snop;
	(pc) =	sbr.rel @p0 .LBB2_2-.Ltmp0, $3  }
0x10: {  	_ =	sdelay $0x1  }
0x11: {  	s10 =	sshra.s32 s9, $0x2  }
0x12: {  	s9 =	sadd.s32 $0x40, s9;
	[tilespmem:s10+$0xA800] =	vst v0  }
0x13: {  	s10 =	simm.s32 $0x0;
	s9 =	simm.s32 $0x200  }
.LBB2_4:
0x14: {  	p0 =	sne.s32 s9, $0x29E00;
	v2 =	vld [tilespmem:s10+$0x0];
	_ =	sdelay $0x3  }
.Ltmp1:
0x15: {  	(pc) =	sbr.rel @p0 .LBB2_4-.Ltmp1, $2  }
0x16: {  	_ =	sdelay $0x2  }
0x17: {  	s10 =	sshra.s32 s9, $0x2;
	s9 =	sadd.s32 $0x200, s9;
	[tilespmem:v2+s7+$0x0] =	vst.idx.add.f32.msk $0xffff, v1  }
0x18: {  	v2 =	vld [tilespmem:s10+$0x0];
	_ =	sdelay $0x5  }
0x19: {  	s8 =	sadd.s32 $0x1, s8  }
0x1a: {  	p0 =	sne.s32 s8, s5  }
.Ltmp2:
0x1b: {  	[tilespmem:v2+s7+$0x0] =	vst.idx.add.f32.msk $0xffff, v1;
	(pc) =	sbr.rel @p0 .LBB2_1-.Ltmp2, $4  }
0x1c: {  	[hbm4b:s4+s2] =	stream.linear.scatter [tilespmem:s7], [sflag:$0x1], $0x2780, $0x38;
	[tilespmem:$0xCF80] =	vst v63  }
0x1d: {  	_ =	swait.ge [sflag:s6], $0x2780  }
0x1e: {  	[sflag:s6] =	ssyncset.done $0x0  }
0x1f: {  	[sflag:s6] =	ssyncadd.s32 $0xFFFFD880  }
0x20: {  	_ =	sfence.sel $0x180000  }
0x21: {  	[bflag:$0x0] =	sbarrier.arrive $0xFFFF  }
0x22: {  	p0 =	sne.s32 s0, $0x0;
	_ =	strace $0x90000047  }
0x23: {  	s0 =	sadd.s32 @!p0 $0x100000, s1;
	[bflag:$0x2] =	sbarrier.arrive $0xFFFF  }
0x24: {  	[sflag:s0] =	ssyncadd.tile.s32 @!p0 $0x1;
	_ =	shalt  }
.Lfunc_end2:
_tile_overlayer_lowered:
.L_overlay_start_2:
0x25: {  	(tag) =	ssettag $0x2  }
0x26: {  	s0 =	rddreg [dreg:$0x0];
	s2 =	stileid.u32  }
0x27: {  	s1 =	rddreg [dreg:$0x1];
	p0 =	sne.s32 s2, $0x0  }
0x28: {  	s3 =	rddreg [dreg:$0x2];
	[bflag:$0x3] =	sbarrier.arrive $0xFFFF;
	s2 =	simm.s32 @!p0 $0x1C02  }
0x29: {  	[timem:s3], [sflag:s2] =	dma.local @!p0 [hbm:s0], s1  }
0x2a: {  	s0 =	simm.s32 @!p0 $0x2  }
0x2b: {  	_ =	swait.ge @!p0 [sflag:s0], s1  }
0x2c: {  	s1 =	ssub.s32 @!p0 $0x0, s1;
	[sflag:s0] =	ssyncset.done @!p0 $0x0  }
0x2d: {  	[sflag:s0] =	ssyncadd.s32 @!p0 s1  }
0x2e: {  	[bflag:$0x3] =	sbarrier.arrive $0xFFFF  }
0x2f: {  	_ =	shalt  }

</sc_bundles>
